<compile_context>
chip_gen: v7x
topology: tpu7x:2x2x1
jax: 0.10.2.dev20260603
libtpu: 0.0.44.dev20260713+nightly
codegen_flags: <defaults>
</compile_context>

<pallas_src>
import jax
import jax.numpy as jnp
import numpy as np
from jax import lax
from jax.experimental import pallas as pl
from jax.experimental.pallas import tpu as pltpu
from jax.experimental.pallas import tpu_sc as plsc

_NUM_STATES = 4096
_BATCH = 16
_MAX_LEN = 512
_TOTAL = 4352
_NC = 2
_NS = 16
_NT = 16
_SLOTS = 272
_NCHUNK = _SLOTS // 16
_LN2 = 0.6931471805599453
_SQRT2 = 1.4142135623730951


def _build_static():
    lengths = _MAX_LEN - np.arange(_BATCH) * 32
    bs = np.array([(lengths > t).sum() for t in range(_MAX_LEN)], dtype=np.int64)
    starts = np.concatenate([[0], np.cumsum(bs)])
    pairs = [(starts[k] + j, starts[k + 1] + j, j)
             for j in range(_BATCH) for k in range(lengths[j] - 1)]
    srcp = np.zeros((_NT, _SLOTS), np.int32)
    tgtp = np.zeros((_NT, _SLOTS), np.int32)
    seg = np.full((_NT, _SLOTS), -1, np.int32)
    counts = [_SLOTS] * (_NT - 1) + [_SLOTS - _BATCH]
    assert sum(counts) == len(pairs)
    it = iter(pairs)
    for w, n in enumerate(counts):
        for s in range(n):
            sp, tp, j = next(it)
            srcp[w, s] = sp
            tgtp[w, s] = tp
            seg[w, s] = j
    seg[_NT - 1, 256:272] = np.arange(_BATCH)
    return (srcp | (tgtp << 13) | ((seg + 1) << 26)).astype(np.int32)


_STAT = _build_static()


def _vlog(x):
    b = plsc.bitcast(x, jnp.int32)
    e = (b >> 23) - 127
    mb = (b & 0x007FFFFF) | 0x3F800000
    m = plsc.bitcast(mb, jnp.float32)
    big = m > _SQRT2
    m = jnp.where(big, m * 0.5, m)
    e = jnp.where(big, e + 1, e)
    z = (m - 1.0) / (m + 1.0)
    z2 = z * z
    poly = 1.0 + z2 * (1.0 / 3.0 + z2 * (0.2 + z2 * (1.0 / 7.0 + z2 * (1.0 / 9.0))))
    return e.astype(jnp.float32) * _LN2 + 2.0 * z * poly


def _sc_body(data_h, trans_h, init_h, stat_h, out_h,
             data_v, stat_v, idx_v, idxb_v, idx3_v, vals_v, valsb_v, vals3_v,
             dvec_v, ivals_v, acc_v, part_v, res_v, shared_sh, sem):
    cid = lax.axis_index("c")
    sid = lax.axis_index("s")

    @pl.when(cid == 0)
    def _work():
        with jax.named_scope("stage"):
            d_data = pltpu.async_copy(data_h, data_v, sem)
            d_stat = pltpu.async_copy(stat_h.at[sid], stat_v, sem)
            d_data.wait()
            d_stat.wait()
        for c in range(_NCHUNK):
            packed = stat_v[pl.ds(c * 16, 16)]
            sp = packed & 0x1FFF
            tp = (packed >> 13) & 0x1FFF
            s = plsc.load_gather(data_v, [sp])
            t = plsc.load_gather(data_v, [tp])
            widx = ((s >> 3) << 15) | ((t >> 7) << 10) | ((s & 7) << 7) | (t & 127)
            if c < 8:
                idx_v[pl.ds(c * 16, 16)] = widx
            elif c < 16:
                idxb_v[pl.ds((c - 8) * 16, 16)] = widx
            else:
                idx3_v[...] = widx
        with jax.named_scope("gather"):
            g1 = pltpu.async_copy(trans_h.at[idx_v], vals_v, sem)
            g2 = pltpu.async_copy(trans_h.at[idxb_v], valsb_v, sem)
            g3 = pltpu.async_copy(trans_h.at[idx3_v], vals3_v, sem)

            @pl.when(sid == _NT - 1)
            def _initial():
                dvec_v[...] = data_v[pl.ds(0, 16)]
                pltpu.async_copy(init_h.at[dvec_v], ivals_v, sem).wait()

            g1.wait()
            g2.wait()
            g3.wait()

        @pl.when(sid == _NT - 1)
        def _patch():
            vals3_v[...] = ivals_v[...]

        with jax.named_scope("accum"):
            acc_v[...] = jnp.zeros((16,), jnp.float32)
            for c in range(_NCHUNK):
                if c < 8:
                    v = vals_v[pl.ds(c * 16, 16)]
                elif c < 16:
                    v = valsb_v[pl.ds((c - 8) * 16, 16)]
                else:
                    v = vals3_v[...]
                sg = ((stat_v[pl.ds(c * 16, 16)] >> 26) & 0x1F) - 1
                plsc.addupdate_scatter(acc_v, [sg], _vlog(v), mask=sg >= 0)
        with jax.named_scope("xreduce"):
            pltpu.sync_copy(acc_v, shared_sh.at[sid])
            plsc.subcore_barrier()

            @pl.when(sid == 0)
            def _finish():
                pltpu.sync_copy(shared_sh, part_v)
                total = part_v[0, :]
                for r in range(1, _NT):
                    total = total + part_v[r, :]
                mx = jnp.max(total, axis=0)
                t = jnp.sum(jnp.exp(total - mx), axis=0)
                t_vec = jnp.full((16,), t, jnp.float32)
                res_v[...] = -(mx + _vlog(t_vec))
                pltpu.sync_copy(res_v, out_h)


_sc_fused = pl.kernel(
    _sc_body,
    out_type=jax.ShapeDtypeStruct((16,), jnp.float32),
    mesh=plsc.VectorSubcoreMesh(core_axis_name="c", subcore_axis_name="s",
                                num_cores=_NC, num_subcores=_NS),
    compiler_params=pltpu.CompilerParams(needs_layout_passes=False),
    scratch_types=[
        pltpu.VMEM((_TOTAL,), jnp.int32),
        pltpu.VMEM((_SLOTS,), jnp.int32),
        pltpu.VMEM((128,), jnp.int32),
        pltpu.VMEM((128,), jnp.int32),
        pltpu.VMEM((16,), jnp.int32),
        pltpu.VMEM((128,), jnp.float32),
        pltpu.VMEM((128,), jnp.float32),
        pltpu.VMEM((16,), jnp.float32),
        pltpu.VMEM((16,), jnp.int32),
        pltpu.VMEM((16,), jnp.float32),
        pltpu.VMEM((16,), jnp.float32),
        pltpu.VMEM((_NT, 16), jnp.float32),
        pltpu.VMEM((16,), jnp.float32),
        pltpu.VMEM_SHARED((_NT, 16), jnp.float32),
        pltpu.SemaphoreType.DMA,
    ],
)


def kernel(data, batch_sizes, initial_probs, transition_probs):
    del batch_sizes
    trans_tiled = (transition_probs
                   .reshape(_NUM_STATES // 8, 8, _NUM_STATES // 128, 128)
                   .transpose(0, 2, 1, 3)
                   .reshape(-1))
    out = _sc_fused(data, trans_tiled, initial_probs, _STAT)
    return out[0]

# --- scband reference (transcript-rebuilt; emitter-appended) ---
"""Pipeline reference for scband-markov-model-55834574848159 (READ-ONLY COPY).

The authoritative reference and input builder live on the scoring server;
editing this copy changes nothing except your own understanding.
"""

import jax, jax.numpy as jnp
import numpy as np

NUM_STATES = 4096
BATCH = 16
MAX_LEN = 512


def _make_lengths():
    # descending ragged lengths: 512, 480, ..., 32 (sum = 4352)
    return MAX_LEN - np.arange(BATCH) * 32


def setup_inputs(seed: int = 0) -> dict:
    key = jax.random.key(seed)
    k1, k2, k3 = jax.random.split(key, 3)
    lengths = _make_lengths()
    total = int(lengths.sum())  # 4352
    # PackedSequence batch_sizes: number of active sequences at each timestep
    batch_sizes = np.array([(lengths > t).sum() for t in range(int(lengths.max()))], dtype=np.int64)
    data = jax.random.randint(k1, (total,), 0, NUM_STATES, dtype=jnp.int32)
    initial_probs = jax.random.uniform(k2, (NUM_STATES,), dtype=jnp.float32)
    initial_probs = initial_probs / initial_probs.sum()
    transition_probs = jax.random.uniform(k3, (NUM_STATES, NUM_STATES), dtype=jnp.float32)
    transition_probs = transition_probs / transition_probs.sum(1, keepdims=True)
    return {
        "data": data,
        "batch_sizes": jnp.asarray(batch_sizes),
        "initial_probs": initial_probs,
        "transition_probs": transition_probs,
    }


def reference(data, batch_sizes, initial_probs, transition_probs):
    # Faithful translation of MarkovModel.forward on a PackedSequence.
    lengths = _make_lengths()
    bs = np.array([(lengths > t).sum() for t in range(int(lengths.max()))], dtype=np.int64)
    num_sequences = int(bs[0])
    total = int(data.shape[0])
    log_likeli = jnp.log(initial_probs[data[:num_sequences]])
    lane = np.arange(num_sequences)
    src_idx = np.zeros((len(bs) - 1, num_sequences), dtype=np.int32)
    tgt_idx = np.zeros((len(bs) - 1, num_sequences), dtype=np.int32)
    offset = num_sequences
    for i in range(1, len(bs)):
        prev_size = int(bs[i - 1])
        size = int(bs[i])
        src_idx[i - 1] = np.clip(offset - prev_size + lane, 0, total - 1)
        tgt_idx[i - 1] = np.clip(offset + lane, 0, total - 1)
        offset += size
    lane_j = jnp.arange(num_sequences)

    def step(carry, xs):
        src, tgt, size = xs
        mask = lane_j < size
        carry = carry + jnp.where(mask, jnp.log(transition_probs[data[src], data[tgt]]), 0.0)
        return carry, None

    log_likeli, _ = jax.lax.scan(
        step, log_likeli, (jnp.asarray(src_idx), jnp.asarray(tgt_idx), batch_sizes[1:])
    )
    return -jax.scipy.special.logsumexp(log_likeli, axis=-1).sum()

if __name__ == "__main__":
    import jax
    _d = setup_inputs()
    print(jax.jit(kernel)(*tuple(_d.values())))

</pallas_src>

<mosaic_0001>
#map = affine_map<(d0, d1) -> (0)>
#map1 = affine_map<(d0, d1) -> (0, 0)>
module attributes {stable_mosaic.version = 14 : i64} {
  func.func @_sc_body(%arg0: i32, %arg1: i32, %arg2: memref<4352xi32, #tpu.memory_space<hbm>>, %arg3: memref<16777216xf32, #tpu.memory_space<hbm>>, %arg4: memref<4096xf32, #tpu.memory_space<hbm>>, %arg5: memref<16x272xi32, #tpu.memory_space<hbm>>, %arg6: memref<16xf32, #tpu.memory_space<hbm>>, %arg7: memref<4352xi32, #tpu.memory_space<vmem>>, %arg8: memref<272xi32, #tpu.memory_space<vmem>>, %arg9: memref<128xi32, #tpu.memory_space<vmem>>, %arg10: memref<128xi32, #tpu.memory_space<vmem>>, %arg11: memref<16xi32, #tpu.memory_space<vmem>>, %arg12: memref<128xf32, #tpu.memory_space<vmem>>, %arg13: memref<128xf32, #tpu.memory_space<vmem>>, %arg14: memref<16xf32, #tpu.memory_space<vmem>>, %arg15: memref<16xi32, #tpu.memory_space<vmem>>, %arg16: memref<16xf32, #tpu.memory_space<vmem>>, %arg17: memref<16xf32, #tpu.memory_space<vmem>>, %arg18: memref<16x16xf32, #tpu.memory_space<vmem>>, %arg19: memref<16xf32, #tpu.memory_space<vmem>>, %arg20: memref<16x16xf32, #tpu.memory_space<vmem_shared>>, %arg21: memref<!tpu.dma_semaphore, #tpu.memory_space<semaphore_mem>>) attributes {dimension_semantics = [#tpu.dimension_semantics<core_parallel>, #tpu.dimension_semantics<subcore_parallel>], iteration_bounds = array<i64: 2, 16>, scalar_prefetch = 0 : i64, scratch_operands = 15 : i64, tpu.core_type = #tpu.core_type<sc_vector_subcore>, window_params = [{transform_indices = #map}, {transform_indices = #map}, {transform_indices = #map}, {transform_indices = #map1}, {transform_indices = #map}]} {
    %eq3A = arith.constant 0 : i32
    %eq3A_0 = arith.cmpi eq, %arg0, %eq3A : i32
    %convert_element_type3A = arith.extui %eq3A_0 : i1 to i32
    %cond3A = arith.constant 0 : i32
    %cond3A_1 = arith.cmpi ne, %convert_element_type3A, %cond3A : i32
    scf.if %cond3A_1 {
      "tpu.trace_start"() <{level = 10 : i32, message = "stage"}> : () -> ()
      tpu.enqueue_dma source(%arg2 : memref<4352xi32, #tpu.memory_space<hbm>>) target(%arg7 : memref<4352xi32, #tpu.memory_space<vmem>>) target_semaphore(%arg21 : memref<!tpu.dma_semaphore, #tpu.memory_space<semaphore_mem>>)
      %dma_start3A = arith.constant 0 : i32
      %dma_start3A_2 = tpu.memref_slice %arg5[%arg1, %dma_start3A] : memref<16x272xi32, #tpu.memory_space<hbm>> -> memref<1x272xi32, #tpu.memory_space<hbm>>
      %dma_start3A_3 = tpu.memref_squeeze %dma_start3A_2 : memref<1x272xi32, #tpu.memory_space<hbm>> -> memref<272xi32, #tpu.memory_space<hbm>>
      %dma_start3A_4 = arith.constant 0 : i32
      %dma_start3A_5 = tpu.memref_slice %arg5[%arg1, %dma_start3A_4] : memref<16x272xi32, #tpu.memory_space<hbm>> -> memref<1x272xi32, #tpu.memory_space<hbm>>
      %dma_start3A_6 = tpu.memref_squeeze %dma_start3A_5 : memref<1x272xi32, #tpu.memory_space<hbm>> -> memref<272xi32, #tpu.memory_space<hbm>>
      tpu.enqueue_dma source(%dma_start3A_6 : memref<272xi32, #tpu.memory_space<hbm>>) target(%arg8 : memref<272xi32, #tpu.memory_space<vmem>>) target_semaphore(%arg21 : memref<!tpu.dma_semaphore, #tpu.memory_space<semaphore_mem>>)
      tpu.wait_dma2 semaphore(%arg21 : memref<!tpu.dma_semaphore, #tpu.memory_space<semaphore_mem>>) src(%arg2 : memref<4352xi32, #tpu.memory_space<hbm>>) dst(%arg7 : memref<4352xi32, #tpu.memory_space<vmem>>)
      %dma_wait3A = arith.constant 0 : i32
      %dma_wait3A_7 = tpu.memref_slice %arg5[%arg1, %dma_wait3A] : memref<16x272xi32, #tpu.memory_space<hbm>> -> memref<1x272xi32, #tpu.memory_space<hbm>>
      %dma_wait3A_8 = tpu.memref_squeeze %dma_wait3A_7 : memref<1x272xi32, #tpu.memory_space<hbm>> -> memref<272xi32, #tpu.memory_space<hbm>>
      %dma_wait3A_9 = arith.constant 0 : i32
      %dma_wait3A_10 = tpu.memref_slice %arg5[%arg1, %dma_wait3A_9] : memref<16x272xi32, #tpu.memory_space<hbm>> -> memref<1x272xi32, #tpu.memory_space<hbm>>
      %dma_wait3A_11 = tpu.memref_squeeze %dma_wait3A_10 : memref<1x272xi32, #tpu.memory_space<hbm>> -> memref<272xi32, #tpu.memory_space<hbm>>
      tpu.wait_dma2 semaphore(%arg21 : memref<!tpu.dma_semaphore, #tpu.memory_space<semaphore_mem>>) src(%dma_wait3A_11 : memref<272xi32, #tpu.memory_space<hbm>>) dst(%arg8 : memref<272xi32, #tpu.memory_space<vmem>>)
      "tpu.trace_stop"() : () -> ()
      %get3A = arith.constant 0 : index
      %get3A_12 = tpu.vector_load %arg8[%get3A] {strides = array<i32>} : memref<272xi32, #tpu.memory_space<vmem>>, vector<16xi32>,
      %and3A = arith.constant 8191 : i32
      %and3A_13 = vector.broadcast %and3A : i32 to vector<16xi32>
      %and3A_14 = arith.andi %get3A_12, %and3A_13 : vector<16xi32>
      %shift_right_arithmetic3A = arith.constant 13 : i32
      %shift_right_arithmetic3A_15 = vector.broadcast %shift_right_arithmetic3A : i32 to vector<16xi32>
      %shift_right_arithmetic3A_16 = arith.shrsi %get3A_12, %shift_right_arithmetic3A_15 : vector<16xi32>
      %and3A_17 = arith.constant 8191 : i32
      %and3A_18 = vector.broadcast %and3A_17 : i32 to vector<16xi32>
      %and3A_19 = arith.andi %shift_right_arithmetic3A_16, %and3A_18 : vector<16xi32>
      %gather3A = tpu.vector_load_idx %arg7[%and3A_14] : memref<4352xi32, #tpu.memory_space<vmem>>[vector<16xi32>], vector<16xi32>,
      %gather3A_20 = tpu.vector_load_idx %arg7[%and3A_19] : memref<4352xi32, #tpu.memory_space<vmem>>[vector<16xi32>], vector<16xi32>,
      %shift_right_arithmetic3A_21 = arith.constant 3 : i32
      %shift_right_arithmetic3A_22 = vector.broadcast %shift_right_arithmetic3A_21 : i32 to vector<16xi32>
      %shift_right_arithmetic3A_23 = arith.shrsi %gather3A, %shift_right_arithmetic3A_22 : vector<16xi32>
      %shift_left3A = arith.constant 15 : i32
      %shift_left3A_24 = vector.broadcast %shift_left3A : i32 to vector<16xi32>
      %shift_left3A_25 = arith.shli %shift_right_arithmetic3A_23, %shift_left3A_24 : vector<16xi32>
      %shift_right_arithmetic3A_26 = arith.constant 7 : i32
      %shift_right_arithmetic3A_27 = vector.broadcast %shift_right_arithmetic3A_26 : i32 to vector<16xi32>
      %shift_right_arithmetic3A_28 = arith.shrsi %gather3A_20, %shift_right_arithmetic3A_27 : vector<16xi32>
      %shift_left3A_29 = arith.constant 10 : i32
      %shift_left3A_30 = vector.broadcast %shift_left3A_29 : i32 to vector<16xi32>
      %shift_left3A_31 = arith.shli %shift_right_arithmetic3A_28, %shift_left3A_30 : vector<16xi32>
      %or3A = arith.ori %shift_left3A_25, %shift_left3A_31 : vector<16xi32>
      %and3A_32 = arith.constant 7 : i32
      %and3A_33 = vector.broadcast %and3A_32 : i32 to vector<16xi32>
      %and3A_34 = arith.andi %gather3A, %and3A_33 : vector<16xi32>
      %shift_left3A_35 = arith.constant 7 : i32
      %shift_left3A_36 = vector.broadcast %shift_left3A_35 : i32 to vector<16xi32>
      %shift_left3A_37 = arith.shli %and3A_34, %shift_left3A_36 : vector<16xi32>
      %or3A_38 = arith.ori %or3A, %shift_left3A_37 : vector<16xi32>
      %and3A_39 = arith.constant 127 : i32
      %and3A_40 = vector.broadcast %and3A_39 : i32 to vector<16xi32>
      %and3A_41 = arith.andi %gather3A_20, %and3A_40 : vector<16xi32>
      %or3A_42 = arith.ori %or3A_38, %and3A_41 : vector<16xi32>
      %swap3A = arith.constant 0 : index
      %swap3A_43 = tpu.vector_load %arg9[%swap3A] {strides = array<i32>} : memref<128xi32, #tpu.memory_space<vmem>>, vector<16xi32>,
      tpu.vector_store %arg9[%swap3A], %or3A_42 {strides = array<i32>} : memref<128xi32, #tpu.memory_space<vmem>>, vector<16xi32>,
      %get3A_44 = arith.constant 16 : index
      %get3A_45 = tpu.vector_load %arg8[%get3A_44] {strides = array<i32>} : memref<272xi32, #tpu.memory_space<vmem>>, vector<16xi32>,
      %and3A_46 = arith.constant 8191 : i32
      %and3A_47 = vector.broadcast %and3A_46 : i32 to vector<16xi32>
      %and3A_48 = arith.andi %get3A_45, %and3A_47 : vector<16xi32>
      %shift_right_arithmetic3A_49 = arith.constant 13 : i32
      %shift_right_arithmetic3A_50 = vector.broadcast %shift_right_arithmetic3A_49 : i32 to vector<16xi32>
      %shift_right_arithmetic3A_51 = arith.shrsi %get3A_45, %shift_right_arithmetic3A_50 : vector<16xi32>
      %and3A_52 = arith.constant 8191 : i32
      %and3A_53 = vector.broadcast %and3A_52 : i32 to vector<16xi32>
      %and3A_54 = arith.andi %shift_right_arithmetic3A_51, %and3A_53 : vector<16xi32>
      %gather3A_55 = tpu.vector_load_idx %arg7[%and3A_48] : memref<4352xi32, #tpu.memory_space<vmem>>[vector<16xi32>], vector<16xi32>,
      %gather3A_56 = tpu.vector_load_idx %arg7[%and3A_54] : memref<4352xi32, #tpu.memory_space<vmem>>[vector<16xi32>], vector<16xi32>,
      %shift_right_arithmetic3A_57 = arith.constant 3 : i32
      %shift_right_arithmetic3A_58 = vector.broadcast %shift_right_arithmetic3A_57 : i32 to vector<16xi32>
      %shift_right_arithmetic3A_59 = arith.shrsi %gather3A_55, %shift_right_arithmetic3A_58 : vector<16xi32>
      %shift_left3A_60 = arith.constant 15 : i32
      %shift_left3A_61 = vector.broadcast %shift_left3A_60 : i32 to vector<16xi32>
      %shift_left3A_62 = arith.shli %shift_right_arithmetic3A_59, %shift_left3A_61 : vector<16xi32>
      %shift_right_arithmetic3A_63 = arith.constant 7 : i32
      %shift_right_arithmetic3A_64 = vector.broadcast %shift_right_arithmetic3A_63 : i32 to vector<16xi32>
      %shift_right_arithmetic3A_65 = arith.shrsi %gather3A_56, %shift_right_arithmetic3A_64 : vector<16xi32>
      %shift_left3A_66 = arith.constant 10 : i32
      %shift_left3A_67 = vector.broadcast %shift_left3A_66 : i32 to vector<16xi32>
      %shift_left3A_68 = arith.shli %shift_right_arithmetic3A_65, %shift_left3A_67 : vector<16xi32>
      %or3A_69 = arith.ori %shift_left3A_62, %shift_left3A_68 : vector<16xi32>
      %and3A_70 = arith.constant 7 : i32
      %and3A_71 = vector.broadcast %and3A_70 : i32 to vector<16xi32>
      %and3A_72 = arith.andi %gather3A_55, %and3A_71 : vector<16xi32>
      %shift_left3A_73 = arith.constant 7 : i32
      %shift_left3A_74 = vector.broadcast %shift_left3A_73 : i32 to vector<16xi32>
      %shift_left3A_75 = arith.shli %and3A_72, %shift_left3A_74 : vector<16xi32>
      %or3A_76 = arith.ori %or3A_69, %shift_left3A_75 : vector<16xi32>
      %and3A_77 = arith.constant 127 : i32
      %and3A_78 = vector.broadcast %and3A_77 : i32 to vector<16xi32>
      %and3A_79 = arith.andi %gather3A_56, %and3A_78 : vector<16xi32>
      %or3A_80 = arith.ori %or3A_76, %and3A_79 : vector<16xi32>
      %swap3A_81 = arith.constant 16 : index
      %swap3A_82 = tpu.vector_load %arg9[%swap3A_81] {strides = array<i32>} : memref<128xi32, #tpu.memory_space<vmem>>, vector<16xi32>,
      tpu.vector_store %arg9[%swap3A_81], %or3A_80 {strides = array<i32>} : memref<128xi32, #tpu.memory_space<vmem>>, vector<16xi32>,
      %get3A_83 = arith.constant 32 : index
      %get3A_84 = tpu.vector_load %arg8[%get3A_83] {strides = array<i32>} : memref<272xi32, #tpu.memory_space<vmem>>, vector<16xi32>,
      %and3A_85 = arith.constant 8191 : i32
      %and3A_86 = vector.broadcast %and3A_85 : i32 to vector<16xi32>
      %and3A_87 = arith.andi %get3A_84, %and3A_86 : vector<16xi32>
      %shift_right_arithmetic3A_88 = arith.constant 13 : i32
      %shift_right_arithmetic3A_89 = vector.broadcast %shift_right_arithmetic3A_88 : i32 to vector<16xi32>
      %shift_right_arithmetic3A_90 = arith.shrsi %get3A_84, %shift_right_arithmetic3A_89 : vector<16xi32>
      %and3A_91 = arith.constant 8191 : i32
      %and3A_92 = vector.broadcast %and3A_91 : i32 to vector<16xi32>
      %and3A_93 = arith.andi %shift_right_arithmetic3A_90, %and3A_92 : vector<16xi32>
      %gather3A_94 = tpu.vector_load_idx %arg7[%and3A_87] : memref<4352xi32, #tpu.memory_space<vmem>>[vector<16xi32>], vector<16xi32>,
      %gather3A_95 = tpu.vector_load_idx %arg7[%and3A_93] : memref<4352xi32, #tpu.memory_space<vmem>>[vector<16xi32>], vector<16xi32>,
      %shift_right_arithmetic3A_96 = arith.constant 3 : i32
      %shift_right_arithmetic3A_97 = vector.broadcast %shift_right_arithmetic3A_96 : i32 to vector<16xi32>
      %shift_right_arithmetic3A_98 = arith.shrsi %gather3A_94, %shift_right_arithmetic3A_97 : vector<16xi32>
      %shift_left3A_99 = arith.constant 15 : i32
      %shift_left3A_100 = vector.broadcast %shift_left3A_99 : i32 to vector<16xi32>
      %shift_left3A_101 = arith.shli %shift_right_arithmetic3A_98, %shift_left3A_100 : vector<16xi32>
      %shift_right_arithmetic3A_102 = arith.constant 7 : i32
      %shift_right_arithmetic3A_103 = vector.broadcast %shift_right_arithmetic3A_102 : i32 to vector<16xi32>
      %shift_right_arithmetic3A_104 = arith.shrsi %gather3A_95, %shift_right_arithmetic3A_103 : vector<16xi32>
      %shift_left3A_105 = arith.constant 10 : i32
      %shift_left3A_106 = vector.broadcast %shift_left3A_105 : i32 to vector<16xi32>
      %shift_left3A_107 = arith.shli %shift_right_arithmetic3A_104, %shift_left3A_106 : vector<16xi32>
      %or3A_108 = arith.ori %shift_left3A_101, %shift_left3A_107 : vector<16xi32>
      %and3A_109 = arith.constant 7 : i32
      %and3A_110 = vector.broadcast %and3A_109 : i32 to vector<16xi32>
      %and3A_111 = arith.andi %gather3A_94, %and3A_110 : vector<16xi32>
      %shift_left3A_112 = arith.constant 7 : i32
      %shift_left3A_113 = vector.broadcast %shift_left3A_112 : i32 to vector<16xi32>
      %shift_left3A_114 = arith.shli %and3A_111, %shift_left3A_113 : vector<16xi32>
      %or3A_115 = arith.ori %or3A_108, %shift_left3A_114 : vector<16xi32>
      %and3A_116 = arith.constant 127 : i32
      %and3A_117 = vector.broadcast %and3A_116 : i32 to vector<16xi32>
      %and3A_118 = arith.andi %gather3A_95, %and3A_117 : vector<16xi32>
      %or3A_119 = arith.ori %or3A_115, %and3A_118 : vector<16xi32>
      %swap3A_120 = arith.constant 32 : index
      %swap3A_121 = tpu.vector_load %arg9[%swap3A_120] {strides = array<i32>} : memref<128xi32, #tpu.memory_space<vmem>>, vector<16xi32>,
      tpu.vector_store %arg9[%swap3A_120], %or3A_119 {strides = array<i32>} : memref<128xi32, #tpu.memory_space<vmem>>, vector<16xi32>,
      %get3A_122 = arith.constant 48 : index
      %get3A_123 = tpu.vector_load %arg8[%get3A_122] {strides = array<i32>} : memref<272xi32, #tpu.memory_space<vmem>>, vector<16xi32>,
      %and3A_124 = arith.constant 8191 : i32
      %and3A_125 = vector.broadcast %and3A_124 : i32 to vector<16xi32>
      %and3A_126 = arith.andi %get3A_123, %and3A_125 : vector<16xi32>
      %shift_right_arithmetic3A_127 = arith.constant 13 : i32
      %shift_right_arithmetic3A_128 = vector.broadcast %shift_right_arithmetic3A_127 : i32 to vector<16xi32>
      %shift_right_arithmetic3A_129 = arith.shrsi %get3A_123, %shift_right_arithmetic3A_128 : vector<16xi32>
      %and3A_130 = arith.constant 8191 : i32
      %and3A_131 = vector.broadcast %and3A_130 : i32 to vector<16xi32>
      %and3A_132 = arith.andi %shift_right_arithmetic3A_129, %and3A_131 : vector<16xi32>
      %gather3A_133 = tpu.vector_load_idx %arg7[%and3A_126] : memref<4352xi32, #tpu.memory_space<vmem>>[vector<16xi32>], vector<16xi32>,
      %gather3A_134 = tpu.vector_load_idx %arg7[%and3A_132] : memref<4352xi32, #tpu.memory_space<vmem>>[vector<16xi32>], vector<16xi32>,
      %shift_right_arithmetic3A_135 = arith.constant 3 : i32
      %shift_right_arithmetic3A_136 = vector.broadcast %shift_right_arithmetic3A_135 : i32 to vector<16xi32>
      %shift_right_arithmetic3A_137 = arith.shrsi %gather3A_133, %shift_right_arithmetic3A_136 : vector<16xi32>
      %shift_left3A_138 = arith.constant 15 : i32
      %shift_left3A_139 = vector.broadcast %shift_left3A_138 : i32 to vector<16xi32>
      %shift_left3A_140 = arith.shli %shift_right_arithmetic3A_137, %shift_left3A_139 : vector<16xi32>
      %shift_right_arithmetic3A_141 = arith.constant 7 : i32
      %shift_right_arithmetic3A_142 = vector.broadcast %shift_right_arithmetic3A_141 : i32 to vector<16xi32>
      %shift_right_arithmetic3A_143 = arith.shrsi %gather3A_134, %shift_right_arithmetic3A_142 : vector<16xi32>
      %shift_left3A_144 = arith.constant 10 : i32
      %shift_left3A_145 = vector.broadcast %shift_left3A_144 : i32 to vector<16xi32>
      %shift_left3A_146 = arith.shli %shift_right_arithmetic3A_143, %shift_left3A_145 : vector<16xi32>
      %or3A_147 = arith.ori %shift_left3A_140, %shift_left3A_146 : vector<16xi32>
      %and3A_148 = arith.constant 7 : i32
      %and3A_149 = vector.broadcast %and3A_148 : i32 to vector<16xi32>
      %and3A_150 = arith.andi %gather3A_133, %and3A_149 : vector<16xi32>
      %shift_left3A_151 = arith.constant 7 : i32
      %shift_left3A_152 = vector.broadcast %shift_left3A_151 : i32 to vector<16xi32>
      %shift_left3A_153 = arith.shli %and3A_150, %shift_left3A_152 : vector<16xi32>
      %or3A_154 = arith.ori %or3A_147, %shift_left3A_153 : vector<16xi32>
      %and3A_155 = arith.constant 127 : i32
      %and3A_156 = vector.broadcast %and3A_155 : i32 to vector<16xi32>
      %and3A_157 = arith.andi %gather3A_134, %and3A_156 : vector<16xi32>
      %or3A_158 = arith.ori %or3A_154, %and3A_157 : vector<16xi32>
      %swap3A_159 = arith.constant 48 : index
      %swap3A_160 = tpu.vector_load %arg9[%swap3A_159] {strides = array<i32>} : memref<128xi32, #tpu.memory_space<vmem>>, vector<16xi32>,
      tpu.vector_store %arg9[%swap3A_159], %or3A_158 {strides = array<i32>} : memref<128xi32, #tpu.memory_space<vmem>>, vector<16xi32>,
      %get3A_161 = arith.constant 64 : index
      %get3A_162 = tpu.vector_load %arg8[%get3A_161] {strides = array<i32>} : memref<272xi32, #tpu.memory_space<vmem>>, vector<16xi32>,
      %and3A_163 = arith.constant 8191 : i32
      %and3A_164 = vector.broadcast %and3A_163 : i32 to vector<16xi32>
      %and3A_165 = arith.andi %get3A_162, %and3A_164 : vector<16xi32>
      %shift_right_arithmetic3A_166 = arith.constant 13 : i32
      %shift_right_arithmetic3A_167 = vector.broadcast %shift_right_arithmetic3A_166 : i32 to vector<16xi32>
      %shift_right_arithmetic3A_168 = arith.shrsi %get3A_162, %shift_right_arithmetic3A_167 : vector<16xi32>
      %and3A_169 = arith.constant 8191 : i32
      %and3A_170 = vector.broadcast %and3A_169 : i32 to vector<16xi32>
      %and3A_171 = arith.andi %shift_right_arithmetic3A_168, %and3A_170 : vector<16xi32>
      %gather3A_172 = tpu.vector_load_idx %arg7[%and3A_165] : memref<4352xi32, #tpu.memory_space<vmem>>[vector<16xi32>], vector<16xi32>,
      %gather3A_173 = tpu.vector_load_idx %arg7[%and3A_171] : memref<4352xi32, #tpu.memory_space<vmem>>[vector<16xi32>], vector<16xi32>,
      %shift_right_arithmetic3A_174 = arith.constant 3 : i32
      %shift_right_arithmetic3A_175 = vector.broadcast %shift_right_arithmetic3A_174 : i32 to vector<16xi32>
      %shift_right_arithmetic3A_176 = arith.shrsi %gather3A_172, %shift_right_arithmetic3A_175 : vector<16xi32>
      %shift_left3A_177 = arith.constant 15 : i32
      %shift_left3A_178 = vector.broadcast %shift_left3A_177 : i32 to vector<16xi32>
      %shift_left3A_179 = arith.shli %shift_right_arithmetic3A_176, %shift_left3A_178 : vector<16xi32>
      %shift_right_arithmetic3A_180 = arith.constant 7 : i32
      %shift_right_arithmetic3A_181 = vector.broadcast %shift_right_arithmetic3A_180 : i32 to vector<16xi32>
      %shift_right_arithmetic3A_182 = arith.shrsi %gather3A_173, %shift_right_arithmetic3A_181 : vector<16xi32>
      %shift_left3A_183 = arith.constant 10 : i32
      %shift_left3A_184 = vector.broadcast %shift_left3A_183 : i32 to vector<16xi32>
      %shift_left3A_185 = arith.shli %shift_right_arithmetic3A_182, %shift_left3A_184 : vector<16xi32>
      %or3A_186 = arith.ori %shift_left3A_179, %shift_left3A_185 : vector<16xi32>
      %and3A_187 = arith.constant 7 : i32
      %and3A_188 = vector.broadcast %and3A_187 : i32 to vector<16xi32>
      %and3A_189 = arith.andi %gather3A_172, %and3A_188 : vector<16xi32>
      %shift_left3A_190 = arith.constant 7 : i32
      %shift_left3A_191 = vector.broadcast %shift_left3A_190 : i32 to vector<16xi32>
      %shift_left3A_192 = arith.shli %and3A_189, %shift_left3A_191 : vector<16xi32>
      %or3A_193 = arith.ori %or3A_186, %shift_left3A_192 : vector<16xi32>
      %and3A_194 = arith.constant 127 : i32
      %and3A_195 = vector.broadcast %and3A_194 : i32 to vector<16xi32>
      %and3A_196 = arith.andi %gather3A_173, %and3A_195 : vector<16xi32>
      %or3A_197 = arith.ori %or3A_193, %and3A_196 : vector<16xi32>
      %swap3A_198 = arith.constant 64 : index
      %swap3A_199 = tpu.vector_load %arg9[%swap3A_198] {strides = array<i32>} : memref<128xi32, #tpu.memory_space<vmem>>, vector<16xi32>,
      tpu.vector_store %arg9[%swap3A_198], %or3A_197 {strides = array<i32>} : memref<128xi32, #tpu.memory_space<vmem>>, vector<16xi32>,
      %get3A_200 = arith.constant 80 : index
      %get3A_201 = tpu.vector_load %arg8[%get3A_200] {strides = array<i32>} : memref<272xi32, #tpu.memory_space<vmem>>, vector<16xi32>,
      %and3A_202 = arith.constant 8191 : i32
      %and3A_203 = vector.broadcast %and3A_202 : i32 to vector<16xi32>
      %and3A_204 = arith.andi %get3A_201, %and3A_203 : vector<16xi32>
      %shift_right_arithmetic3A_205 = arith.constant 13 : i32
      %shift_right_arithmetic3A_206 = vector.broadcast %shift_right_arithmetic3A_205 : i32 to vector<16xi32>
      %shift_right_arithmetic3A_207 = arith.shrsi %get3A_201, %shift_right_arithmetic3A_206 : vector<16xi32>
      %and3A_208 = arith.constant 8191 : i32
      %and3A_209 = vector.broadcast %and3A_208 : i32 to vector<16xi32>
      %and3A_210 = arith.andi %shift_right_arithmetic3A_207, %and3A_209 : vector<16xi32>
      %gather3A_211 = tpu.vector_load_idx %arg7[%and3A_204] : memref<4352xi32, #tpu.memory_space<vmem>>[vector<16xi32>], vector<16xi32>,
      %gather3A_212 = tpu.vector_load_idx %arg7[%and3A_210] : memref<4352xi32, #tpu.memory_space<vmem>>[vector<16xi32>], vector<16xi32>,
      %shift_right_arithmetic3A_213 = arith.constant 3 : i32
      %shift_right_arithmetic3A_214 = vector.broadcast %shift_right_arithmetic3A_213 : i32 to vector<16xi32>
      %shift_right_arithmetic3A_215 = arith.shrsi %gather3A_211, %shift_right_arithmetic3A_214 : vector<16xi32>
      %shift_left3A_216 = arith.constant 15 : i32
      %shift_left3A_217 = vector.broadcast %shift_left3A_216 : i32 to vector<16xi32>
      %shift_left3A_218 = arith.shli %shift_right_arithmetic3A_215, %shift_left3A_217 : vector<16xi32>
      %shift_right_arithmetic3A_219 = arith.constant 7 : i32
      %shift_right_arithmetic3A_220 = vector.broadcast %shift_right_arithmetic3A_219 : i32 to vector<16xi32>
      %shift_right_arithmetic3A_221 = arith.shrsi %gather3A_212, %shift_right_arithmetic3A_220 : vector<16xi32>
      %shift_left3A_222 = arith.constant 10 : i32
      %shift_left3A_223 = vector.broadcast %shift_left3A_222 : i32 to vector<16xi32>
      %shift_left3A_224 = arith.shli %shift_right_arithmetic3A_221, %shift_left3A_223 : vector<16xi32>
      %or3A_225 = arith.ori %shift_left3A_218, %shift_left3A_224 : vector<16xi32>
      %and3A_226 = arith.constant 7 : i32
      %and3A_227 = vector.broadcast %and3A_226 : i32 to vector<16xi32>
      %and3A_228 = arith.andi %gather3A_211, %and3A_227 : vector<16xi32>
      %shift_left3A_229 = arith.constant 7 : i32
      %shift_left3A_230 = vector.broadcast %shift_left3A_229 : i32 to vector<16xi32>
      %shift_left3A_231 = arith.shli %and3A_228, %shift_left3A_230 : vector<16xi32>
      %or3A_232 = arith.ori %or3A_225, %shift_left3A_231 : vector<16xi32>
      %and3A_233 = arith.constant 127 : i32
      %and3A_234 = vector.broadcast %and3A_233 : i32 to vector<16xi32>
      %and3A_235 = arith.andi %gather3A_212, %and3A_234 : vector<16xi32>
      %or3A_236 = arith.ori %or3A_232, %and3A_235 : vector<16xi32>
      %swap3A_237 = arith.constant 80 : index
      %swap3A_238 = tpu.vector_load %arg9[%swap3A_237] {strides = array<i32>} : memref<128xi32, #tpu.memory_space<vmem>>, vector<16xi32>,
      tpu.vector_store %arg9[%swap3A_237], %or3A_236 {strides = array<i32>} : memref<128xi32, #tpu.memory_space<vmem>>, vector<16xi32>,
      %get3A_239 = arith.constant 96 : index
      %get3A_240 = tpu.vector_load %arg8[%get3A_239] {strides = array<i32>} : memref<272xi32, #tpu.memory_space<vmem>>, vector<16xi32>,
      %and3A_241 = arith.constant 8191 : i32
      %and3A_242 = vector.broadcast %and3A_241 : i32 to vector<16xi32>
      %and3A_243 = arith.andi %get3A_240, %and3A_242 : vector<16xi32>
      %shift_right_arithmetic3A_244 = arith.constant 13 : i32
      %shift_right_arithmetic3A_245 = vector.broadcast %shift_right_arithmetic3A_244 : i32 to vector<16xi32>
      %shift_right_arithmetic3A_246 = arith.shrsi %get3A_240, %shift_right_arithmetic3A_245 : vector<16xi32>
      %and3A_247 = arith.constant 8191 : i32
      %and3A_248 = vector.broadcast %and3A_247 : i32 to vector<16xi32>
      %and3A_249 = arith.andi %shift_right_arithmetic3A_246, %and3A_248 : vector<16xi32>
      %gather3A_250 = tpu.vector_load_idx %arg7[%and3A_243] : memref<4352xi32, #tpu.memory_space<vmem>>[vector<16xi32>], vector<16xi32>,
      %gather3A_251 = tpu.vector_load_idx %arg7[%and3A_249] : memref<4352xi32, #tpu.memory_space<vmem>>[vector<16xi32>], vector<16xi32>,
      %shift_right_arithmetic3A_252 = arith.constant 3 : i32
      %shift_right_arithmetic3A_253 = vector.broadcast %shift_right_arithmetic3A_252 : i32 to vector<16xi32>
      %shift_right_arithmetic3A_254 = arith.shrsi %gather3A_250, %shift_right_arithmetic3A_253 : vector<16xi32>
      %shift_left3A_255 = arith.constant 15 : i32
      %shift_left3A_256 = vector.broadcast %shift_left3A_255 : i32 to vector<16xi32>
      %shift_left3A_257 = arith.shli %shift_right_arithmetic3A_254, %shift_left3A_256 : vector<16xi32>
      %shift_right_arithmetic3A_258 = arith.constant 7 : i32
      %shift_right_arithmetic3A_259 = vector.broadcast %shift_right_arithmetic3A_258 : i32 to vector<16xi32>
      %shift_right_arithmetic3A_260 = arith.shrsi %gather3A_251, %shift_right_arithmetic3A_259 : vector<16xi32>
      %shift_left3A_261 = arith.constant 10 : i32
      %shift_left3A_262 = vector.broadcast %shift_left3A_261 : i32 to vector<16xi32>
      %shift_left3A_263 = arith.shli %shift_right_arithmetic3A_260, %shift_left3A_262 : vector<16xi32>
      %or3A_264 = arith.ori %shift_left3A_257, %shift_left3A_263 : vector<16xi32>
      %and3A_265 = arith.constant 7 : i32
      %and3A_266 = vector.broadcast %and3A_265 : i32 to vector<16xi32>
      %and3A_267 = arith.andi %gather3A_250, %and3A_266 : vector<16xi32>
      %shift_left3A_268 = arith.constant 7 : i32
      %shift_left3A_269 = vector.broadcast %shift_left3A_268 : i32 to vector<16xi32>
      %shift_left3A_270 = arith.shli %and3A_267, %shift_left3A_269 : vector<16xi32>
      %or3A_271 = arith.ori %or3A_264, %shift_left3A_270 : vector<16xi32>
      %and3A_272 = arith.constant 127 : i32
      %and3A_273 = vector.broadcast %and3A_272 : i32 to vector<16xi32>
      %and3A_274 = arith.andi %gather3A_251, %and3A_273 : vector<16xi32>
      %or3A_275 = arith.ori %or3A_271, %and3A_274 : vector<16xi32>
      %swap3A_276 = arith.constant 96 : index
      %swap3A_277 = tpu.vector_load %arg9[%swap3A_276] {strides = array<i32>} : memref<128xi32, #tpu.memory_space<vmem>>, vector<16xi32>,
      tpu.vector_store %arg9[%swap3A_276], %or3A_275 {strides = array<i32>} : memref<128xi32, #tpu.memory_space<vmem>>, vector<16xi32>,
      %get3A_278 = arith.constant 112 : index
      %get3A_279 = tpu.vector_load %arg8[%get3A_278] {strides = array<i32>} : memref<272xi32, #tpu.memory_space<vmem>>, vector<16xi32>,
      %and3A_280 = arith.constant 8191 : i32
      %and3A_281 = vector.broadcast %and3A_280 : i32 to vector<16xi32>
      %and3A_282 = arith.andi %get3A_279, %and3A_281 : vector<16xi32>
      %shift_right_arithmetic3A_283 = arith.constant 13 : i32
      %shift_right_arithmetic3A_284 = vector.broadcast %shift_right_arithmetic3A_283 : i32 to vector<16xi32>
      %shift_right_arithmetic3A_285 = arith.shrsi %get3A_279, %shift_right_arithmetic3A_284 : vector<16xi32>
      %and3A_286 = arith.constant 8191 : i32
      %and3A_287 = vector.broadcast %and3A_286 : i32 to vector<16xi32>
      %and3A_288 = arith.andi %shift_right_arithmetic3A_285, %and3A_287 : vector<16xi32>
      %gather3A_289 = tpu.vector_load_idx %arg7[%and3A_282] : memref<4352xi32, #tpu.memory_space<vmem>>[vector<16xi32>], vector<16xi32>,
      %gather3A_290 = tpu.vector_load_idx %arg7[%and3A_288] : memref<4352xi32, #tpu.memory_space<vmem>>[vector<16xi32>], vector<16xi32>,
      %shift_right_arithmetic3A_291 = arith.constant 3 : i32
      %shift_right_arithmetic3A_292 = vector.broadcast %shift_right_arithmetic3A_291 : i32 to vector<16xi32>
      %shift_right_arithmetic3A_293 = arith.shrsi %gather3A_289, %shift_right_arithmetic3A_292 : vector<16xi32>
      %shift_left3A_294 = arith.constant 15 : i32
      %shift_left3A_295 = vector.broadcast %shift_left3A_294 : i32 to vector<16xi32>
      %shift_left3A_296 = arith.shli %shift_right_arithmetic3A_293, %shift_left3A_295 : vector<16xi32>
      %shift_right_arithmetic3A_297 = arith.constant 7 : i32
      %shift_right_arithmetic3A_298 = vector.broadcast %shift_right_arithmetic3A_297 : i32 to vector<16xi32>
      %shift_right_arithmetic3A_299 = arith.shrsi %gather3A_290, %shift_right_arithmetic3A_298 : vector<16xi32>
      %shift_left3A_300 = arith.constant 10 : i32
      %shift_left3A_301 = vector.broadcast %shift_left3A_300 : i32 to vector<16xi32>
      %shift_left3A_302 = arith.shli %shift_right_arithmetic3A_299, %shift_left3A_301 : vector<16xi32>
      %or3A_303 = arith.ori %shift_left3A_296, %shift_left3A_302 : vector<16xi32>
      %and3A_304 = arith.constant 7 : i32
      %and3A_305 = vector.broadcast %and3A_304 : i32 to vector<16xi32>
      %and3A_306 = arith.andi %gather3A_289, %and3A_305 : vector<16xi32>
      %shift_left3A_307 = arith.constant 7 : i32
      %shift_left3A_308 = vector.broadcast %shift_left3A_307 : i32 to vector<16xi32>
      %shift_left3A_309 = arith.shli %and3A_306, %shift_left3A_308 : vector<16xi32>
      %or3A_310 = arith.ori %or3A_303, %shift_left3A_309 : vector<16xi32>
      %and3A_311 = arith.constant 127 : i32
      %and3A_312 = vector.broadcast %and3A_311 : i32 to vector<16xi32>
      %and3A_313 = arith.andi %gather3A_290, %and3A_312 : vector<16xi32>
      %or3A_314 = arith.ori %or3A_310, %and3A_313 : vector<16xi32>
      %swap3A_315 = arith.constant 112 : index
      %swap3A_316 = tpu.vector_load %arg9[%swap3A_315] {strides = array<i32>} : memref<128xi32, #tpu.memory_space<vmem>>, vector<16xi32>,
      tpu.vector_store %arg9[%swap3A_315], %or3A_314 {strides = array<i32>} : memref<128xi32, #tpu.memory_space<vmem>>, vector<16xi32>,
      %get3A_317 = arith.constant 128 : index
      %get3A_318 = tpu.vector_load %arg8[%get3A_317] {strides = array<i32>} : memref<272xi32, #tpu.memory_space<vmem>>, vector<16xi32>,
      %and3A_319 = arith.constant 8191 : i32
      %and3A_320 = vector.broadcast %and3A_319 : i32 to vector<16xi32>
      %and3A_321 = arith.andi %get3A_318, %and3A_320 : vector<16xi32>
      %shift_right_arithmetic3A_322 = arith.constant 13 : i32
      %shift_right_arithmetic3A_323 = vector.broadcast %shift_right_arithmetic3A_322 : i32 to vector<16xi32>
      %shift_right_arithmetic3A_324 = arith.shrsi %get3A_318, %shift_right_arithmetic3A_323 : vector<16xi32>
      %and3A_325 = arith.constant 8191 : i32
      %and3A_326 = vector.broadcast %and3A_325 : i32 to vector<16xi32>
      %and3A_327 = arith.andi %shift_right_arithmetic3A_324, %and3A_326 : vector<16xi32>
      %gather3A_328 = tpu.vector_load_idx %arg7[%and3A_321] : memref<4352xi32, #tpu.memory_space<vmem>>[vector<16xi32>], vector<16xi32>,
      %gather3A_329 = tpu.vector_load_idx %arg7[%and3A_327] : memref<4352xi32, #tpu.memory_space<vmem>>[vector<16xi32>], vector<16xi32>,
      %shift_right_arithmetic3A_330 = arith.constant 3 : i32
      %shift_right_arithmetic3A_331 = vector.broadcast %shift_right_arithmetic3A_330 : i32 to vector<16xi32>
      %shift_right_arithmetic3A_332 = arith.shrsi %gather3A_328, %shift_right_arithmetic3A_331 : vector<16xi32>
      %shift_left3A_333 = arith.constant 15 : i32
      %shift_left3A_334 = vector.broadcast %shift_left3A_333 : i32 to vector<16xi32>
      %shift_left3A_335 = arith.shli %shift_right_arithmetic3A_332, %shift_left3A_334 : vector<16xi32>
      %shift_right_arithmetic3A_336 = arith.constant 7 : i32
      %shift_right_arithmetic3A_337 = vector.broadcast %shift_right_arithmetic3A_336 : i32 to vector<16xi32>
      %shift_right_arithmetic3A_338 = arith.shrsi %gather3A_329, %shift_right_arithmetic3A_337 : vector<16xi32>
      %shift_left3A_339 = arith.constant 10 : i32
      %shift_left3A_340 = vector.broadcast %shift_left3A_339 : i32 to vector<16xi32>
      %shift_left3A_341 = arith.shli %shift_right_arithmetic3A_338, %shift_left3A_340 : vector<16xi32>
      %or3A_342 = arith.ori %shift_left3A_335, %shift_left3A_341 : vector<16xi32>
      %and3A_343 = arith.constant 7 : i32
      %and3A_344 = vector.broadcast %and3A_343 : i32 to vector<16xi32>
      %and3A_345 = arith.andi %gather3A_328, %and3A_344 : vector<16xi32>
      %shift_left3A_346 = arith.constant 7 : i32
      %shift_left3A_347 = vector.broadcast %shift_left3A_346 : i32 to vector<16xi32>
      %shift_left3A_348 = arith.shli %and3A_345, %shift_left3A_347 : vector<16xi32>
      %or3A_349 = arith.ori %or3A_342, %shift_left3A_348 : vector<16xi32>
      %and3A_350 = arith.constant 127 : i32
      %and3A_351 = vector.broadcast %and3A_350 : i32 to vector<16xi32>
      %and3A_352 = arith.andi %gather3A_329, %and3A_351 : vector<16xi32>
      %or3A_353 = arith.ori %or3A_349, %and3A_352 : vector<16xi32>
      %swap3A_354 = arith.constant 0 : index
      %swap3A_355 = tpu.vector_load %arg10[%swap3A_354] {strides = array<i32>} : memref<128xi32, #tpu.memory_space<vmem>>, vector<16xi32>,
      tpu.vector_store %arg10[%swap3A_354], %or3A_353 {strides = array<i32>} : memref<128xi32, #tpu.memory_space<vmem>>, vector<16xi32>,
      %get3A_356 = arith.constant 144 : index
      %get3A_357 = tpu.vector_load %arg8[%get3A_356] {strides = array<i32>} : memref<272xi32, #tpu.memory_space<vmem>>, vector<16xi32>,
      %and3A_358 = arith.constant 8191 : i32
      %and3A_359 = vector.broadcast %and3A_358 : i32 to vector<16xi32>
      %and3A_360 = arith.andi %get3A_357, %and3A_359 : vector<16xi32>
      %shift_right_arithmetic3A_361 = arith.constant 13 : i32
      %shift_right_arithmetic3A_362 = vector.broadcast %shift_right_arithmetic3A_361 : i32 to vector<16xi32>
      %shift_right_arithmetic3A_363 = arith.shrsi %get3A_357, %shift_right_arithmetic3A_362 : vector<16xi32>
      %and3A_364 = arith.constant 8191 : i32
      %and3A_365 = vector.broadcast %and3A_364 : i32 to vector<16xi32>
      %and3A_366 = arith.andi %shift_right_arithmetic3A_363, %and3A_365 : vector<16xi32>
      %gather3A_367 = tpu.vector_load_idx %arg7[%and3A_360] : memref<4352xi32, #tpu.memory_space<vmem>>[vector<16xi32>], vector<16xi32>,
      %gather3A_368 = tpu.vector_load_idx %arg7[%and3A_366] : memref<4352xi32, #tpu.memory_space<vmem>>[vector<16xi32>], vector<16xi32>,
      %shift_right_arithmetic3A_369 = arith.constant 3 : i32
      %shift_right_arithmetic3A_370 = vector.broadcast %shift_right_arithmetic3A_369 : i32 to vector<16xi32>
      %shift_right_arithmetic3A_371 = arith.shrsi %gather3A_367, %shift_right_arithmetic3A_370 : vector<16xi32>
      %shift_left3A_372 = arith.constant 15 : i32
      %shift_left3A_373 = vector.broadcast %shift_left3A_372 : i32 to vector<16xi32>
      %shift_left3A_374 = arith.shli %shift_right_arithmetic3A_371, %shift_left3A_373 : vector<16xi32>
      %shift_right_arithmetic3A_375 = arith.constant 7 : i32
      %shift_right_arithmetic3A_376 = vector.broadcast %shift_right_arithmetic3A_375 : i32 to vector<16xi32>
      %shift_right_arithmetic3A_377 = arith.shrsi %gather3A_368, %shift_right_arithmetic3A_376 : vector<16xi32>
      %shift_left3A_378 = arith.constant 10 : i32
      %shift_left3A_379 = vector.broadcast %shift_left3A_378 : i32 to vector<16xi32>
      %shift_left3A_380 = arith.shli %shift_right_arithmetic3A_377, %shift_left3A_379 : vector<16xi32>
      %or3A_381 = arith.ori %shift_left3A_374, %shift_left3A_380 : vector<16xi32>
      %and3A_382 = arith.constant 7 : i32
      %and3A_383 = vector.broadcast %and3A_382 : i32 to vector<16xi32>
      %and3A_384 = arith.andi %gather3A_367, %and3A_383 : vector<16xi32>
      %shift_left3A_385 = arith.constant 7 : i32
      %shift_left3A_386 = vector.broadcast %shift_left3A_385 : i32 to vector<16xi32>
      %shift_left3A_387 = arith.shli %and3A_384, %shift_left3A_386 : vector<16xi32>
      %or3A_388 = arith.ori %or3A_381, %shift_left3A_387 : vector<16xi32>
      %and3A_389 = arith.constant 127 : i32
      %and3A_390 = vector.broadcast %and3A_389 : i32 to vector<16xi32>
      %and3A_391 = arith.andi %gather3A_368, %and3A_390 : vector<16xi32>
      %or3A_392 = arith.ori %or3A_388, %and3A_391 : vector<16xi32>
      %swap3A_393 = arith.constant 16 : index
      %swap3A_394 = tpu.vector_load %arg10[%swap3A_393] {strides = array<i32>} : memref<128xi32, #tpu.memory_space<vmem>>, vector<16xi32>,
      tpu.vector_store %arg10[%swap3A_393], %or3A_392 {strides = array<i32>} : memref<128xi32, #tpu.memory_space<vmem>>, vector<16xi32>,
      %get3A_395 = arith.constant 160 : index
      %get3A_396 = tpu.vector_load %arg8[%get3A_395] {strides = array<i32>} : memref<272xi32, #tpu.memory_space<vmem>>, vector<16xi32>,
      %and3A_397 = arith.constant 8191 : i32
      %and3A_398 = vector.broadcast %and3A_397 : i32 to vector<16xi32>
      %and3A_399 = arith.andi %get3A_396, %and3A_398 : vector<16xi32>
      %shift_right_arithmetic3A_400 = arith.constant 13 : i32
      %shift_right_arithmetic3A_401 = vector.broadcast %shift_right_arithmetic3A_400 : i32 to vector<16xi32>
      %shift_right_arithmetic3A_402 = arith.shrsi %get3A_396, %shift_right_arithmetic3A_401 : vector<16xi32>
      %and3A_403 = arith.constant 8191 : i32
      %and3A_404 = vector.broadcast %and3A_403 : i32 to vector<16xi32>
      %and3A_405 = arith.andi %shift_right_arithmetic3A_402, %and3A_404 : vector<16xi32>
      %gather3A_406 = tpu.vector_load_idx %arg7[%and3A_399] : memref<4352xi32, #tpu.memory_space<vmem>>[vector<16xi32>], vector<16xi32>,
      %gather3A_407 = tpu.vector_load_idx %arg7[%and3A_405] : memref<4352xi32, #tpu.memory_space<vmem>>[vector<16xi32>], vector<16xi32>,
      %shift_right_arithmetic3A_408 = arith.constant 3 : i32
      %shift_right_arithmetic3A_409 = vector.broadcast %shift_right_arithmetic3A_408 : i32 to vector<16xi32>
      %shift_right_arithmetic3A_410 = arith.shrsi %gather3A_406, %shift_right_arithmetic3A_409 : vector<16xi32>
      %shift_left3A_411 = arith.constant 15 : i32
      %shift_left3A_412 = vector.broadcast %shift_left3A_411 : i32 to vector<16xi32>
      %shift_left3A_413 = arith.shli %shift_right_arithmetic3A_410, %shift_left3A_412 : vector<16xi32>
      %shift_right_arithmetic3A_414 = arith.constant 7 : i32
      %shift_right_arithmetic3A_415 = vector.broadcast %shift_right_arithmetic3A_414 : i32 to vector<16xi32>
      %shift_right_arithmetic3A_416 = arith.shrsi %gather3A_407, %shift_right_arithmetic3A_415 : vector<16xi32>
      %shift_left3A_417 = arith.constant 10 : i32
      %shift_left3A_418 = vector.broadcast %shift_left3A_417 : i32 to vector<16xi32>
      %shift_left3A_419 = arith.shli %shift_right_arithmetic3A_416, %shift_left3A_418 : vector<16xi32>
      %or3A_420 = arith.ori %shift_left3A_413, %shift_left3A_419 : vector<16xi32>
      %and3A_421 = arith.constant 7 : i32
      %and3A_422 = vector.broadcast %and3A_421 : i32 to vector<16xi32>
      %and3A_423 = arith.andi %gather3A_406, %and3A_422 : vector<16xi32>
      %shift_left3A_424 = arith.constant 7 : i32
      %shift_left3A_425 = vector.broadcast %shift_left3A_424 : i32 to vector<16xi32>
      %shift_left3A_426 = arith.shli %and3A_423, %shift_left3A_425 : vector<16xi32>
      %or3A_427 = arith.ori %or3A_420, %shift_left3A_426 : vector<16xi32>
      %and3A_428 = arith.constant 127 : i32
      %and3A_429 = vector.broadcast %and3A_428 : i32 to vector<16xi32>
      %and3A_430 = arith.andi %gather3A_407, %and3A_429 : vector<16xi32>
      %or3A_431 = arith.ori %or3A_427, %and3A_430 : vector<16xi32>
      %swap3A_432 = arith.constant 32 : index
      %swap3A_433 = tpu.vector_load %arg10[%swap3A_432] {strides = array<i32>} : memref<128xi32, #tpu.memory_space<vmem>>, vector<16xi32>,
      tpu.vector_store %arg10[%swap3A_432], %or3A_431 {strides = array<i32>} : memref<128xi32, #tpu.memory_space<vmem>>, vector<16xi32>,
      %get3A_434 = arith.constant 176 : index
      %get3A_435 = tpu.vector_load %arg8[%get3A_434] {strides = array<i32>} : memref<272xi32, #tpu.memory_space<vmem>>, vector<16xi32>,
      %and3A_436 = arith.constant 8191 : i32
      %and3A_437 = vector.broadcast %and3A_436 : i32 to vector<16xi32>
      %and3A_438 = arith.andi %get3A_435, %and3A_437 : vector<16xi32>
      %shift_right_arithmetic3A_439 = arith.constant 13 : i32
      %shift_right_arithmetic3A_440 = vector.broadcast %shift_right_arithmetic3A_439 : i32 to vector<16xi32>
      %shift_right_arithmetic3A_441 = arith.shrsi %get3A_435, %shift_right_arithmetic3A_440 : vector<16xi32>
      %and3A_442 = arith.constant 8191 : i32
      %and3A_443 = vector.broadcast %and3A_442 : i32 to vector<16xi32>
      %and3A_444 = arith.andi %shift_right_arithmetic3A_441, %and3A_443 : vector<16xi32>
      %gather3A_445 = tpu.vector_load_idx %arg7[%and3A_438] : memref<4352xi32, #tpu.memory_space<vmem>>[vector<16xi32>], vector<16xi32>,
      %gather3A_446 = tpu.vector_load_idx %arg7[%and3A_444] : memref<4352xi32, #tpu.memory_space<vmem>>[vector<16xi32>], vector<16xi32>,
      %shift_right_arithmetic3A_447 = arith.constant 3 : i32
      %shift_right_arithmetic3A_448 = vector.broadcast %shift_right_arithmetic3A_447 : i32 to vector<16xi32>
      %shift_right_arithmetic3A_449 = arith.shrsi %gather3A_445, %shift_right_arithmetic3A_448 : vector<16xi32>
      %shift_left3A_450 = arith.constant 15 : i32
      %shift_left3A_451 = vector.broadcast %shift_left3A_450 : i32 to vector<16xi32>
      %shift_left3A_452 = arith.shli %shift_right_arithmetic3A_449, %shift_left3A_451 : vector<16xi32>
      %shift_right_arithmetic3A_453 = arith.constant 7 : i32
      %shift_right_arithmetic3A_454 = vector.broadcast %shift_right_arithmetic3A_453 : i32 to vector<16xi32>
      %shift_right_arithmetic3A_455 = arith.shrsi %gather3A_446, %shift_right_arithmetic3A_454 : vector<16xi32>
      %shift_left3A_456 = arith.constant 10 : i32
      %shift_left3A_457 = vector.broadcast %shift_left3A_456 : i32 to vector<16xi32>
      %shift_left3A_458 = arith.shli %shift_right_arithmetic3A_455, %shift_left3A_457 : vector<16xi32>
      %or3A_459 = arith.ori %shift_left3A_452, %shift_left3A_458 : vector<16xi32>
      %and3A_460 = arith.constant 7 : i32
      %and3A_461 = vector.broadcast %and3A_460 : i32 to vector<16xi32>
      %and3A_462 = arith.andi %gather3A_445, %and3A_461 : vector<16xi32>
      %shift_left3A_463 = arith.constant 7 : i32
      %shift_left3A_464 = vector.broadcast %shift_left3A_463 : i32 to vector<16xi32>
      %shift_left3A_465 = arith.shli %and3A_462, %shift_left3A_464 : vector<16xi32>
      %or3A_466 = arith.ori %or3A_459, %shift_left3A_465 : vector<16xi32>
      %and3A_467 = arith.constant 127 : i32
      %and3A_468 = vector.broadcast %and3A_467 : i32 to vector<16xi32>
      %and3A_469 = arith.andi %gather3A_446, %and3A_468 : vector<16xi32>
      %or3A_470 = arith.ori %or3A_466, %and3A_469 : vector<16xi32>
      %swap3A_471 = arith.constant 48 : index
      %swap3A_472 = tpu.vector_load %arg10[%swap3A_471] {strides = array<i32>} : memref<128xi32, #tpu.memory_space<vmem>>, vector<16xi32>,
      tpu.vector_store %arg10[%swap3A_471], %or3A_470 {strides = array<i32>} : memref<128xi32, #tpu.memory_space<vmem>>, vector<16xi32>,
      %get3A_473 = arith.constant 192 : index
      %get3A_474 = tpu.vector_load %arg8[%get3A_473] {strides = array<i32>} : memref<272xi32, #tpu.memory_space<vmem>>, vector<16xi32>,
      %and3A_475 = arith.constant 8191 : i32
      %and3A_476 = vector.broadcast %and3A_475 : i32 to vector<16xi32>
      %and3A_477 = arith.andi %get3A_474, %and3A_476 : vector<16xi32>
      %shift_right_arithmetic3A_478 = arith.constant 13 : i32
      %shift_right_arithmetic3A_479 = vector.broadcast %shift_right_arithmetic3A_478 : i32 to vector<16xi32>
      %shift_right_arithmetic3A_480 = arith.shrsi %get3A_474, %shift_right_arithmetic3A_479 : vector<16xi32>
      %and3A_481 = arith.constant 8191 : i32
      %and3A_482 = vector.broadcast %and3A_481 : i32 to vector<16xi32>
      %and3A_483 = arith.andi %shift_right_arithmetic3A_480, %and3A_482 : vector<16xi32>
      %gather3A_484 = tpu.vector_load_idx %arg7[%and3A_477] : memref<4352xi32, #tpu.memory_space<vmem>>[vector<16xi32>], vector<16xi32>,
      %gather3A_485 = tpu.vector_load_idx %arg7[%and3A_483] : memref<4352xi32, #tpu.memory_space<vmem>>[vector<16xi32>], vector<16xi32>,
      %shift_right_arithmetic3A_486 = arith.constant 3 : i32
      %shift_right_arithmetic3A_487 = vector.broadcast %shift_right_arithmetic3A_486 : i32 to vector<16xi32>
      %shift_right_arithmetic3A_488 = arith.shrsi %gather3A_484, %shift_right_arithmetic3A_487 : vector<16xi32>
      %shift_left3A_489 = arith.constant 15 : i32
      %shift_left3A_490 = vector.broadcast %shift_left3A_489 : i32 to vector<16xi32>
      %shift_left3A_491 = arith.shli %shift_right_arithmetic3A_488, %shift_left3A_490 : vector<16xi32>
      %shift_right_arithmetic3A_492 = arith.constant 7 : i32
      %shift_right_arithmetic3A_493 = vector.broadcast %shift_right_arithmetic3A_492 : i32 to vector<16xi32>
      %shift_right_arithmetic3A_494 = arith.shrsi %gather3A_485, %shift_right_arithmetic3A_493 : vector<16xi32>
      %shift_left3A_495 = arith.constant 10 : i32
      %shift_left3A_496 = vector.broadcast %shift_left3A_495 : i32 to vector<16xi32>
      %shift_left3A_497 = arith.shli %shift_right_arithmetic3A_494, %shift_left3A_496 : vector<16xi32>
      %or3A_498 = arith.ori %shift_left3A_491, %shift_left3A_497 : vector<16xi32>
      %and3A_499 = arith.constant 7 : i32
      %and3A_500 = vector.broadcast %and3A_499 : i32 to vector<16xi32>
      %and3A_501 = arith.andi %gather3A_484, %and3A_500 : vector<16xi32>
      %shift_left3A_502 = arith.constant 7 : i32
      %shift_left3A_503 = vector.broadcast %shift_left3A_502 : i32 to vector<16xi32>
      %shift_left3A_504 = arith.shli %and3A_501, %shift_left3A_503 : vector<16xi32>
      %or3A_505 = arith.ori %or3A_498, %shift_left3A_504 : vector<16xi32>
      %and3A_506 = arith.constant 127 : i32
      %and3A_507 = vector.broadcast %and3A_506 : i32 to vector<16xi32>
      %and3A_508 = arith.andi %gather3A_485, %and3A_507 : vector<16xi32>
      %or3A_509 = arith.ori %or3A_505, %and3A_508 : vector<16xi32>
      %swap3A_510 = arith.constant 64 : index
      %swap3A_511 = tpu.vector_load %arg10[%swap3A_510] {strides = array<i32>} : memref<128xi32, #tpu.memory_space<vmem>>, vector<16xi32>,
      tpu.vector_store %arg10[%swap3A_510], %or3A_509 {strides = array<i32>} : memref<128xi32, #tpu.memory_space<vmem>>, vector<16xi32>,
      %get3A_512 = arith.constant 208 : index
      %get3A_513 = tpu.vector_load %arg8[%get3A_512] {strides = array<i32>} : memref<272xi32, #tpu.memory_space<vmem>>, vector<16xi32>,
      %and3A_514 = arith.constant 8191 : i32
      %and3A_515 = vector.broadcast %and3A_514 : i32 to vector<16xi32>
      %and3A_516 = arith.andi %get3A_513, %and3A_515 : vector<16xi32>
      %shift_right_arithmetic3A_517 = arith.constant 13 : i32
      %shift_right_arithmetic3A_518 = vector.broadcast %shift_right_arithmetic3A_517 : i32 to vector<16xi32>
      %shift_right_arithmetic3A_519 = arith.shrsi %get3A_513, %shift_right_arithmetic3A_518 : vector<16xi32>
      %and3A_520 = arith.constant 8191 : i32
      %and3A_521 = vector.broadcast %and3A_520 : i32 to vector<16xi32>
      %and3A_522 = arith.andi %shift_right_arithmetic3A_519, %and3A_521 : vector<16xi32>
      %gather3A_523 = tpu.vector_load_idx %arg7[%and3A_516] : memref<4352xi32, #tpu.memory_space<vmem>>[vector<16xi32>], vector<16xi32>,
      %gather3A_524 = tpu.vector_load_idx %arg7[%and3A_522] : memref<4352xi32, #tpu.memory_space<vmem>>[vector<16xi32>], vector<16xi32>,
      %shift_right_arithmetic3A_525 = arith.constant 3 : i32
      %shift_right_arithmetic3A_526 = vector.broadcast %shift_right_arithmetic3A_525 : i32 to vector<16xi32>
      %shift_right_arithmetic3A_527 = arith.shrsi %gather3A_523, %shift_right_arithmetic3A_526 : vector<16xi32>
      %shift_left3A_528 = arith.constant 15 : i32
      %shift_left3A_529 = vector.broadcast %shift_left3A_528 : i32 to vector<16xi32>
      %shift_left3A_530 = arith.shli %shift_right_arithmetic3A_527, %shift_left3A_529 : vector<16xi32>
      %shift_right_arithmetic3A_531 = arith.constant 7 : i32
      %shift_right_arithmetic3A_532 = vector.broadcast %shift_right_arithmetic3A_531 : i32 to vector<16xi32>
      %shift_right_arithmetic3A_533 = arith.shrsi %gather3A_524, %shift_right_arithmetic3A_532 : vector<16xi32>
      %shift_left3A_534 = arith.constant 10 : i32
      %shift_left3A_535 = vector.broadcast %shift_left3A_534 : i32 to vector<16xi32>
      %shift_left3A_536 = arith.shli %shift_right_arithmetic3A_533, %shift_left3A_535 : vector<16xi32>
      %or3A_537 = arith.ori %shift_left3A_530, %shift_left3A_536 : vector<16xi32>
      %and3A_538 = arith.constant 7 : i32
      %and3A_539 = vector.broadcast %and3A_538 : i32 to vector<16xi32>
      %and3A_540 = arith.andi %gather3A_523, %and3A_539 : vector<16xi32>
      %shift_left3A_541 = arith.constant 7 : i32
      %shift_left3A_542 = vector.broadcast %shift_left3A_541 : i32 to vector<16xi32>
      %shift_left3A_543 = arith.shli %and3A_540, %shift_left3A_542 : vector<16xi32>
      %or3A_544 = arith.ori %or3A_537, %shift_left3A_543 : vector<16xi32>
      %and3A_545 = arith.constant 127 : i32
      %and3A_546 = vector.broadcast %and3A_545 : i32 to vector<16xi32>
      %and3A_547 = arith.andi %gather3A_524, %and3A_546 : vector<16xi32>
      %or3A_548 = arith.ori %or3A_544, %and3A_547 : vector<16xi32>
      %swap3A_549 = arith.constant 80 : index
      %swap3A_550 = tpu.vector_load %arg10[%swap3A_549] {strides = array<i32>} : memref<128xi32, #tpu.memory_space<vmem>>, vector<16xi32>,
      tpu.vector_store %arg10[%swap3A_549], %or3A_548 {strides = array<i32>} : memref<128xi32, #tpu.memory_space<vmem>>, vector<16xi32>,
      %get3A_551 = arith.constant 224 : index
      %get3A_552 = tpu.vector_load %arg8[%get3A_551] {strides = array<i32>} : memref<272xi32, #tpu.memory_space<vmem>>, vector<16xi32>,
      %and3A_553 = arith.constant 8191 : i32
      %and3A_554 = vector.broadcast %and3A_553 : i32 to vector<16xi32>
      %and3A_555 = arith.andi %get3A_552, %and3A_554 : vector<16xi32>
      %shift_right_arithmetic3A_556 = arith.constant 13 : i32
      %shift_right_arithmetic3A_557 = vector.broadcast %shift_right_arithmetic3A_556 : i32 to vector<16xi32>
      %shift_right_arithmetic3A_558 = arith.shrsi %get3A_552, %shift_right_arithmetic3A_557 : vector<16xi32>
      %and3A_559 = arith.constant 8191 : i32
      %and3A_560 = vector.broadcast %and3A_559 : i32 to vector<16xi32>
      %and3A_561 = arith.andi %shift_right_arithmetic3A_558, %and3A_560 : vector<16xi32>
      %gather3A_562 = tpu.vector_load_idx %arg7[%and3A_555] : memref<4352xi32, #tpu.memory_space<vmem>>[vector<16xi32>], vector<16xi32>,
      %gather3A_563 = tpu.vector_load_idx %arg7[%and3A_561] : memref<4352xi32, #tpu.memory_space<vmem>>[vector<16xi32>], vector<16xi32>,
      %shift_right_arithmetic3A_564 = arith.constant 3 : i32
      %shift_right_arithmetic3A_565 = vector.broadcast %shift_right_arithmetic3A_564 : i32 to vector<16xi32>
      %shift_right_arithmetic3A_566 = arith.shrsi %gather3A_562, %shift_right_arithmetic3A_565 : vector<16xi32>
      %shift_left3A_567 = arith.constant 15 : i32
      %shift_left3A_568 = vector.broadcast %shift_left3A_567 : i32 to vector<16xi32>
      %shift_left3A_569 = arith.shli %shift_right_arithmetic3A_566, %shift_left3A_568 : vector<16xi32>
      %shift_right_arithmetic3A_570 = arith.constant 7 : i32
      %shift_right_arithmetic3A_571 = vector.broadcast %shift_right_arithmetic3A_570 : i32 to vector<16xi32>
      %shift_right_arithmetic3A_572 = arith.shrsi %gather3A_563, %shift_right_arithmetic3A_571 : vector<16xi32>
      %shift_left3A_573 = arith.constant 10 : i32
      %shift_left3A_574 = vector.broadcast %shift_left3A_573 : i32 to vector<16xi32>
      %shift_left3A_575 = arith.shli %shift_right_arithmetic3A_572, %shift_left3A_574 : vector<16xi32>
      %or3A_576 = arith.ori %shift_left3A_569, %shift_left3A_575 : vector<16xi32>
      %and3A_577 = arith.constant 7 : i32
      %and3A_578 = vector.broadcast %and3A_577 : i32 to vector<16xi32>
      %and3A_579 = arith.andi %gather3A_562, %and3A_578 : vector<16xi32>
      %shift_left3A_580 = arith.constant 7 : i32
      %shift_left3A_581 = vector.broadcast %shift_left3A_580 : i32 to vector<16xi32>
      %shift_left3A_582 = arith.shli %and3A_579, %shift_left3A_581 : vector<16xi32>
      %or3A_583 = arith.ori %or3A_576, %shift_left3A_582 : vector<16xi32>
      %and3A_584 = arith.constant 127 : i32
      %and3A_585 = vector.broadcast %and3A_584 : i32 to vector<16xi32>
      %and3A_586 = arith.andi %gather3A_563, %and3A_585 : vector<16xi32>
      %or3A_587 = arith.ori %or3A_583, %and3A_586 : vector<16xi32>
      %swap3A_588 = arith.constant 96 : index
      %swap3A_589 = tpu.vector_load %arg10[%swap3A_588] {strides = array<i32>} : memref<128xi32, #tpu.memory_space<vmem>>, vector<16xi32>,
      tpu.vector_store %arg10[%swap3A_588], %or3A_587 {strides = array<i32>} : memref<128xi32, #tpu.memory_space<vmem>>, vector<16xi32>,
      %get3A_590 = arith.constant 240 : index
      %get3A_591 = tpu.vector_load %arg8[%get3A_590] {strides = array<i32>} : memref<272xi32, #tpu.memory_space<vmem>>, vector<16xi32>,
      %and3A_592 = arith.constant 8191 : i32
      %and3A_593 = vector.broadcast %and3A_592 : i32 to vector<16xi32>
      %and3A_594 = arith.andi %get3A_591, %and3A_593 : vector<16xi32>
      %shift_right_arithmetic3A_595 = arith.constant 13 : i32
      %shift_right_arithmetic3A_596 = vector.broadcast %shift_right_arithmetic3A_595 : i32 to vector<16xi32>
      %shift_right_arithmetic3A_597 = arith.shrsi %get3A_591, %shift_right_arithmetic3A_596 : vector<16xi32>
      %and3A_598 = arith.constant 8191 : i32
      %and3A_599 = vector.broadcast %and3A_598 : i32 to vector<16xi32>
      %and3A_600 = arith.andi %shift_right_arithmetic3A_597, %and3A_599 : vector<16xi32>
      %gather3A_601 = tpu.vector_load_idx %arg7[%and3A_594] : memref<4352xi32, #tpu.memory_space<vmem>>[vector<16xi32>], vector<16xi32>,
      %gather3A_602 = tpu.vector_load_idx %arg7[%and3A_600] : memref<4352xi32, #tpu.memory_space<vmem>>[vector<16xi32>], vector<16xi32>,
      %shift_right_arithmetic3A_603 = arith.constant 3 : i32
      %shift_right_arithmetic3A_604 = vector.broadcast %shift_right_arithmetic3A_603 : i32 to vector<16xi32>
      %shift_right_arithmetic3A_605 = arith.shrsi %gather3A_601, %shift_right_arithmetic3A_604 : vector<16xi32>
      %shift_left3A_606 = arith.constant 15 : i32
      %shift_left3A_607 = vector.broadcast %shift_left3A_606 : i32 to vector<16xi32>
      %shift_left3A_608 = arith.shli %shift_right_arithmetic3A_605, %shift_left3A_607 : vector<16xi32>
      %shift_right_arithmetic3A_609 = arith.constant 7 : i32
      %shift_right_arithmetic3A_610 = vector.broadcast %shift_right_arithmetic3A_609 : i32 to vector<16xi32>
      %shift_right_arithmetic3A_611 = arith.shrsi %gather3A_602, %shift_right_arithmetic3A_610 : vector<16xi32>
      %shift_left3A_612 = arith.constant 10 : i32
      %shift_left3A_613 = vector.broadcast %shift_left3A_612 : i32 to vector<16xi32>
      %shift_left3A_614 = arith.shli %shift_right_arithmetic3A_611, %shift_left3A_613 : vector<16xi32>
      %or3A_615 = arith.ori %shift_left3A_608, %shift_left3A_614 : vector<16xi32>
      %and3A_616 = arith.constant 7 : i32
      %and3A_617 = vector.broadcast %and3A_616 : i32 to vector<16xi32>
      %and3A_618 = arith.andi %gather3A_601, %and3A_617 : vector<16xi32>
      %shift_left3A_619 = arith.constant 7 : i32
      %shift_left3A_620 = vector.broadcast %shift_left3A_619 : i32 to vector<16xi32>
      %shift_left3A_621 = arith.shli %and3A_618, %shift_left3A_620 : vector<16xi32>
      %or3A_622 = arith.ori %or3A_615, %shift_left3A_621 : vector<16xi32>
      %and3A_623 = arith.constant 127 : i32
      %and3A_624 = vector.broadcast %and3A_623 : i32 to vector<16xi32>
      %and3A_625 = arith.andi %gather3A_602, %and3A_624 : vector<16xi32>
      %or3A_626 = arith.ori %or3A_622, %and3A_625 : vector<16xi32>
      %swap3A_627 = arith.constant 112 : index
      %swap3A_628 = tpu.vector_load %arg10[%swap3A_627] {strides = array<i32>} : memref<128xi32, #tpu.memory_space<vmem>>, vector<16xi32>,
      tpu.vector_store %arg10[%swap3A_627], %or3A_626 {strides = array<i32>} : memref<128xi32, #tpu.memory_space<vmem>>, vector<16xi32>,
      %get3A_629 = arith.constant 256 : index
      %get3A_630 = tpu.vector_load %arg8[%get3A_629] {strides = array<i32>} : memref<272xi32, #tpu.memory_space<vmem>>, vector<16xi32>,
      %and3A_631 = arith.constant 8191 : i32
      %and3A_632 = vector.broadcast %and3A_631 : i32 to vector<16xi32>
      %and3A_633 = arith.andi %get3A_630, %and3A_632 : vector<16xi32>
      %shift_right_arithmetic3A_634 = arith.constant 13 : i32
      %shift_right_arithmetic3A_635 = vector.broadcast %shift_right_arithmetic3A_634 : i32 to vector<16xi32>
      %shift_right_arithmetic3A_636 = arith.shrsi %get3A_630, %shift_right_arithmetic3A_635 : vector<16xi32>
      %and3A_637 = arith.constant 8191 : i32
      %and3A_638 = vector.broadcast %and3A_637 : i32 to vector<16xi32>
      %and3A_639 = arith.andi %shift_right_arithmetic3A_636, %and3A_638 : vector<16xi32>
      %gather3A_640 = tpu.vector_load_idx %arg7[%and3A_633] : memref<4352xi32, #tpu.memory_space<vmem>>[vector<16xi32>], vector<16xi32>,
      %gather3A_641 = tpu.vector_load_idx %arg7[%and3A_639] : memref<4352xi32, #tpu.memory_space<vmem>>[vector<16xi32>], vector<16xi32>,
      %shift_right_arithmetic3A_642 = arith.constant 3 : i32
      %shift_right_arithmetic3A_643 = vector.broadcast %shift_right_arithmetic3A_642 : i32 to vector<16xi32>
      %shift_right_arithmetic3A_644 = arith.shrsi %gather3A_640, %shift_right_arithmetic3A_643 : vector<16xi32>
      %shift_left3A_645 = arith.constant 15 : i32
      %shift_left3A_646 = vector.broadcast %shift_left3A_645 : i32 to vector<16xi32>
      %shift_left3A_647 = arith.shli %shift_right_arithmetic3A_644, %shift_left3A_646 : vector<16xi32>
      %shift_right_arithmetic3A_648 = arith.constant 7 : i32
      %shift_right_arithmetic3A_649 = vector.broadcast %shift_right_arithmetic3A_648 : i32 to vector<16xi32>
      %shift_right_arithmetic3A_650 = arith.shrsi %gather3A_641, %shift_right_arithmetic3A_649 : vector<16xi32>
      %shift_left3A_651 = arith.constant 10 : i32
      %shift_left3A_652 = vector.broadcast %shift_left3A_651 : i32 to vector<16xi32>
      %shift_left3A_653 = arith.shli %shift_right_arithmetic3A_650, %shift_left3A_652 : vector<16xi32>
      %or3A_654 = arith.ori %shift_left3A_647, %shift_left3A_653 : vector<16xi32>
      %and3A_655 = arith.constant 7 : i32
      %and3A_656 = vector.broadcast %and3A_655 : i32 to vector<16xi32>
      %and3A_657 = arith.andi %gather3A_640, %and3A_656 : vector<16xi32>
      %shift_left3A_658 = arith.constant 7 : i32
      %shift_left3A_659 = vector.broadcast %shift_left3A_658 : i32 to vector<16xi32>
      %shift_left3A_660 = arith.shli %and3A_657, %shift_left3A_659 : vector<16xi32>
      %or3A_661 = arith.ori %or3A_654, %shift_left3A_660 : vector<16xi32>
      %and3A_662 = arith.constant 127 : i32
      %and3A_663 = vector.broadcast %and3A_662 : i32 to vector<16xi32>
      %and3A_664 = arith.andi %gather3A_641, %and3A_663 : vector<16xi32>
      %or3A_665 = arith.ori %or3A_661, %and3A_664 : vector<16xi32>
      %swap3A_666 = arith.constant 0 : index
      %swap3A_667 = tpu.vector_load %arg11[%swap3A_666] {strides = array<i32>} : memref<16xi32, #tpu.memory_space<vmem>>, vector<16xi32>,
      tpu.vector_store %arg11[%swap3A_666], %or3A_665 {strides = array<i32>} : memref<16xi32, #tpu.memory_space<vmem>>, vector<16xi32>,
      "tpu.trace_start"() <{level = 10 : i32, message = "gather"}> : () -> ()
      %dma_start3A_668 = arith.constant 0 : i32
      %dma_start3A_669 = tpu.memref_slice %arg3[%dma_start3A_668] : memref<16777216xf32, #tpu.memory_space<hbm>> -> memref<16777216xf32, #tpu.memory_space<hbm>>
      tpu.enqueue_indirect_dma source(%dma_start3A_669 : memref<16777216xf32, #tpu.memory_space<hbm>>) target(%arg12 : memref<128xf32, #tpu.memory_space<vmem>>) offsets(%arg9 : memref<128xi32, #tpu.memory_space<vmem>>) semaphore(%arg21 : memref<!tpu.dma_semaphore, #tpu.memory_space<semaphore_mem>>)
      %dma_start3A_670 = arith.constant 0 : i32
      %dma_start3A_671 = tpu.memref_slice %arg3[%dma_start3A_670] : memref<16777216xf32, #tpu.memory_space<hbm>> -> memref<16777216xf32, #tpu.memory_space<hbm>>
      tpu.enqueue_indirect_dma source(%dma_start3A_671 : memref<16777216xf32, #tpu.memory_space<hbm>>) target(%arg13 : memref<128xf32, #tpu.memory_space<vmem>>) offsets(%arg10 : memref<128xi32, #tpu.memory_space<vmem>>) semaphore(%arg21 : memref<!tpu.dma_semaphore, #tpu.memory_space<semaphore_mem>>)
      %dma_start3A_672 = arith.constant 0 : i32
      %dma_start3A_673 = tpu.memref_slice %arg3[%dma_start3A_672] : memref<16777216xf32, #tpu.memory_space<hbm>> -> memref<16777216xf32, #tpu.memory_space<hbm>>
      tpu.enqueue_indirect_dma source(%dma_start3A_673 : memref<16777216xf32, #tpu.memory_space<hbm>>) target(%arg14 : memref<16xf32, #tpu.memory_space<vmem>>) offsets(%arg11 : memref<16xi32, #tpu.memory_space<vmem>>) semaphore(%arg21 : memref<!tpu.dma_semaphore, #tpu.memory_space<semaphore_mem>>)
      %eq3A_674 = arith.constant 15 : i32
      %eq3A_675 = arith.cmpi eq, %arg1, %eq3A_674 : i32
      %convert_element_type3A_676 = arith.extui %eq3A_675 : i1 to i32
      %cond3A_677 = arith.constant 0 : i32
      %cond3A_678 = arith.cmpi ne, %convert_element_type3A_676, %cond3A_677 : i32
      scf.if %cond3A_678 {
        %get3A_1982 = arith.constant 0 : index
        %get3A_1983 = tpu.vector_load %arg7[%get3A_1982] {strides = array<i32>} : memref<4352xi32, #tpu.memory_space<vmem>>, vector<16xi32>,
        %swap3A_1984 = arith.constant 0 : index
        %swap3A_1985 = tpu.vector_load %arg15[%swap3A_1984] {strides = array<i32>} : memref<16xi32, #tpu.memory_space<vmem>>, vector<16xi32>,
        tpu.vector_store %arg15[%swap3A_1984], %get3A_1983 {strides = array<i32>} : memref<16xi32, #tpu.memory_space<vmem>>, vector<16xi32>,
        %dma_start3A_1986 = arith.constant 0 : i32
        %dma_start3A_1987 = tpu.memref_slice %arg4[%dma_start3A_1986] : memref<4096xf32, #tpu.memory_space<hbm>> -> memref<4096xf32, #tpu.memory_space<hbm>>
        tpu.enqueue_indirect_dma source(%dma_start3A_1987 : memref<4096xf32, #tpu.memory_space<hbm>>) target(%arg16 : memref<16xf32, #tpu.memory_space<vmem>>) offsets(%arg15 : memref<16xi32, #tpu.memory_space<vmem>>) semaphore(%arg21 : memref<!tpu.dma_semaphore, #tpu.memory_space<semaphore_mem>>)
        %dma_wait3A_1988 = arith.constant 0 : i32
        %dma_wait3A_1989 = tpu.memref_slice %arg4[%dma_wait3A_1988] : memref<4096xf32, #tpu.memory_space<hbm>> -> memref<4096xf32, #tpu.memory_space<hbm>>
        tpu.wait_indirect_dma semaphore(%arg21 : memref<!tpu.dma_semaphore, #tpu.memory_space<semaphore_mem>>) src(%dma_wait3A_1989 : memref<4096xf32, #tpu.memory_space<hbm>>) dst(%arg16 : memref<16xf32, #tpu.memory_space<vmem>>)
      } else {
      }
      %dma_wait3A_679 = arith.constant 0 : i32
      %dma_wait3A_680 = tpu.memref_slice %arg3[%dma_wait3A_679] : memref<16777216xf32, #tpu.memory_space<hbm>> -> memref<16777216xf32, #tpu.memory_space<hbm>>
      tpu.wait_indirect_dma semaphore(%arg21 : memref<!tpu.dma_semaphore, #tpu.memory_space<semaphore_mem>>) src(%dma_wait3A_680 : memref<16777216xf32, #tpu.memory_space<hbm>>) dst(%arg12 : memref<128xf32, #tpu.memory_space<vmem>>)
      %dma_wait3A_681 = arith.constant 0 : i32
      %dma_wait3A_682 = tpu.memref_slice %arg3[%dma_wait3A_681] : memref<16777216xf32, #tpu.memory_space<hbm>> -> memref<16777216xf32, #tpu.memory_space<hbm>>
      tpu.wait_indirect_dma semaphore(%arg21 : memref<!tpu.dma_semaphore, #tpu.memory_space<semaphore_mem>>) src(%dma_wait3A_682 : memref<16777216xf32, #tpu.memory_space<hbm>>) dst(%arg13 : memref<128xf32, #tpu.memory_space<vmem>>)
      %dma_wait3A_683 = arith.constant 0 : i32
      %dma_wait3A_684 = tpu.memref_slice %arg3[%dma_wait3A_683] : memref<16777216xf32, #tpu.memory_space<hbm>> -> memref<16777216xf32, #tpu.memory_space<hbm>>
      tpu.wait_indirect_dma semaphore(%arg21 : memref<!tpu.dma_semaphore, #tpu.memory_space<semaphore_mem>>) src(%dma_wait3A_684 : memref<16777216xf32, #tpu.memory_space<hbm>>) dst(%arg14 : memref<16xf32, #tpu.memory_space<vmem>>)
      %eq3A_685 = arith.constant 15 : i32
      "tpu.trace_stop"() : () -> ()
      %eq3A_686 = arith.cmpi eq, %arg1, %eq3A_685 : i32
      %convert_element_type3A_687 = arith.extui %eq3A_686 : i1 to i32
      %cond3A_688 = arith.constant 0 : i32
      %cond3A_689 = arith.cmpi ne, %convert_element_type3A_687, %cond3A_688 : i32
      scf.if %cond3A_689 {
        %get3A_1982 = arith.constant 0 : index
        %get3A_1983 = tpu.vector_load %arg16[%get3A_1982] {strides = array<i32>} : memref<16xf32, #tpu.memory_space<vmem>>, vector<16xf32>,
        %swap3A_1984 = arith.constant 0 : index
        %swap3A_1985 = tpu.vector_load %arg14[%swap3A_1984] {strides = array<i32>} : memref<16xf32, #tpu.memory_space<vmem>>, vector<16xf32>,
        tpu.vector_store %arg14[%swap3A_1984], %get3A_1983 {strides = array<i32>} : memref<16xf32, #tpu.memory_space<vmem>>, vector<16xf32>,
      } else {
      }
      %broadcast_in_dim3A = arith.constant 0.000000e+00 : f32
      "tpu.trace_start"() <{level = 10 : i32, message = "accum"}> : () -> ()
      %broadcast_in_dim3A_690 = vector.broadcast %broadcast_in_dim3A : f32 to vector<16xf32>
      %swap3A_691 = arith.constant 0 : index
      %swap3A_692 = tpu.vector_load %arg17[%swap3A_691] {strides = array<i32>} : memref<16xf32, #tpu.memory_space<vmem>>, vector<16xf32>,
      tpu.vector_store %arg17[%swap3A_691], %broadcast_in_dim3A_690 {strides = array<i32>} : memref<16xf32, #tpu.memory_space<vmem>>, vector<16xf32>,
      %get3A_693 = arith.constant 0 : index
      %get3A_694 = tpu.vector_load %arg12[%get3A_693] {strides = array<i32>} : memref<128xf32, #tpu.memory_space<vmem>>, vector<16xf32>,
      %get3A_695 = arith.constant 0 : index
      %get3A_696 = tpu.vector_load %arg8[%get3A_695] {strides = array<i32>} : memref<272xi32, #tpu.memory_space<vmem>>, vector<16xi32>,
      %shift_right_arithmetic3A_697 = arith.constant 26 : i32
      %shift_right_arithmetic3A_698 = vector.broadcast %shift_right_arithmetic3A_697 : i32 to vector<16xi32>
      %shift_right_arithmetic3A_699 = arith.shrsi %get3A_696, %shift_right_arithmetic3A_698 : vector<16xi32>
      %and3A_700 = arith.constant 31 : i32
      %and3A_701 = vector.broadcast %and3A_700 : i32 to vector<16xi32>
      %and3A_702 = arith.andi %shift_right_arithmetic3A_699, %and3A_701 : vector<16xi32>
      %sub3A = arith.constant 1 : i32
      %sub3A_703 = vector.broadcast %sub3A : i32 to vector<16xi32>
      %sub3A_704 = arith.subi %and3A_702, %sub3A_703 : vector<16xi32>
      %bitcast3A = vector.bitcast %get3A_694 : vector<16xf32> to vector<16xi32>
      %shift_right_arithmetic3A_705 = arith.constant 23 : i32
      %shift_right_arithmetic3A_706 = vector.broadcast %shift_right_arithmetic3A_705 : i32 to vector<16xi32>
      %shift_right_arithmetic3A_707 = arith.shrsi %bitcast3A, %shift_right_arithmetic3A_706 : vector<16xi32>
      %sub3A_708 = arith.constant 127 : i32
      %sub3A_709 = vector.broadcast %sub3A_708 : i32 to vector<16xi32>
      %sub3A_710 = arith.subi %shift_right_arithmetic3A_707, %sub3A_709 : vector<16xi32>
      %and3A_711 = arith.constant 8388607 : i32
      %and3A_712 = vector.broadcast %and3A_711 : i32 to vector<16xi32>
      %and3A_713 = arith.andi %bitcast3A, %and3A_712 : vector<16xi32>
      %or3A_714 = arith.constant 1065353216 : i32
      %or3A_715 = vector.broadcast %or3A_714 : i32 to vector<16xi32>
      %or3A_716 = arith.ori %and3A_713, %or3A_715 : vector<16xi32>
      %bitcast3A_717 = vector.bitcast %or3A_716 : vector<16xi32> to vector<16xf32>
      %gt3A = arith.constant 1.41421354 : f32
      %gt3A_718 = vector.broadcast %gt3A : f32 to vector<16xf32>
      %gt3A_719 = arith.cmpf ogt, %bitcast3A_717, %gt3A_718 : vector<16xf32>
      %mul3A = arith.constant 5.000000e-01 : f32
      %mul3A_720 = vector.broadcast %mul3A : f32 to vector<16xf32>
      %mul3A_721 = arith.mulf %bitcast3A_717, %mul3A_720 : vector<16xf32>
      %select_n3A = arith.select %gt3A_719, %mul3A_721, %bitcast3A_717 : vector<16xi1>, vector<16xf32>
      %add3A = arith.constant 1 : i32
      %add3A_722 = vector.broadcast %add3A : i32 to vector<16xi32>
      %add3A_723 = arith.addi %sub3A_710, %add3A_722 : vector<16xi32>
      %select_n3A_724 = arith.select %gt3A_719, %add3A_723, %sub3A_710 : vector<16xi1>, vector<16xi32>
      %sub3A_725 = arith.constant 1.000000e+00 : f32
      %sub3A_726 = vector.broadcast %sub3A_725 : f32 to vector<16xf32>
      %sub3A_727 = arith.subf %select_n3A, %sub3A_726 : vector<16xf32>
      %add3A_728 = arith.constant 1.000000e+00 : f32
      %add3A_729 = vector.broadcast %add3A_728 : f32 to vector<16xf32>
      %add3A_730 = arith.addf %select_n3A, %add3A_729 : vector<16xf32>
      %div3A = arith.divf %sub3A_727, %add3A_730 : vector<16xf32>
      %mul3A_731 = arith.mulf %div3A, %div3A : vector<16xf32>
      %mul3A_732 = arith.constant 0.111111112 : f32
      %mul3A_733 = vector.broadcast %mul3A_732 : f32 to vector<16xf32>
      %mul3A_734 = arith.mulf %mul3A_731, %mul3A_733 : vector<16xf32>
      %add3A_735 = arith.constant 0.142857149 : f32
      %add3A_736 = vector.broadcast %add3A_735 : f32 to vector<16xf32>
      %add3A_737 = arith.addf %add3A_736, %mul3A_734 : vector<16xf32>
      %mul3A_738 = arith.mulf %mul3A_731, %add3A_737 : vector<16xf32>
      %add3A_739 = arith.constant 2.000000e-01 : f32
      %add3A_740 = vector.broadcast %add3A_739 : f32 to vector<16xf32>
      %add3A_741 = arith.addf %add3A_740, %mul3A_738 : vector<16xf32>
      %mul3A_742 = arith.mulf %mul3A_731, %add3A_741 : vector<16xf32>
      %add3A_743 = arith.constant 0.333333343 : f32
      %add3A_744 = vector.broadcast %add3A_743 : f32 to vector<16xf32>
      %add3A_745 = arith.addf %add3A_744, %mul3A_742 : vector<16xf32>
      %mul3A_746 = arith.mulf %mul3A_731, %add3A_745 : vector<16xf32>
      %add3A_747 = arith.constant 1.000000e+00 : f32
      %add3A_748 = vector.broadcast %add3A_747 : f32 to vector<16xf32>
      %add3A_749 = arith.addf %add3A_748, %mul3A_746 : vector<16xf32>
      %convert_element_type3A_750 = arith.sitofp %select_n3A_724 : vector<16xi32> to vector<16xf32>
      %mul3A_751 = arith.constant 0.693147182 : f32
      %mul3A_752 = vector.broadcast %mul3A_751 : f32 to vector<16xf32>
      %mul3A_753 = arith.mulf %convert_element_type3A_750, %mul3A_752 : vector<16xf32>
      %mul3A_754 = arith.constant 2.000000e+00 : f32
      %mul3A_755 = vector.broadcast %mul3A_754 : f32 to vector<16xf32>
      %mul3A_756 = arith.mulf %mul3A_755, %div3A : vector<16xf32>
      %mul3A_757 = arith.mulf %mul3A_756, %add3A_749 : vector<16xf32>
      %add3A_758 = arith.addf %mul3A_753, %mul3A_757 : vector<16xf32>
      %ge3A = arith.constant 0 : i32
      %ge3A_759 = vector.broadcast %ge3A : i32 to vector<16xi32>
      %ge3A_760 = arith.cmpi sge, %sub3A_704, %ge3A_759 : vector<16xi32>
      tpu.vector_store_idx %arg17[%sub3A_704], %add3A_758 masked %ge3A_760 {add = true} : memref<16xf32, #tpu.memory_space<vmem>>[vector<16xi32>], vector<16xf32>, vector<16xi1>
      %get3A_761 = arith.constant 16 : index
      %get3A_762 = tpu.vector_load %arg12[%get3A_761] {strides = array<i32>} : memref<128xf32, #tpu.memory_space<vmem>>, vector<16xf32>,
      %get3A_763 = arith.constant 16 : index
      %get3A_764 = tpu.vector_load %arg8[%get3A_763] {strides = array<i32>} : memref<272xi32, #tpu.memory_space<vmem>>, vector<16xi32>,
      %shift_right_arithmetic3A_765 = arith.constant 26 : i32
      %shift_right_arithmetic3A_766 = vector.broadcast %shift_right_arithmetic3A_765 : i32 to vector<16xi32>
      %shift_right_arithmetic3A_767 = arith.shrsi %get3A_764, %shift_right_arithmetic3A_766 : vector<16xi32>
      %and3A_768 = arith.constant 31 : i32
      %and3A_769 = vector.broadcast %and3A_768 : i32 to vector<16xi32>
      %and3A_770 = arith.andi %shift_right_arithmetic3A_767, %and3A_769 : vector<16xi32>
      %sub3A_771 = arith.constant 1 : i32
      %sub3A_772 = vector.broadcast %sub3A_771 : i32 to vector<16xi32>
      %sub3A_773 = arith.subi %and3A_770, %sub3A_772 : vector<16xi32>
      %bitcast3A_774 = vector.bitcast %get3A_762 : vector<16xf32> to vector<16xi32>
      %shift_right_arithmetic3A_775 = arith.constant 23 : i32
      %shift_right_arithmetic3A_776 = vector.broadcast %shift_right_arithmetic3A_775 : i32 to vector<16xi32>
      %shift_right_arithmetic3A_777 = arith.shrsi %bitcast3A_774, %shift_right_arithmetic3A_776 : vector<16xi32>
      %sub3A_778 = arith.constant 127 : i32
      %sub3A_779 = vector.broadcast %sub3A_778 : i32 to vector<16xi32>
      %sub3A_780 = arith.subi %shift_right_arithmetic3A_777, %sub3A_779 : vector<16xi32>
      %and3A_781 = arith.constant 8388607 : i32
      %and3A_782 = vector.broadcast %and3A_781 : i32 to vector<16xi32>
      %and3A_783 = arith.andi %bitcast3A_774, %and3A_782 : vector<16xi32>
      %or3A_784 = arith.constant 1065353216 : i32
      %or3A_785 = vector.broadcast %or3A_784 : i32 to vector<16xi32>
      %or3A_786 = arith.ori %and3A_783, %or3A_785 : vector<16xi32>
      %bitcast3A_787 = vector.bitcast %or3A_786 : vector<16xi32> to vector<16xf32>
      %gt3A_788 = arith.constant 1.41421354 : f32
      %gt3A_789 = vector.broadcast %gt3A_788 : f32 to vector<16xf32>
      %gt3A_790 = arith.cmpf ogt, %bitcast3A_787, %gt3A_789 : vector<16xf32>
      %mul3A_791 = arith.constant 5.000000e-01 : f32
      %mul3A_792 = vector.broadcast %mul3A_791 : f32 to vector<16xf32>
      %mul3A_793 = arith.mulf %bitcast3A_787, %mul3A_792 : vector<16xf32>
      %select_n3A_794 = arith.select %gt3A_790, %mul3A_793, %bitcast3A_787 : vector<16xi1>, vector<16xf32>
      %add3A_795 = arith.constant 1 : i32
      %add3A_796 = vector.broadcast %add3A_795 : i32 to vector<16xi32>
      %add3A_797 = arith.addi %sub3A_780, %add3A_796 : vector<16xi32>
      %select_n3A_798 = arith.select %gt3A_790, %add3A_797, %sub3A_780 : vector<16xi1>, vector<16xi32>
      %sub3A_799 = arith.constant 1.000000e+00 : f32
      %sub3A_800 = vector.broadcast %sub3A_799 : f32 to vector<16xf32>
      %sub3A_801 = arith.subf %select_n3A_794, %sub3A_800 : vector<16xf32>
      %add3A_802 = arith.constant 1.000000e+00 : f32
      %add3A_803 = vector.broadcast %add3A_802 : f32 to vector<16xf32>
      %add3A_804 = arith.addf %select_n3A_794, %add3A_803 : vector<16xf32>
      %div3A_805 = arith.divf %sub3A_801, %add3A_804 : vector<16xf32>
      %mul3A_806 = arith.mulf %div3A_805, %div3A_805 : vector<16xf32>
      %mul3A_807 = arith.constant 0.111111112 : f32
      %mul3A_808 = vector.broadcast %mul3A_807 : f32 to vector<16xf32>
      %mul3A_809 = arith.mulf %mul3A_806, %mul3A_808 : vector<16xf32>
      %add3A_810 = arith.constant 0.142857149 : f32
      %add3A_811 = vector.broadcast %add3A_810 : f32 to vector<16xf32>
      %add3A_812 = arith.addf %add3A_811, %mul3A_809 : vector<16xf32>
      %mul3A_813 = arith.mulf %mul3A_806, %add3A_812 : vector<16xf32>
      %add3A_814 = arith.constant 2.000000e-01 : f32
      %add3A_815 = vector.broadcast %add3A_814 : f32 to vector<16xf32>
      %add3A_816 = arith.addf %add3A_815, %mul3A_813 : vector<16xf32>
      %mul3A_817 = arith.mulf %mul3A_806, %add3A_816 : vector<16xf32>
      %add3A_818 = arith.constant 0.333333343 : f32
      %add3A_819 = vector.broadcast %add3A_818 : f32 to vector<16xf32>
      %add3A_820 = arith.addf %add3A_819, %mul3A_817 : vector<16xf32>
      %mul3A_821 = arith.mulf %mul3A_806, %add3A_820 : vector<16xf32>
      %add3A_822 = arith.constant 1.000000e+00 : f32
      %add3A_823 = vector.broadcast %add3A_822 : f32 to vector<16xf32>
      %add3A_824 = arith.addf %add3A_823, %mul3A_821 : vector<16xf32>
      %convert_element_type3A_825 = arith.sitofp %select_n3A_798 : vector<16xi32> to vector<16xf32>
      %mul3A_826 = arith.constant 0.693147182 : f32
      %mul3A_827 = vector.broadcast %mul3A_826 : f32 to vector<16xf32>
      %mul3A_828 = arith.mulf %convert_element_type3A_825, %mul3A_827 : vector<16xf32>
      %mul3A_829 = arith.constant 2.000000e+00 : f32
      %mul3A_830 = vector.broadcast %mul3A_829 : f32 to vector<16xf32>
      %mul3A_831 = arith.mulf %mul3A_830, %div3A_805 : vector<16xf32>
      %mul3A_832 = arith.mulf %mul3A_831, %add3A_824 : vector<16xf32>
      %add3A_833 = arith.addf %mul3A_828, %mul3A_832 : vector<16xf32>
      %ge3A_834 = arith.constant 0 : i32
      %ge3A_835 = vector.broadcast %ge3A_834 : i32 to vector<16xi32>
      %ge3A_836 = arith.cmpi sge, %sub3A_773, %ge3A_835 : vector<16xi32>
      tpu.vector_store_idx %arg17[%sub3A_773], %add3A_833 masked %ge3A_836 {add = true} : memref<16xf32, #tpu.memory_space<vmem>>[vector<16xi32>], vector<16xf32>, vector<16xi1>
      %get3A_837 = arith.constant 32 : index
      %get3A_838 = tpu.vector_load %arg12[%get3A_837] {strides = array<i32>} : memref<128xf32, #tpu.memory_space<vmem>>, vector<16xf32>,
      %get3A_839 = arith.constant 32 : index
      %get3A_840 = tpu.vector_load %arg8[%get3A_839] {strides = array<i32>} : memref<272xi32, #tpu.memory_space<vmem>>, vector<16xi32>,
      %shift_right_arithmetic3A_841 = arith.constant 26 : i32
      %shift_right_arithmetic3A_842 = vector.broadcast %shift_right_arithmetic3A_841 : i32 to vector<16xi32>
      %shift_right_arithmetic3A_843 = arith.shrsi %get3A_840, %shift_right_arithmetic3A_842 : vector<16xi32>
      %and3A_844 = arith.constant 31 : i32
      %and3A_845 = vector.broadcast %and3A_844 : i32 to vector<16xi32>
      %and3A_846 = arith.andi %shift_right_arithmetic3A_843, %and3A_845 : vector<16xi32>
      %sub3A_847 = arith.constant 1 : i32
      %sub3A_848 = vector.broadcast %sub3A_847 : i32 to vector<16xi32>
      %sub3A_849 = arith.subi %and3A_846, %sub3A_848 : vector<16xi32>
      %bitcast3A_850 = vector.bitcast %get3A_838 : vector<16xf32> to vector<16xi32>
      %shift_right_arithmetic3A_851 = arith.constant 23 : i32
      %shift_right_arithmetic3A_852 = vector.broadcast %shift_right_arithmetic3A_851 : i32 to vector<16xi32>
      %shift_right_arithmetic3A_853 = arith.shrsi %bitcast3A_850, %shift_right_arithmetic3A_852 : vector<16xi32>
      %sub3A_854 = arith.constant 127 : i32
      %sub3A_855 = vector.broadcast %sub3A_854 : i32 to vector<16xi32>
      %sub3A_856 = arith.subi %shift_right_arithmetic3A_853, %sub3A_855 : vector<16xi32>
      %and3A_857 = arith.constant 8388607 : i32
      %and3A_858 = vector.broadcast %and3A_857 : i32 to vector<16xi32>
      %and3A_859 = arith.andi %bitcast3A_850, %and3A_858 : vector<16xi32>
      %or3A_860 = arith.constant 1065353216 : i32
      %or3A_861 = vector.broadcast %or3A_860 : i32 to vector<16xi32>
      %or3A_862 = arith.ori %and3A_859, %or3A_861 : vector<16xi32>
      %bitcast3A_863 = vector.bitcast %or3A_862 : vector<16xi32> to vector<16xf32>
      %gt3A_864 = arith.constant 1.41421354 : f32
      %gt3A_865 = vector.broadcast %gt3A_864 : f32 to vector<16xf32>
      %gt3A_866 = arith.cmpf ogt, %bitcast3A_863, %gt3A_865 : vector<16xf32>
      %mul3A_867 = arith.constant 5.000000e-01 : f32
      %mul3A_868 = vector.broadcast %mul3A_867 : f32 to vector<16xf32>
      %mul3A_869 = arith.mulf %bitcast3A_863, %mul3A_868 : vector<16xf32>
      %select_n3A_870 = arith.select %gt3A_866, %mul3A_869, %bitcast3A_863 : vector<16xi1>, vector<16xf32>
      %add3A_871 = arith.constant 1 : i32
      %add3A_872 = vector.broadcast %add3A_871 : i32 to vector<16xi32>
      %add3A_873 = arith.addi %sub3A_856, %add3A_872 : vector<16xi32>
      %select_n3A_874 = arith.select %gt3A_866, %add3A_873, %sub3A_856 : vector<16xi1>, vector<16xi32>
      %sub3A_875 = arith.constant 1.000000e+00 : f32
      %sub3A_876 = vector.broadcast %sub3A_875 : f32 to vector<16xf32>
      %sub3A_877 = arith.subf %select_n3A_870, %sub3A_876 : vector<16xf32>
      %add3A_878 = arith.constant 1.000000e+00 : f32
      %add3A_879 = vector.broadcast %add3A_878 : f32 to vector<16xf32>
      %add3A_880 = arith.addf %select_n3A_870, %add3A_879 : vector<16xf32>
      %div3A_881 = arith.divf %sub3A_877, %add3A_880 : vector<16xf32>
      %mul3A_882 = arith.mulf %div3A_881, %div3A_881 : vector<16xf32>
      %mul3A_883 = arith.constant 0.111111112 : f32
      %mul3A_884 = vector.broadcast %mul3A_883 : f32 to vector<16xf32>
      %mul3A_885 = arith.mulf %mul3A_882, %mul3A_884 : vector<16xf32>
      %add3A_886 = arith.constant 0.142857149 : f32
      %add3A_887 = vector.broadcast %add3A_886 : f32 to vector<16xf32>
      %add3A_888 = arith.addf %add3A_887, %mul3A_885 : vector<16xf32>
      %mul3A_889 = arith.mulf %mul3A_882, %add3A_888 : vector<16xf32>
      %add3A_890 = arith.constant 2.000000e-01 : f32
      %add3A_891 = vector.broadcast %add3A_890 : f32 to vector<16xf32>
      %add3A_892 = arith.addf %add3A_891, %mul3A_889 : vector<16xf32>
      %mul3A_893 = arith.mulf %mul3A_882, %add3A_892 : vector<16xf32>
      %add3A_894 = arith.constant 0.333333343 : f32
      %add3A_895 = vector.broadcast %add3A_894 : f32 to vector<16xf32>
      %add3A_896 = arith.addf %add3A_895, %mul3A_893 : vector<16xf32>
      %mul3A_897 = arith.mulf %mul3A_882, %add3A_896 : vector<16xf32>
      %add3A_898 = arith.constant 1.000000e+00 : f32
      %add3A_899 = vector.broadcast %add3A_898 : f32 to vector<16xf32>
      %add3A_900 = arith.addf %add3A_899, %mul3A_897 : vector<16xf32>
      %convert_element_type3A_901 = arith.sitofp %select_n3A_874 : vector<16xi32> to vector<16xf32>
      %mul3A_902 = arith.constant 0.693147182 : f32
      %mul3A_903 = vector.broadcast %mul3A_902 : f32 to vector<16xf32>
      %mul3A_904 = arith.mulf %convert_element_type3A_901, %mul3A_903 : vector<16xf32>
      %mul3A_905 = arith.constant 2.000000e+00 : f32
      %mul3A_906 = vector.broadcast %mul3A_905 : f32 to vector<16xf32>
      %mul3A_907 = arith.mulf %mul3A_906, %div3A_881 : vector<16xf32>
      %mul3A_908 = arith.mulf %mul3A_907, %add3A_900 : vector<16xf32>
      %add3A_909 = arith.addf %mul3A_904, %mul3A_908 : vector<16xf32>
      %ge3A_910 = arith.constant 0 : i32
      %ge3A_911 = vector.broadcast %ge3A_910 : i32 to vector<16xi32>
      %ge3A_912 = arith.cmpi sge, %sub3A_849, %ge3A_911 : vector<16xi32>
      tpu.vector_store_idx %arg17[%sub3A_849], %add3A_909 masked %ge3A_912 {add = true} : memref<16xf32, #tpu.memory_space<vmem>>[vector<16xi32>], vector<16xf32>, vector<16xi1>
      %get3A_913 = arith.constant 48 : index
      %get3A_914 = tpu.vector_load %arg12[%get3A_913] {strides = array<i32>} : memref<128xf32, #tpu.memory_space<vmem>>, vector<16xf32>,
      %get3A_915 = arith.constant 48 : index
      %get3A_916 = tpu.vector_load %arg8[%get3A_915] {strides = array<i32>} : memref<272xi32, #tpu.memory_space<vmem>>, vector<16xi32>,
      %shift_right_arithmetic3A_917 = arith.constant 26 : i32
      %shift_right_arithmetic3A_918 = vector.broadcast %shift_right_arithmetic3A_917 : i32 to vector<16xi32>
      %shift_right_arithmetic3A_919 = arith.shrsi %get3A_916, %shift_right_arithmetic3A_918 : vector<16xi32>
      %and3A_920 = arith.constant 31 : i32
      %and3A_921 = vector.broadcast %and3A_920 : i32 to vector<16xi32>
      %and3A_922 = arith.andi %shift_right_arithmetic3A_919, %and3A_921 : vector<16xi32>
      %sub3A_923 = arith.constant 1 : i32
      %sub3A_924 = vector.broadcast %sub3A_923 : i32 to vector<16xi32>
      %sub3A_925 = arith.subi %and3A_922, %sub3A_924 : vector<16xi32>
      %bitcast3A_926 = vector.bitcast %get3A_914 : vector<16xf32> to vector<16xi32>
      %shift_right_arithmetic3A_927 = arith.constant 23 : i32
      %shift_right_arithmetic3A_928 = vector.broadcast %shift_right_arithmetic3A_927 : i32 to vector<16xi32>
      %shift_right_arithmetic3A_929 = arith.shrsi %bitcast3A_926, %shift_right_arithmetic3A_928 : vector<16xi32>
      %sub3A_930 = arith.constant 127 : i32
      %sub3A_931 = vector.broadcast %sub3A_930 : i32 to vector<16xi32>
      %sub3A_932 = arith.subi %shift_right_arithmetic3A_929, %sub3A_931 : vector<16xi32>
      %and3A_933 = arith.constant 8388607 : i32
      %and3A_934 = vector.broadcast %and3A_933 : i32 to vector<16xi32>
      %and3A_935 = arith.andi %bitcast3A_926, %and3A_934 : vector<16xi32>
      %or3A_936 = arith.constant 1065353216 : i32
      %or3A_937 = vector.broadcast %or3A_936 : i32 to vector<16xi32>
      %or3A_938 = arith.ori %and3A_935, %or3A_937 : vector<16xi32>
      %bitcast3A_939 = vector.bitcast %or3A_938 : vector<16xi32> to vector<16xf32>
      %gt3A_940 = arith.constant 1.41421354 : f32
      %gt3A_941 = vector.broadcast %gt3A_940 : f32 to vector<16xf32>
      %gt3A_942 = arith.cmpf ogt, %bitcast3A_939, %gt3A_941 : vector<16xf32>
      %mul3A_943 = arith.constant 5.000000e-01 : f32
      %mul3A_944 = vector.broadcast %mul3A_943 : f32 to vector<16xf32>
      %mul3A_945 = arith.mulf %bitcast3A_939, %mul3A_944 : vector<16xf32>
      %select_n3A_946 = arith.select %gt3A_942, %mul3A_945, %bitcast3A_939 : vector<16xi1>, vector<16xf32>
      %add3A_947 = arith.constant 1 : i32
      %add3A_948 = vector.broadcast %add3A_947 : i32 to vector<16xi32>
      %add3A_949 = arith.addi %sub3A_932, %add3A_948 : vector<16xi32>
      %select_n3A_950 = arith.select %gt3A_942, %add3A_949, %sub3A_932 : vector<16xi1>, vector<16xi32>
      %sub3A_951 = arith.constant 1.000000e+00 : f32
      %sub3A_952 = vector.broadcast %sub3A_951 : f32 to vector<16xf32>
      %sub3A_953 = arith.subf %select_n3A_946, %sub3A_952 : vector<16xf32>
      %add3A_954 = arith.constant 1.000000e+00 : f32
      %add3A_955 = vector.broadcast %add3A_954 : f32 to vector<16xf32>
      %add3A_956 = arith.addf %select_n3A_946, %add3A_955 : vector<16xf32>
      %div3A_957 = arith.divf %sub3A_953, %add3A_956 : vector<16xf32>
      %mul3A_958 = arith.mulf %div3A_957, %div3A_957 : vector<16xf32>
      %mul3A_959 = arith.constant 0.111111112 : f32
      %mul3A_960 = vector.broadcast %mul3A_959 : f32 to vector<16xf32>
      %mul3A_961 = arith.mulf %mul3A_958, %mul3A_960 : vector<16xf32>
      %add3A_962 = arith.constant 0.142857149 : f32
      %add3A_963 = vector.broadcast %add3A_962 : f32 to vector<16xf32>
      %add3A_964 = arith.addf %add3A_963, %mul3A_961 : vector<16xf32>
      %mul3A_965 = arith.mulf %mul3A_958, %add3A_964 : vector<16xf32>
      %add3A_966 = arith.constant 2.000000e-01 : f32
      %add3A_967 = vector.broadcast %add3A_966 : f32 to vector<16xf32>
      %add3A_968 = arith.addf %add3A_967, %mul3A_965 : vector<16xf32>
      %mul3A_969 = arith.mulf %mul3A_958, %add3A_968 : vector<16xf32>
      %add3A_970 = arith.constant 0.333333343 : f32
      %add3A_971 = vector.broadcast %add3A_970 : f32 to vector<16xf32>
      %add3A_972 = arith.addf %add3A_971, %mul3A_969 : vector<16xf32>
      %mul3A_973 = arith.mulf %mul3A_958, %add3A_972 : vector<16xf32>
      %add3A_974 = arith.constant 1.000000e+00 : f32
      %add3A_975 = vector.broadcast %add3A_974 : f32 to vector<16xf32>
      %add3A_976 = arith.addf %add3A_975, %mul3A_973 : vector<16xf32>
      %convert_element_type3A_977 = arith.sitofp %select_n3A_950 : vector<16xi32> to vector<16xf32>
      %mul3A_978 = arith.constant 0.693147182 : f32
      %mul3A_979 = vector.broadcast %mul3A_978 : f32 to vector<16xf32>
      %mul3A_980 = arith.mulf %convert_element_type3A_977, %mul3A_979 : vector<16xf32>
      %mul3A_981 = arith.constant 2.000000e+00 : f32
      %mul3A_982 = vector.broadcast %mul3A_981 : f32 to vector<16xf32>
      %mul3A_983 = arith.mulf %mul3A_982, %div3A_957 : vector<16xf32>
      %mul3A_984 = arith.mulf %mul3A_983, %add3A_976 : vector<16xf32>
      %add3A_985 = arith.addf %mul3A_980, %mul3A_984 : vector<16xf32>
      %ge3A_986 = arith.constant 0 : i32
      %ge3A_987 = vector.broadcast %ge3A_986 : i32 to vector<16xi32>
      %ge3A_988 = arith.cmpi sge, %sub3A_925, %ge3A_987 : vector<16xi32>
      tpu.vector_store_idx %arg17[%sub3A_925], %add3A_985 masked %ge3A_988 {add = true} : memref<16xf32, #tpu.memory_space<vmem>>[vector<16xi32>], vector<16xf32>, vector<16xi1>
      %get3A_989 = arith.constant 64 : index
      %get3A_990 = tpu.vector_load %arg12[%get3A_989] {strides = array<i32>} : memref<128xf32, #tpu.memory_space<vmem>>, vector<16xf32>,
      %get3A_991 = arith.constant 64 : index
      %get3A_992 = tpu.vector_load %arg8[%get3A_991] {strides = array<i32>} : memref<272xi32, #tpu.memory_space<vmem>>, vector<16xi32>,
      %shift_right_arithmetic3A_993 = arith.constant 26 : i32
      %shift_right_arithmetic3A_994 = vector.broadcast %shift_right_arithmetic3A_993 : i32 to vector<16xi32>
      %shift_right_arithmetic3A_995 = arith.shrsi %get3A_992, %shift_right_arithmetic3A_994 : vector<16xi32>
      %and3A_996 = arith.constant 31 : i32
      %and3A_997 = vector.broadcast %and3A_996 : i32 to vector<16xi32>
      %and3A_998 = arith.andi %shift_right_arithmetic3A_995, %and3A_997 : vector<16xi32>
      %sub3A_999 = arith.constant 1 : i32
      %sub3A_1000 = vector.broadcast %sub3A_999 : i32 to vector<16xi32>
      %sub3A_1001 = arith.subi %and3A_998, %sub3A_1000 : vector<16xi32>
      %bitcast3A_1002 = vector.bitcast %get3A_990 : vector<16xf32> to vector<16xi32>
      %shift_right_arithmetic3A_1003 = arith.constant 23 : i32
      %shift_right_arithmetic3A_1004 = vector.broadcast %shift_right_arithmetic3A_1003 : i32 to vector<16xi32>
      %shift_right_arithmetic3A_1005 = arith.shrsi %bitcast3A_1002, %shift_right_arithmetic3A_1004 : vector<16xi32>
      %sub3A_1006 = arith.constant 127 : i32
      %sub3A_1007 = vector.broadcast %sub3A_1006 : i32 to vector<16xi32>
      %sub3A_1008 = arith.subi %shift_right_arithmetic3A_1005, %sub3A_1007 : vector<16xi32>
      %and3A_1009 = arith.constant 8388607 : i32
      %and3A_1010 = vector.broadcast %and3A_1009 : i32 to vector<16xi32>
      %and3A_1011 = arith.andi %bitcast3A_1002, %and3A_1010 : vector<16xi32>
      %or3A_1012 = arith.constant 1065353216 : i32
      %or3A_1013 = vector.broadcast %or3A_1012 : i32 to vector<16xi32>
      %or3A_1014 = arith.ori %and3A_1011, %or3A_1013 : vector<16xi32>
      %bitcast3A_1015 = vector.bitcast %or3A_1014 : vector<16xi32> to vector<16xf32>
      %gt3A_1016 = arith.constant 1.41421354 : f32
      %gt3A_1017 = vector.broadcast %gt3A_1016 : f32 to vector<16xf32>
      %gt3A_1018 = arith.cmpf ogt, %bitcast3A_1015, %gt3A_1017 : vector<16xf32>
      %mul3A_1019 = arith.constant 5.000000e-01 : f32
      %mul3A_1020 = vector.broadcast %mul3A_1019 : f32 to vector<16xf32>
      %mul3A_1021 = arith.mulf %bitcast3A_1015, %mul3A_1020 : vector<16xf32>
      %select_n3A_1022 = arith.select %gt3A_1018, %mul3A_1021, %bitcast3A_1015 : vector<16xi1>, vector<16xf32>
      %add3A_1023 = arith.constant 1 : i32
      %add3A_1024 = vector.broadcast %add3A_1023 : i32 to vector<16xi32>
      %add3A_1025 = arith.addi %sub3A_1008, %add3A_1024 : vector<16xi32>
      %select_n3A_1026 = arith.select %gt3A_1018, %add3A_1025, %sub3A_1008 : vector<16xi1>, vector<16xi32>
      %sub3A_1027 = arith.constant 1.000000e+00 : f32
      %sub3A_1028 = vector.broadcast %sub3A_1027 : f32 to vector<16xf32>
      %sub3A_1029 = arith.subf %select_n3A_1022, %sub3A_1028 : vector<16xf32>
      %add3A_1030 = arith.constant 1.000000e+00 : f32
      %add3A_1031 = vector.broadcast %add3A_1030 : f32 to vector<16xf32>
      %add3A_1032 = arith.addf %select_n3A_1022, %add3A_1031 : vector<16xf32>
      %div3A_1033 = arith.divf %sub3A_1029, %add3A_1032 : vector<16xf32>
      %mul3A_1034 = arith.mulf %div3A_1033, %div3A_1033 : vector<16xf32>
      %mul3A_1035 = arith.constant 0.111111112 : f32
      %mul3A_1036 = vector.broadcast %mul3A_1035 : f32 to vector<16xf32>
      %mul3A_1037 = arith.mulf %mul3A_1034, %mul3A_1036 : vector<16xf32>
      %add3A_1038 = arith.constant 0.142857149 : f32
      %add3A_1039 = vector.broadcast %add3A_1038 : f32 to vector<16xf32>
      %add3A_1040 = arith.addf %add3A_1039, %mul3A_1037 : vector<16xf32>
      %mul3A_1041 = arith.mulf %mul3A_1034, %add3A_1040 : vector<16xf32>
      %add3A_1042 = arith.constant 2.000000e-01 : f32
      %add3A_1043 = vector.broadcast %add3A_1042 : f32 to vector<16xf32>
      %add3A_1044 = arith.addf %add3A_1043, %mul3A_1041 : vector<16xf32>
      %mul3A_1045 = arith.mulf %mul3A_1034, %add3A_1044 : vector<16xf32>
      %add3A_1046 = arith.constant 0.333333343 : f32
      %add3A_1047 = vector.broadcast %add3A_1046 : f32 to vector<16xf32>
      %add3A_1048 = arith.addf %add3A_1047, %mul3A_1045 : vector<16xf32>
      %mul3A_1049 = arith.mulf %mul3A_1034, %add3A_1048 : vector<16xf32>
      %add3A_1050 = arith.constant 1.000000e+00 : f32
      %add3A_1051 = vector.broadcast %add3A_1050 : f32 to vector<16xf32>
      %add3A_1052 = arith.addf %add3A_1051, %mul3A_1049 : vector<16xf32>
      %convert_element_type3A_1053 = arith.sitofp %select_n3A_1026 : vector<16xi32> to vector<16xf32>
      %mul3A_1054 = arith.constant 0.693147182 : f32
      %mul3A_1055 = vector.broadcast %mul3A_1054 : f32 to vector<16xf32>
      %mul3A_1056 = arith.mulf %convert_element_type3A_1053, %mul3A_1055 : vector<16xf32>
      %mul3A_1057 = arith.constant 2.000000e+00 : f32
      %mul3A_1058 = vector.broadcast %mul3A_1057 : f32 to vector<16xf32>
      %mul3A_1059 = arith.mulf %mul3A_1058, %div3A_1033 : vector<16xf32>
      %mul3A_1060 = arith.mulf %mul3A_1059, %add3A_1052 : vector<16xf32>
      %add3A_1061 = arith.addf %mul3A_1056, %mul3A_1060 : vector<16xf32>
      %ge3A_1062 = arith.constant 0 : i32
      %ge3A_1063 = vector.broadcast %ge3A_1062 : i32 to vector<16xi32>
      %ge3A_1064 = arith.cmpi sge, %sub3A_1001, %ge3A_1063 : vector<16xi32>
      tpu.vector_store_idx %arg17[%sub3A_1001], %add3A_1061 masked %ge3A_1064 {add = true} : memref<16xf32, #tpu.memory_space<vmem>>[vector<16xi32>], vector<16xf32>, vector<16xi1>
      %get3A_1065 = arith.constant 80 : index
      %get3A_1066 = tpu.vector_load %arg12[%get3A_1065] {strides = array<i32>} : memref<128xf32, #tpu.memory_space<vmem>>, vector<16xf32>,
      %get3A_1067 = arith.constant 80 : index
      %get3A_1068 = tpu.vector_load %arg8[%get3A_1067] {strides = array<i32>} : memref<272xi32, #tpu.memory_space<vmem>>, vector<16xi32>,
      %shift_right_arithmetic3A_1069 = arith.constant 26 : i32
      %shift_right_arithmetic3A_1070 = vector.broadcast %shift_right_arithmetic3A_1069 : i32 to vector<16xi32>
      %shift_right_arithmetic3A_1071 = arith.shrsi %get3A_1068, %shift_right_arithmetic3A_1070 : vector<16xi32>
      %and3A_1072 = arith.constant 31 : i32
      %and3A_1073 = vector.broadcast %and3A_1072 : i32 to vector<16xi32>
      %and3A_1074 = arith.andi %shift_right_arithmetic3A_1071, %and3A_1073 : vector<16xi32>
      %sub3A_1075 = arith.constant 1 : i32
      %sub3A_1076 = vector.broadcast %sub3A_1075 : i32 to vector<16xi32>
      %sub3A_1077 = arith.subi %and3A_1074, %sub3A_1076 : vector<16xi32>
      %bitcast3A_1078 = vector.bitcast %get3A_1066 : vector<16xf32> to vector<16xi32>
      %shift_right_arithmetic3A_1079 = arith.constant 23 : i32
      %shift_right_arithmetic3A_1080 = vector.broadcast %shift_right_arithmetic3A_1079 : i32 to vector<16xi32>
      %shift_right_arithmetic3A_1081 = arith.shrsi %bitcast3A_1078, %shift_right_arithmetic3A_1080 : vector<16xi32>
      %sub3A_1082 = arith.constant 127 : i32
      %sub3A_1083 = vector.broadcast %sub3A_1082 : i32 to vector<16xi32>
      %sub3A_1084 = arith.subi %shift_right_arithmetic3A_1081, %sub3A_1083 : vector<16xi32>
      %and3A_1085 = arith.constant 8388607 : i32
      %and3A_1086 = vector.broadcast %and3A_1085 : i32 to vector<16xi32>
      %and3A_1087 = arith.andi %bitcast3A_1078, %and3A_1086 : vector<16xi32>
      %or3A_1088 = arith.constant 1065353216 : i32
      %or3A_1089 = vector.broadcast %or3A_1088 : i32 to vector<16xi32>
      %or3A_1090 = arith.ori %and3A_1087, %or3A_1089 : vector<16xi32>
      %bitcast3A_1091 = vector.bitcast %or3A_1090 : vector<16xi32> to vector<16xf32>
      %gt3A_1092 = arith.constant 1.41421354 : f32
      %gt3A_1093 = vector.broadcast %gt3A_1092 : f32 to vector<16xf32>
      %gt3A_1094 = arith.cmpf ogt, %bitcast3A_1091, %gt3A_1093 : vector<16xf32>
      %mul3A_1095 = arith.constant 5.000000e-01 : f32
      %mul3A_1096 = vector.broadcast %mul3A_1095 : f32 to vector<16xf32>
      %mul3A_1097 = arith.mulf %bitcast3A_1091, %mul3A_1096 : vector<16xf32>
      %select_n3A_1098 = arith.select %gt3A_1094, %mul3A_1097, %bitcast3A_1091 : vector<16xi1>, vector<16xf32>
      %add3A_1099 = arith.constant 1 : i32
      %add3A_1100 = vector.broadcast %add3A_1099 : i32 to vector<16xi32>
      %add3A_1101 = arith.addi %sub3A_1084, %add3A_1100 : vector<16xi32>
      %select_n3A_1102 = arith.select %gt3A_1094, %add3A_1101, %sub3A_1084 : vector<16xi1>, vector<16xi32>
      %sub3A_1103 = arith.constant 1.000000e+00 : f32
      %sub3A_1104 = vector.broadcast %sub3A_1103 : f32 to vector<16xf32>
      %sub3A_1105 = arith.subf %select_n3A_1098, %sub3A_1104 : vector<16xf32>
      %add3A_1106 = arith.constant 1.000000e+00 : f32
      %add3A_1107 = vector.broadcast %add3A_1106 : f32 to vector<16xf32>
      %add3A_1108 = arith.addf %select_n3A_1098, %add3A_1107 : vector<16xf32>
      %div3A_1109 = arith.divf %sub3A_1105, %add3A_1108 : vector<16xf32>
      %mul3A_1110 = arith.mulf %div3A_1109, %div3A_1109 : vector<16xf32>
      %mul3A_1111 = arith.constant 0.111111112 : f32
      %mul3A_1112 = vector.broadcast %mul3A_1111 : f32 to vector<16xf32>
      %mul3A_1113 = arith.mulf %mul3A_1110, %mul3A_1112 : vector<16xf32>
      %add3A_1114 = arith.constant 0.142857149 : f32
      %add3A_1115 = vector.broadcast %add3A_1114 : f32 to vector<16xf32>
      %add3A_1116 = arith.addf %add3A_1115, %mul3A_1113 : vector<16xf32>
      %mul3A_1117 = arith.mulf %mul3A_1110, %add3A_1116 : vector<16xf32>
      %add3A_1118 = arith.constant 2.000000e-01 : f32
      %add3A_1119 = vector.broadcast %add3A_1118 : f32 to vector<16xf32>
      %add3A_1120 = arith.addf %add3A_1119, %mul3A_1117 : vector<16xf32>
      %mul3A_1121 = arith.mulf %mul3A_1110, %add3A_1120 : vector<16xf32>
      %add3A_1122 = arith.constant 0.333333343 : f32
      %add3A_1123 = vector.broadcast %add3A_1122 : f32 to vector<16xf32>
      %add3A_1124 = arith.addf %add3A_1123, %mul3A_1121 : vector<16xf32>
      %mul3A_1125 = arith.mulf %mul3A_1110, %add3A_1124 : vector<16xf32>
      %add3A_1126 = arith.constant 1.000000e+00 : f32
      %add3A_1127 = vector.broadcast %add3A_1126 : f32 to vector<16xf32>
      %add3A_1128 = arith.addf %add3A_1127, %mul3A_1125 : vector<16xf32>
      %convert_element_type3A_1129 = arith.sitofp %select_n3A_1102 : vector<16xi32> to vector<16xf32>
      %mul3A_1130 = arith.constant 0.693147182 : f32
      %mul3A_1131 = vector.broadcast %mul3A_1130 : f32 to vector<16xf32>
      %mul3A_1132 = arith.mulf %convert_element_type3A_1129, %mul3A_1131 : vector<16xf32>
      %mul3A_1133 = arith.constant 2.000000e+00 : f32
      %mul3A_1134 = vector.broadcast %mul3A_1133 : f32 to vector<16xf32>
      %mul3A_1135 = arith.mulf %mul3A_1134, %div3A_1109 : vector<16xf32>
      %mul3A_1136 = arith.mulf %mul3A_1135, %add3A_1128 : vector<16xf32>
      %add3A_1137 = arith.addf %mul3A_1132, %mul3A_1136 : vector<16xf32>
      %ge3A_1138 = arith.constant 0 : i32
      %ge3A_1139 = vector.broadcast %ge3A_1138 : i32 to vector<16xi32>
      %ge3A_1140 = arith.cmpi sge, %sub3A_1077, %ge3A_1139 : vector<16xi32>
      tpu.vector_store_idx %arg17[%sub3A_1077], %add3A_1137 masked %ge3A_1140 {add = true} : memref<16xf32, #tpu.memory_space<vmem>>[vector<16xi32>], vector<16xf32>, vector<16xi1>
      %get3A_1141 = arith.constant 96 : index
      %get3A_1142 = tpu.vector_load %arg12[%get3A_1141] {strides = array<i32>} : memref<128xf32, #tpu.memory_space<vmem>>, vector<16xf32>,
      %get3A_1143 = arith.constant 96 : index
      %get3A_1144 = tpu.vector_load %arg8[%get3A_1143] {strides = array<i32>} : memref<272xi32, #tpu.memory_space<vmem>>, vector<16xi32>,
      %shift_right_arithmetic3A_1145 = arith.constant 26 : i32
      %shift_right_arithmetic3A_1146 = vector.broadcast %shift_right_arithmetic3A_1145 : i32 to vector<16xi32>
      %shift_right_arithmetic3A_1147 = arith.shrsi %get3A_1144, %shift_right_arithmetic3A_1146 : vector<16xi32>
      %and3A_1148 = arith.constant 31 : i32
      %and3A_1149 = vector.broadcast %and3A_1148 : i32 to vector<16xi32>
      %and3A_1150 = arith.andi %shift_right_arithmetic3A_1147, %and3A_1149 : vector<16xi32>
      %sub3A_1151 = arith.constant 1 : i32
      %sub3A_1152 = vector.broadcast %sub3A_1151 : i32 to vector<16xi32>
      %sub3A_1153 = arith.subi %and3A_1150, %sub3A_1152 : vector<16xi32>
      %bitcast3A_1154 = vector.bitcast %get3A_1142 : vector<16xf32> to vector<16xi32>
      %shift_right_arithmetic3A_1155 = arith.constant 23 : i32
      %shift_right_arithmetic3A_1156 = vector.broadcast %shift_right_arithmetic3A_1155 : i32 to vector<16xi32>
      %shift_right_arithmetic3A_1157 = arith.shrsi %bitcast3A_1154, %shift_right_arithmetic3A_1156 : vector<16xi32>
      %sub3A_1158 = arith.constant 127 : i32
      %sub3A_1159 = vector.broadcast %sub3A_1158 : i32 to vector<16xi32>
      %sub3A_1160 = arith.subi %shift_right_arithmetic3A_1157, %sub3A_1159 : vector<16xi32>
      %and3A_1161 = arith.constant 8388607 : i32
      %and3A_1162 = vector.broadcast %and3A_1161 : i32 to vector<16xi32>
      %and3A_1163 = arith.andi %bitcast3A_1154, %and3A_1162 : vector<16xi32>
      %or3A_1164 = arith.constant 1065353216 : i32
      %or3A_1165 = vector.broadcast %or3A_1164 : i32 to vector<16xi32>
      %or3A_1166 = arith.ori %and3A_1163, %or3A_1165 : vector<16xi32>
      %bitcast3A_1167 = vector.bitcast %or3A_1166 : vector<16xi32> to vector<16xf32>
      %gt3A_1168 = arith.constant 1.41421354 : f32
      %gt3A_1169 = vector.broadcast %gt3A_1168 : f32 to vector<16xf32>
      %gt3A_1170 = arith.cmpf ogt, %bitcast3A_1167, %gt3A_1169 : vector<16xf32>
      %mul3A_1171 = arith.constant 5.000000e-01 : f32
      %mul3A_1172 = vector.broadcast %mul3A_1171 : f32 to vector<16xf32>
      %mul3A_1173 = arith.mulf %bitcast3A_1167, %mul3A_1172 : vector<16xf32>
      %select_n3A_1174 = arith.select %gt3A_1170, %mul3A_1173, %bitcast3A_1167 : vector<16xi1>, vector<16xf32>
      %add3A_1175 = arith.constant 1 : i32
      %add3A_1176 = vector.broadcast %add3A_1175 : i32 to vector<16xi32>
      %add3A_1177 = arith.addi %sub3A_1160, %add3A_1176 : vector<16xi32>
      %select_n3A_1178 = arith.select %gt3A_1170, %add3A_1177, %sub3A_1160 : vector<16xi1>, vector<16xi32>
      %sub3A_1179 = arith.constant 1.000000e+00 : f32
      %sub3A_1180 = vector.broadcast %sub3A_1179 : f32 to vector<16xf32>
      %sub3A_1181 = arith.subf %select_n3A_1174, %sub3A_1180 : vector<16xf32>
      %add3A_1182 = arith.constant 1.000000e+00 : f32
      %add3A_1183 = vector.broadcast %add3A_1182 : f32 to vector<16xf32>
      %add3A_1184 = arith.addf %select_n3A_1174, %add3A_1183 : vector<16xf32>
      %div3A_1185 = arith.divf %sub3A_1181, %add3A_1184 : vector<16xf32>
      %mul3A_1186 = arith.mulf %div3A_1185, %div3A_1185 : vector<16xf32>
      %mul3A_1187 = arith.constant 0.111111112 : f32
      %mul3A_1188 = vector.broadcast %mul3A_1187 : f32 to vector<16xf32>
      %mul3A_1189 = arith.mulf %mul3A_1186, %mul3A_1188 : vector<16xf32>
      %add3A_1190 = arith.constant 0.142857149 : f32
      %add3A_1191 = vector.broadcast %add3A_1190 : f32 to vector<16xf32>
      %add3A_1192 = arith.addf %add3A_1191, %mul3A_1189 : vector<16xf32>
      %mul3A_1193 = arith.mulf %mul3A_1186, %add3A_1192 : vector<16xf32>
      %add3A_1194 = arith.constant 2.000000e-01 : f32
      %add3A_1195 = vector.broadcast %add3A_1194 : f32 to vector<16xf32>
      %add3A_1196 = arith.addf %add3A_1195, %mul3A_1193 : vector<16xf32>
      %mul3A_1197 = arith.mulf %mul3A_1186, %add3A_1196 : vector<16xf32>
      %add3A_1198 = arith.constant 0.333333343 : f32
      %add3A_1199 = vector.broadcast %add3A_1198 : f32 to vector<16xf32>
      %add3A_1200 = arith.addf %add3A_1199, %mul3A_1197 : vector<16xf32>
      %mul3A_1201 = arith.mulf %mul3A_1186, %add3A_1200 : vector<16xf32>
      %add3A_1202 = arith.constant 1.000000e+00 : f32
      %add3A_1203 = vector.broadcast %add3A_1202 : f32 to vector<16xf32>
      %add3A_1204 = arith.addf %add3A_1203, %mul3A_1201 : vector<16xf32>
      %convert_element_type3A_1205 = arith.sitofp %select_n3A_1178 : vector<16xi32> to vector<16xf32>
      %mul3A_1206 = arith.constant 0.693147182 : f32
      %mul3A_1207 = vector.broadcast %mul3A_1206 : f32 to vector<16xf32>
      %mul3A_1208 = arith.mulf %convert_element_type3A_1205, %mul3A_1207 : vector<16xf32>
      %mul3A_1209 = arith.constant 2.000000e+00 : f32
      %mul3A_1210 = vector.broadcast %mul3A_1209 : f32 to vector<16xf32>
      %mul3A_1211 = arith.mulf %mul3A_1210, %div3A_1185 : vector<16xf32>
      %mul3A_1212 = arith.mulf %mul3A_1211, %add3A_1204 : vector<16xf32>
      %add3A_1213 = arith.addf %mul3A_1208, %mul3A_1212 : vector<16xf32>
      %ge3A_1214 = arith.constant 0 : i32
      %ge3A_1215 = vector.broadcast %ge3A_1214 : i32 to vector<16xi32>
      %ge3A_1216 = arith.cmpi sge, %sub3A_1153, %ge3A_1215 : vector<16xi32>
      tpu.vector_store_idx %arg17[%sub3A_1153], %add3A_1213 masked %ge3A_1216 {add = true} : memref<16xf32, #tpu.memory_space<vmem>>[vector<16xi32>], vector<16xf32>, vector<16xi1>
      %get3A_1217 = arith.constant 112 : index
      %get3A_1218 = tpu.vector_load %arg12[%get3A_1217] {strides = array<i32>} : memref<128xf32, #tpu.memory_space<vmem>>, vector<16xf32>,
      %get3A_1219 = arith.constant 112 : index
      %get3A_1220 = tpu.vector_load %arg8[%get3A_1219] {strides = array<i32>} : memref<272xi32, #tpu.memory_space<vmem>>, vector<16xi32>,
      %shift_right_arithmetic3A_1221 = arith.constant 26 : i32
      %shift_right_arithmetic3A_1222 = vector.broadcast %shift_right_arithmetic3A_1221 : i32 to vector<16xi32>
      %shift_right_arithmetic3A_1223 = arith.shrsi %get3A_1220, %shift_right_arithmetic3A_1222 : vector<16xi32>
      %and3A_1224 = arith.constant 31 : i32
      %and3A_1225 = vector.broadcast %and3A_1224 : i32 to vector<16xi32>
      %and3A_1226 = arith.andi %shift_right_arithmetic3A_1223, %and3A_1225 : vector<16xi32>
      %sub3A_1227 = arith.constant 1 : i32
      %sub3A_1228 = vector.broadcast %sub3A_1227 : i32 to vector<16xi32>
      %sub3A_1229 = arith.subi %and3A_1226, %sub3A_1228 : vector<16xi32>
      %bitcast3A_1230 = vector.bitcast %get3A_1218 : vector<16xf32> to vector<16xi32>
      %shift_right_arithmetic3A_1231 = arith.constant 23 : i32
      %shift_right_arithmetic3A_1232 = vector.broadcast %shift_right_arithmetic3A_1231 : i32 to vector<16xi32>
      %shift_right_arithmetic3A_1233 = arith.shrsi %bitcast3A_1230, %shift_right_arithmetic3A_1232 : vector<16xi32>
      %sub3A_1234 = arith.constant 127 : i32
      %sub3A_1235 = vector.broadcast %sub3A_1234 : i32 to vector<16xi32>
      %sub3A_1236 = arith.subi %shift_right_arithmetic3A_1233, %sub3A_1235 : vector<16xi32>
      %and3A_1237 = arith.constant 8388607 : i32
      %and3A_1238 = vector.broadcast %and3A_1237 : i32 to vector<16xi32>
      %and3A_1239 = arith.andi %bitcast3A_1230, %and3A_1238 : vector<16xi32>
      %or3A_1240 = arith.constant 1065353216 : i32
      %or3A_1241 = vector.broadcast %or3A_1240 : i32 to vector<16xi32>
      %or3A_1242 = arith.ori %and3A_1239, %or3A_1241 : vector<16xi32>
      %bitcast3A_1243 = vector.bitcast %or3A_1242 : vector<16xi32> to vector<16xf32>
      %gt3A_1244 = arith.constant 1.41421354 : f32
      %gt3A_1245 = vector.broadcast %gt3A_1244 : f32 to vector<16xf32>
      %gt3A_1246 = arith.cmpf ogt, %bitcast3A_1243, %gt3A_1245 : vector<16xf32>
      %mul3A_1247 = arith.constant 5.000000e-01 : f32
      %mul3A_1248 = vector.broadcast %mul3A_1247 : f32 to vector<16xf32>
      %mul3A_1249 = arith.mulf %bitcast3A_1243, %mul3A_1248 : vector<16xf32>
      %select_n3A_1250 = arith.select %gt3A_1246, %mul3A_1249, %bitcast3A_1243 : vector<16xi1>, vector<16xf32>
      %add3A_1251 = arith.constant 1 : i32
      %add3A_1252 = vector.broadcast %add3A_1251 : i32 to vector<16xi32>
      %add3A_1253 = arith.addi %sub3A_1236, %add3A_1252 : vector<16xi32>
      %select_n3A_1254 = arith.select %gt3A_1246, %add3A_1253, %sub3A_1236 : vector<16xi1>, vector<16xi32>
      %sub3A_1255 = arith.constant 1.000000e+00 : f32
      %sub3A_1256 = vector.broadcast %sub3A_1255 : f32 to vector<16xf32>
      %sub3A_1257 = arith.subf %select_n3A_1250, %sub3A_1256 : vector<16xf32>
      %add3A_1258 = arith.constant 1.000000e+00 : f32
      %add3A_1259 = vector.broadcast %add3A_1258 : f32 to vector<16xf32>
      %add3A_1260 = arith.addf %select_n3A_1250, %add3A_1259 : vector<16xf32>
      %div3A_1261 = arith.divf %sub3A_1257, %add3A_1260 : vector<16xf32>
      %mul3A_1262 = arith.mulf %div3A_1261, %div3A_1261 : vector<16xf32>
      %mul3A_1263 = arith.constant 0.111111112 : f32
      %mul3A_1264 = vector.broadcast %mul3A_1263 : f32 to vector<16xf32>
      %mul3A_1265 = arith.mulf %mul3A_1262, %mul3A_1264 : vector<16xf32>
      %add3A_1266 = arith.constant 0.142857149 : f32
      %add3A_1267 = vector.broadcast %add3A_1266 : f32 to vector<16xf32>
      %add3A_1268 = arith.addf %add3A_1267, %mul3A_1265 : vector<16xf32>
      %mul3A_1269 = arith.mulf %mul3A_1262, %add3A_1268 : vector<16xf32>
      %add3A_1270 = arith.constant 2.000000e-01 : f32
      %add3A_1271 = vector.broadcast %add3A_1270 : f32 to vector<16xf32>
      %add3A_1272 = arith.addf %add3A_1271, %mul3A_1269 : vector<16xf32>
      %mul3A_1273 = arith.mulf %mul3A_1262, %add3A_1272 : vector<16xf32>
      %add3A_1274 = arith.constant 0.333333343 : f32
      %add3A_1275 = vector.broadcast %add3A_1274 : f32 to vector<16xf32>
      %add3A_1276 = arith.addf %add3A_1275, %mul3A_1273 : vector<16xf32>
      %mul3A_1277 = arith.mulf %mul3A_1262, %add3A_1276 : vector<16xf32>
      %add3A_1278 = arith.constant 1.000000e+00 : f32
      %add3A_1279 = vector.broadcast %add3A_1278 : f32 to vector<16xf32>
      %add3A_1280 = arith.addf %add3A_1279, %mul3A_1277 : vector<16xf32>
      %convert_element_type3A_1281 = arith.sitofp %select_n3A_1254 : vector<16xi32> to vector<16xf32>
      %mul3A_1282 = arith.constant 0.693147182 : f32
      %mul3A_1283 = vector.broadcast %mul3A_1282 : f32 to vector<16xf32>
      %mul3A_1284 = arith.mulf %convert_element_type3A_1281, %mul3A_1283 : vector<16xf32>
      %mul3A_1285 = arith.constant 2.000000e+00 : f32
      %mul3A_1286 = vector.broadcast %mul3A_1285 : f32 to vector<16xf32>
      %mul3A_1287 = arith.mulf %mul3A_1286, %div3A_1261 : vector<16xf32>
      %mul3A_1288 = arith.mulf %mul3A_1287, %add3A_1280 : vector<16xf32>
      %add3A_1289 = arith.addf %mul3A_1284, %mul3A_1288 : vector<16xf32>
      %ge3A_1290 = arith.constant 0 : i32
      %ge3A_1291 = vector.broadcast %ge3A_1290 : i32 to vector<16xi32>
      %ge3A_1292 = arith.cmpi sge, %sub3A_1229, %ge3A_1291 : vector<16xi32>
      tpu.vector_store_idx %arg17[%sub3A_1229], %add3A_1289 masked %ge3A_1292 {add = true} : memref<16xf32, #tpu.memory_space<vmem>>[vector<16xi32>], vector<16xf32>, vector<16xi1>
      %get3A_1293 = arith.constant 0 : index
      %get3A_1294 = tpu.vector_load %arg13[%get3A_1293] {strides = array<i32>} : memref<128xf32, #tpu.memory_space<vmem>>, vector<16xf32>,
      %get3A_1295 = arith.constant 128 : index
      %get3A_1296 = tpu.vector_load %arg8[%get3A_1295] {strides = array<i32>} : memref<272xi32, #tpu.memory_space<vmem>>, vector<16xi32>,
      %shift_right_arithmetic3A_1297 = arith.constant 26 : i32
      %shift_right_arithmetic3A_1298 = vector.broadcast %shift_right_arithmetic3A_1297 : i32 to vector<16xi32>
      %shift_right_arithmetic3A_1299 = arith.shrsi %get3A_1296, %shift_right_arithmetic3A_1298 : vector<16xi32>
      %and3A_1300 = arith.constant 31 : i32
      %and3A_1301 = vector.broadcast %and3A_1300 : i32 to vector<16xi32>
      %and3A_1302 = arith.andi %shift_right_arithmetic3A_1299, %and3A_1301 : vector<16xi32>
      %sub3A_1303 = arith.constant 1 : i32
      %sub3A_1304 = vector.broadcast %sub3A_1303 : i32 to vector<16xi32>
      %sub3A_1305 = arith.subi %and3A_1302, %sub3A_1304 : vector<16xi32>
      %bitcast3A_1306 = vector.bitcast %get3A_1294 : vector<16xf32> to vector<16xi32>
      %shift_right_arithmetic3A_1307 = arith.constant 23 : i32
      %shift_right_arithmetic3A_1308 = vector.broadcast %shift_right_arithmetic3A_1307 : i32 to vector<16xi32>
      %shift_right_arithmetic3A_1309 = arith.shrsi %bitcast3A_1306, %shift_right_arithmetic3A_1308 : vector<16xi32>
      %sub3A_1310 = arith.constant 127 : i32
      %sub3A_1311 = vector.broadcast %sub3A_1310 : i32 to vector<16xi32>
      %sub3A_1312 = arith.subi %shift_right_arithmetic3A_1309, %sub3A_1311 : vector<16xi32>
      %and3A_1313 = arith.constant 8388607 : i32
      %and3A_1314 = vector.broadcast %and3A_1313 : i32 to vector<16xi32>
      %and3A_1315 = arith.andi %bitcast3A_1306, %and3A_1314 : vector<16xi32>
      %or3A_1316 = arith.constant 1065353216 : i32
      %or3A_1317 = vector.broadcast %or3A_1316 : i32 to vector<16xi32>
      %or3A_1318 = arith.ori %and3A_1315, %or3A_1317 : vector<16xi32>
      %bitcast3A_1319 = vector.bitcast %or3A_1318 : vector<16xi32> to vector<16xf32>
      %gt3A_1320 = arith.constant 1.41421354 : f32
      %gt3A_1321 = vector.broadcast %gt3A_1320 : f32 to vector<16xf32>
      %gt3A_1322 = arith.cmpf ogt, %bitcast3A_1319, %gt3A_1321 : vector<16xf32>
      %mul3A_1323 = arith.constant 5.000000e-01 : f32
      %mul3A_1324 = vector.broadcast %mul3A_1323 : f32 to vector<16xf32>
      %mul3A_1325 = arith.mulf %bitcast3A_1319, %mul3A_1324 : vector<16xf32>
      %select_n3A_1326 = arith.select %gt3A_1322, %mul3A_1325, %bitcast3A_1319 : vector<16xi1>, vector<16xf32>
      %add3A_1327 = arith.constant 1 : i32
      %add3A_1328 = vector.broadcast %add3A_1327 : i32 to vector<16xi32>
      %add3A_1329 = arith.addi %sub3A_1312, %add3A_1328 : vector<16xi32>
      %select_n3A_1330 = arith.select %gt3A_1322, %add3A_1329, %sub3A_1312 : vector<16xi1>, vector<16xi32>
      %sub3A_1331 = arith.constant 1.000000e+00 : f32
      %sub3A_1332 = vector.broadcast %sub3A_1331 : f32 to vector<16xf32>
      %sub3A_1333 = arith.subf %select_n3A_1326, %sub3A_1332 : vector<16xf32>
      %add3A_1334 = arith.constant 1.000000e+00 : f32
      %add3A_1335 = vector.broadcast %add3A_1334 : f32 to vector<16xf32>
      %add3A_1336 = arith.addf %select_n3A_1326, %add3A_1335 : vector<16xf32>
      %div3A_1337 = arith.divf %sub3A_1333, %add3A_1336 : vector<16xf32>
      %mul3A_1338 = arith.mulf %div3A_1337, %div3A_1337 : vector<16xf32>
      %mul3A_1339 = arith.constant 0.111111112 : f32
      %mul3A_1340 = vector.broadcast %mul3A_1339 : f32 to vector<16xf32>
      %mul3A_1341 = arith.mulf %mul3A_1338, %mul3A_1340 : vector<16xf32>
      %add3A_1342 = arith.constant 0.142857149 : f32
      %add3A_1343 = vector.broadcast %add3A_1342 : f32 to vector<16xf32>
      %add3A_1344 = arith.addf %add3A_1343, %mul3A_1341 : vector<16xf32>
      %mul3A_1345 = arith.mulf %mul3A_1338, %add3A_1344 : vector<16xf32>
      %add3A_1346 = arith.constant 2.000000e-01 : f32
      %add3A_1347 = vector.broadcast %add3A_1346 : f32 to vector<16xf32>
      %add3A_1348 = arith.addf %add3A_1347, %mul3A_1345 : vector<16xf32>
      %mul3A_1349 = arith.mulf %mul3A_1338, %add3A_1348 : vector<16xf32>
      %add3A_1350 = arith.constant 0.333333343 : f32
      %add3A_1351 = vector.broadcast %add3A_1350 : f32 to vector<16xf32>
      %add3A_1352 = arith.addf %add3A_1351, %mul3A_1349 : vector<16xf32>
      %mul3A_1353 = arith.mulf %mul3A_1338, %add3A_1352 : vector<16xf32>
      %add3A_1354 = arith.constant 1.000000e+00 : f32
      %add3A_1355 = vector.broadcast %add3A_1354 : f32 to vector<16xf32>
      %add3A_1356 = arith.addf %add3A_1355, %mul3A_1353 : vector<16xf32>
      %convert_element_type3A_1357 = arith.sitofp %select_n3A_1330 : vector<16xi32> to vector<16xf32>
      %mul3A_1358 = arith.constant 0.693147182 : f32
      %mul3A_1359 = vector.broadcast %mul3A_1358 : f32 to vector<16xf32>
      %mul3A_1360 = arith.mulf %convert_element_type3A_1357, %mul3A_1359 : vector<16xf32>
      %mul3A_1361 = arith.constant 2.000000e+00 : f32
      %mul3A_1362 = vector.broadcast %mul3A_1361 : f32 to vector<16xf32>
      %mul3A_1363 = arith.mulf %mul3A_1362, %div3A_1337 : vector<16xf32>
      %mul3A_1364 = arith.mulf %mul3A_1363, %add3A_1356 : vector<16xf32>
      %add3A_1365 = arith.addf %mul3A_1360, %mul3A_1364 : vector<16xf32>
      %ge3A_1366 = arith.constant 0 : i32
      %ge3A_1367 = vector.broadcast %ge3A_1366 : i32 to vector<16xi32>
      %ge3A_1368 = arith.cmpi sge, %sub3A_1305, %ge3A_1367 : vector<16xi32>
      tpu.vector_store_idx %arg17[%sub3A_1305], %add3A_1365 masked %ge3A_1368 {add = true} : memref<16xf32, #tpu.memory_space<vmem>>[vector<16xi32>], vector<16xf32>, vector<16xi1>
      %get3A_1369 = arith.constant 16 : index
      %get3A_1370 = tpu.vector_load %arg13[%get3A_1369] {strides = array<i32>} : memref<128xf32, #tpu.memory_space<vmem>>, vector<16xf32>,
      %get3A_1371 = arith.constant 144 : index
      %get3A_1372 = tpu.vector_load %arg8[%get3A_1371] {strides = array<i32>} : memref<272xi32, #tpu.memory_space<vmem>>, vector<16xi32>,
      %shift_right_arithmetic3A_1373 = arith.constant 26 : i32
      %shift_right_arithmetic3A_1374 = vector.broadcast %shift_right_arithmetic3A_1373 : i32 to vector<16xi32>
      %shift_right_arithmetic3A_1375 = arith.shrsi %get3A_1372, %shift_right_arithmetic3A_1374 : vector<16xi32>
      %and3A_1376 = arith.constant 31 : i32
      %and3A_1377 = vector.broadcast %and3A_1376 : i32 to vector<16xi32>
      %and3A_1378 = arith.andi %shift_right_arithmetic3A_1375, %and3A_1377 : vector<16xi32>
      %sub3A_1379 = arith.constant 1 : i32
      %sub3A_1380 = vector.broadcast %sub3A_1379 : i32 to vector<16xi32>
      %sub3A_1381 = arith.subi %and3A_1378, %sub3A_1380 : vector<16xi32>
      %bitcast3A_1382 = vector.bitcast %get3A_1370 : vector<16xf32> to vector<16xi32>
      %shift_right_arithmetic3A_1383 = arith.constant 23 : i32
      %shift_right_arithmetic3A_1384 = vector.broadcast %shift_right_arithmetic3A_1383 : i32 to vector<16xi32>
      %shift_right_arithmetic3A_1385 = arith.shrsi %bitcast3A_1382, %shift_right_arithmetic3A_1384 : vector<16xi32>
      %sub3A_1386 = arith.constant 127 : i32
      %sub3A_1387 = vector.broadcast %sub3A_1386 : i32 to vector<16xi32>
      %sub3A_1388 = arith.subi %shift_right_arithmetic3A_1385, %sub3A_1387 : vector<16xi32>
      %and3A_1389 = arith.constant 8388607 : i32
      %and3A_1390 = vector.broadcast %and3A_1389 : i32 to vector<16xi32>
      %and3A_1391 = arith.andi %bitcast3A_1382, %and3A_1390 : vector<16xi32>
      %or3A_1392 = arith.constant 1065353216 : i32
      %or3A_1393 = vector.broadcast %or3A_1392 : i32 to vector<16xi32>
      %or3A_1394 = arith.ori %and3A_1391, %or3A_1393 : vector<16xi32>
      %bitcast3A_1395 = vector.bitcast %or3A_1394 : vector<16xi32> to vector<16xf32>
      %gt3A_1396 = arith.constant 1.41421354 : f32
      %gt3A_1397 = vector.broadcast %gt3A_1396 : f32 to vector<16xf32>
      %gt3A_1398 = arith.cmpf ogt, %bitcast3A_1395, %gt3A_1397 : vector<16xf32>
      %mul3A_1399 = arith.constant 5.000000e-01 : f32
      %mul3A_1400 = vector.broadcast %mul3A_1399 : f32 to vector<16xf32>
      %mul3A_1401 = arith.mulf %bitcast3A_1395, %mul3A_1400 : vector<16xf32>
      %select_n3A_1402 = arith.select %gt3A_1398, %mul3A_1401, %bitcast3A_1395 : vector<16xi1>, vector<16xf32>
      %add3A_1403 = arith.constant 1 : i32
      %add3A_1404 = vector.broadcast %add3A_1403 : i32 to vector<16xi32>
      %add3A_1405 = arith.addi %sub3A_1388, %add3A_1404 : vector<16xi32>
      %select_n3A_1406 = arith.select %gt3A_1398, %add3A_1405, %sub3A_1388 : vector<16xi1>, vector<16xi32>
      %sub3A_1407 = arith.constant 1.000000e+00 : f32
      %sub3A_1408 = vector.broadcast %sub3A_1407 : f32 to vector<16xf32>
      %sub3A_1409 = arith.subf %select_n3A_1402, %sub3A_1408 : vector<16xf32>
      %add3A_1410 = arith.constant 1.000000e+00 : f32
      %add3A_1411 = vector.broadcast %add3A_1410 : f32 to vector<16xf32>
      %add3A_1412 = arith.addf %select_n3A_1402, %add3A_1411 : vector<16xf32>
      %div3A_1413 = arith.divf %sub3A_1409, %add3A_1412 : vector<16xf32>
      %mul3A_1414 = arith.mulf %div3A_1413, %div3A_1413 : vector<16xf32>
      %mul3A_1415 = arith.constant 0.111111112 : f32
      %mul3A_1416 = vector.broadcast %mul3A_1415 : f32 to vector<16xf32>
      %mul3A_1417 = arith.mulf %mul3A_1414, %mul3A_1416 : vector<16xf32>
      %add3A_1418 = arith.constant 0.142857149 : f32
      %add3A_1419 = vector.broadcast %add3A_1418 : f32 to vector<16xf32>
      %add3A_1420 = arith.addf %add3A_1419, %mul3A_1417 : vector<16xf32>
      %mul3A_1421 = arith.mulf %mul3A_1414, %add3A_1420 : vector<16xf32>
      %add3A_1422 = arith.constant 2.000000e-01 : f32
      %add3A_1423 = vector.broadcast %add3A_1422 : f32 to vector<16xf32>
      %add3A_1424 = arith.addf %add3A_1423, %mul3A_1421 : vector<16xf32>
      %mul3A_1425 = arith.mulf %mul3A_1414, %add3A_1424 : vector<16xf32>
      %add3A_1426 = arith.constant 0.333333343 : f32
      %add3A_1427 = vector.broadcast %add3A_1426 : f32 to vector<16xf32>
      %add3A_1428 = arith.addf %add3A_1427, %mul3A_1425 : vector<16xf32>
      %mul3A_1429 = arith.mulf %mul3A_1414, %add3A_1428 : vector<16xf32>
      %add3A_1430 = arith.constant 1.000000e+00 : f32
      %add3A_1431 = vector.broadcast %add3A_1430 : f32 to vector<16xf32>
      %add3A_1432 = arith.addf %add3A_1431, %mul3A_1429 : vector<16xf32>
      %convert_element_type3A_1433 = arith.sitofp %select_n3A_1406 : vector<16xi32> to vector<16xf32>
      %mul3A_1434 = arith.constant 0.693147182 : f32
      %mul3A_1435 = vector.broadcast %mul3A_1434 : f32 to vector<16xf32>
      %mul3A_1436 = arith.mulf %convert_element_type3A_1433, %mul3A_1435 : vector<16xf32>
      %mul3A_1437 = arith.constant 2.000000e+00 : f32
      %mul3A_1438 = vector.broadcast %mul3A_1437 : f32 to vector<16xf32>
      %mul3A_1439 = arith.mulf %mul3A_1438, %div3A_1413 : vector<16xf32>
      %mul3A_1440 = arith.mulf %mul3A_1439, %add3A_1432 : vector<16xf32>
      %add3A_1441 = arith.addf %mul3A_1436, %mul3A_1440 : vector<16xf32>
      %ge3A_1442 = arith.constant 0 : i32
      %ge3A_1443 = vector.broadcast %ge3A_1442 : i32 to vector<16xi32>
      %ge3A_1444 = arith.cmpi sge, %sub3A_1381, %ge3A_1443 : vector<16xi32>
      tpu.vector_store_idx %arg17[%sub3A_1381], %add3A_1441 masked %ge3A_1444 {add = true} : memref<16xf32, #tpu.memory_space<vmem>>[vector<16xi32>], vector<16xf32>, vector<16xi1>
      %get3A_1445 = arith.constant 32 : index
      %get3A_1446 = tpu.vector_load %arg13[%get3A_1445] {strides = array<i32>} : memref<128xf32, #tpu.memory_space<vmem>>, vector<16xf32>,
      %get3A_1447 = arith.constant 160 : index
      %get3A_1448 = tpu.vector_load %arg8[%get3A_1447] {strides = array<i32>} : memref<272xi32, #tpu.memory_space<vmem>>, vector<16xi32>,
      %shift_right_arithmetic3A_1449 = arith.constant 26 : i32
      %shift_right_arithmetic3A_1450 = vector.broadcast %shift_right_arithmetic3A_1449 : i32 to vector<16xi32>
      %shift_right_arithmetic3A_1451 = arith.shrsi %get3A_1448, %shift_right_arithmetic3A_1450 : vector<16xi32>
      %and3A_1452 = arith.constant 31 : i32
      %and3A_1453 = vector.broadcast %and3A_1452 : i32 to vector<16xi32>
      %and3A_1454 = arith.andi %shift_right_arithmetic3A_1451, %and3A_1453 : vector<16xi32>
      %sub3A_1455 = arith.constant 1 : i32
      %sub3A_1456 = vector.broadcast %sub3A_1455 : i32 to vector<16xi32>
      %sub3A_1457 = arith.subi %and3A_1454, %sub3A_1456 : vector<16xi32>
      %bitcast3A_1458 = vector.bitcast %get3A_1446 : vector<16xf32> to vector<16xi32>
      %shift_right_arithmetic3A_1459 = arith.constant 23 : i32
      %shift_right_arithmetic3A_1460 = vector.broadcast %shift_right_arithmetic3A_1459 : i32 to vector<16xi32>
      %shift_right_arithmetic3A_1461 = arith.shrsi %bitcast3A_1458, %shift_right_arithmetic3A_1460 : vector<16xi32>
      %sub3A_1462 = arith.constant 127 : i32
      %sub3A_1463 = vector.broadcast %sub3A_1462 : i32 to vector<16xi32>
      %sub3A_1464 = arith.subi %shift_right_arithmetic3A_1461, %sub3A_1463 : vector<16xi32>
      %and3A_1465 = arith.constant 8388607 : i32
      %and3A_1466 = vector.broadcast %and3A_1465 : i32 to vector<16xi32>
      %and3A_1467 = arith.andi %bitcast3A_1458, %and3A_1466 : vector<16xi32>
      %or3A_1468 = arith.constant 1065353216 : i32
      %or3A_1469 = vector.broadcast %or3A_1468 : i32 to vector<16xi32>
      %or3A_1470 = arith.ori %and3A_1467, %or3A_1469 : vector<16xi32>
      %bitcast3A_1471 = vector.bitcast %or3A_1470 : vector<16xi32> to vector<16xf32>
      %gt3A_1472 = arith.constant 1.41421354 : f32
      %gt3A_1473 = vector.broadcast %gt3A_1472 : f32 to vector<16xf32>
      %gt3A_1474 = arith.cmpf ogt, %bitcast3A_1471, %gt3A_1473 : vector<16xf32>
      %mul3A_1475 = arith.constant 5.000000e-01 : f32
      %mul3A_1476 = vector.broadcast %mul3A_1475 : f32 to vector<16xf32>
      %mul3A_1477 = arith.mulf %bitcast3A_1471, %mul3A_1476 : vector<16xf32>
      %select_n3A_1478 = arith.select %gt3A_1474, %mul3A_1477, %bitcast3A_1471 : vector<16xi1>, vector<16xf32>
      %add3A_1479 = arith.constant 1 : i32
      %add3A_1480 = vector.broadcast %add3A_1479 : i32 to vector<16xi32>
      %add3A_1481 = arith.addi %sub3A_1464, %add3A_1480 : vector<16xi32>
      %select_n3A_1482 = arith.select %gt3A_1474, %add3A_1481, %sub3A_1464 : vector<16xi1>, vector<16xi32>
      %sub3A_1483 = arith.constant 1.000000e+00 : f32
      %sub3A_1484 = vector.broadcast %sub3A_1483 : f32 to vector<16xf32>
      %sub3A_1485 = arith.subf %select_n3A_1478, %sub3A_1484 : vector<16xf32>
      %add3A_1486 = arith.constant 1.000000e+00 : f32
      %add3A_1487 = vector.broadcast %add3A_1486 : f32 to vector<16xf32>
      %add3A_1488 = arith.addf %select_n3A_1478, %add3A_1487 : vector<16xf32>
      %div3A_1489 = arith.divf %sub3A_1485, %add3A_1488 : vector<16xf32>
      %mul3A_1490 = arith.mulf %div3A_1489, %div3A_1489 : vector<16xf32>
      %mul3A_1491 = arith.constant 0.111111112 : f32
      %mul3A_1492 = vector.broadcast %mul3A_1491 : f32 to vector<16xf32>
      %mul3A_1493 = arith.mulf %mul3A_1490, %mul3A_1492 : vector<16xf32>
      %add3A_1494 = arith.constant 0.142857149 : f32
      %add3A_1495 = vector.broadcast %add3A_1494 : f32 to vector<16xf32>
      %add3A_1496 = arith.addf %add3A_1495, %mul3A_1493 : vector<16xf32>
      %mul3A_1497 = arith.mulf %mul3A_1490, %add3A_1496 : vector<16xf32>
      %add3A_1498 = arith.constant 2.000000e-01 : f32
      %add3A_1499 = vector.broadcast %add3A_1498 : f32 to vector<16xf32>
      %add3A_1500 = arith.addf %add3A_1499, %mul3A_1497 : vector<16xf32>
      %mul3A_1501 = arith.mulf %mul3A_1490, %add3A_1500 : vector<16xf32>
      %add3A_1502 = arith.constant 0.333333343 : f32
      %add3A_1503 = vector.broadcast %add3A_1502 : f32 to vector<16xf32>
      %add3A_1504 = arith.addf %add3A_1503, %mul3A_1501 : vector<16xf32>
      %mul3A_1505 = arith.mulf %mul3A_1490, %add3A_1504 : vector<16xf32>
      %add3A_1506 = arith.constant 1.000000e+00 : f32
      %add3A_1507 = vector.broadcast %add3A_1506 : f32 to vector<16xf32>
      %add3A_1508 = arith.addf %add3A_1507, %mul3A_1505 : vector<16xf32>
      %convert_element_type3A_1509 = arith.sitofp %select_n3A_1482 : vector<16xi32> to vector<16xf32>
      %mul3A_1510 = arith.constant 0.693147182 : f32
      %mul3A_1511 = vector.broadcast %mul3A_1510 : f32 to vector<16xf32>
      %mul3A_1512 = arith.mulf %convert_element_type3A_1509, %mul3A_1511 : vector<16xf32>
      %mul3A_1513 = arith.constant 2.000000e+00 : f32
      %mul3A_1514 = vector.broadcast %mul3A_1513 : f32 to vector<16xf32>
      %mul3A_1515 = arith.mulf %mul3A_1514, %div3A_1489 : vector<16xf32>
      %mul3A_1516 = arith.mulf %mul3A_1515, %add3A_1508 : vector<16xf32>
      %add3A_1517 = arith.addf %mul3A_1512, %mul3A_1516 : vector<16xf32>
      %ge3A_1518 = arith.constant 0 : i32
      %ge3A_1519 = vector.broadcast %ge3A_1518 : i32 to vector<16xi32>
      %ge3A_1520 = arith.cmpi sge, %sub3A_1457, %ge3A_1519 : vector<16xi32>
      tpu.vector_store_idx %arg17[%sub3A_1457], %add3A_1517 masked %ge3A_1520 {add = true} : memref<16xf32, #tpu.memory_space<vmem>>[vector<16xi32>], vector<16xf32>, vector<16xi1>
      %get3A_1521 = arith.constant 48 : index
      %get3A_1522 = tpu.vector_load %arg13[%get3A_1521] {strides = array<i32>} : memref<128xf32, #tpu.memory_space<vmem>>, vector<16xf32>,
      %get3A_1523 = arith.constant 176 : index
      %get3A_1524 = tpu.vector_load %arg8[%get3A_1523] {strides = array<i32>} : memref<272xi32, #tpu.memory_space<vmem>>, vector<16xi32>,
      %shift_right_arithmetic3A_1525 = arith.constant 26 : i32
      %shift_right_arithmetic3A_1526 = vector.broadcast %shift_right_arithmetic3A_1525 : i32 to vector<16xi32>
      %shift_right_arithmetic3A_1527 = arith.shrsi %get3A_1524, %shift_right_arithmetic3A_1526 : vector<16xi32>
      %and3A_1528 = arith.constant 31 : i32
      %and3A_1529 = vector.broadcast %and3A_1528 : i32 to vector<16xi32>
      %and3A_1530 = arith.andi %shift_right_arithmetic3A_1527, %and3A_1529 : vector<16xi32>
      %sub3A_1531 = arith.constant 1 : i32
      %sub3A_1532 = vector.broadcast %sub3A_1531 : i32 to vector<16xi32>
      %sub3A_1533 = arith.subi %and3A_1530, %sub3A_1532 : vector<16xi32>
      %bitcast3A_1534 = vector.bitcast %get3A_1522 : vector<16xf32> to vector<16xi32>
      %shift_right_arithmetic3A_1535 = arith.constant 23 : i32
      %shift_right_arithmetic3A_1536 = vector.broadcast %shift_right_arithmetic3A_1535 : i32 to vector<16xi32>
      %shift_right_arithmetic3A_1537 = arith.shrsi %bitcast3A_1534, %shift_right_arithmetic3A_1536 : vector<16xi32>
      %sub3A_1538 = arith.constant 127 : i32
      %sub3A_1539 = vector.broadcast %sub3A_1538 : i32 to vector<16xi32>
      %sub3A_1540 = arith.subi %shift_right_arithmetic3A_1537, %sub3A_1539 : vector<16xi32>
      %and3A_1541 = arith.constant 8388607 : i32
      %and3A_1542 = vector.broadcast %and3A_1541 : i32 to vector<16xi32>
      %and3A_1543 = arith.andi %bitcast3A_1534, %and3A_1542 : vector<16xi32>
      %or3A_1544 = arith.constant 1065353216 : i32
      %or3A_1545 = vector.broadcast %or3A_1544 : i32 to vector<16xi32>
      %or3A_1546 = arith.ori %and3A_1543, %or3A_1545 : vector<16xi32>
      %bitcast3A_1547 = vector.bitcast %or3A_1546 : vector<16xi32> to vector<16xf32>
      %gt3A_1548 = arith.constant 1.41421354 : f32
      %gt3A_1549 = vector.broadcast %gt3A_1548 : f32 to vector<16xf32>
      %gt3A_1550 = arith.cmpf ogt, %bitcast3A_1547, %gt3A_1549 : vector<16xf32>
      %mul3A_1551 = arith.constant 5.000000e-01 : f32
      %mul3A_1552 = vector.broadcast %mul3A_1551 : f32 to vector<16xf32>
      %mul3A_1553 = arith.mulf %bitcast3A_1547, %mul3A_1552 : vector<16xf32>
      %select_n3A_1554 = arith.select %gt3A_1550, %mul3A_1553, %bitcast3A_1547 : vector<16xi1>, vector<16xf32>
      %add3A_1555 = arith.constant 1 : i32
      %add3A_1556 = vector.broadcast %add3A_1555 : i32 to vector<16xi32>
      %add3A_1557 = arith.addi %sub3A_1540, %add3A_1556 : vector<16xi32>
      %select_n3A_1558 = arith.select %gt3A_1550, %add3A_1557, %sub3A_1540 : vector<16xi1>, vector<16xi32>
      %sub3A_1559 = arith.constant 1.000000e+00 : f32
      %sub3A_1560 = vector.broadcast %sub3A_1559 : f32 to vector<16xf32>
      %sub3A_1561 = arith.subf %select_n3A_1554, %sub3A_1560 : vector<16xf32>
      %add3A_1562 = arith.constant 1.000000e+00 : f32
      %add3A_1563 = vector.broadcast %add3A_1562 : f32 to vector<16xf32>
      %add3A_1564 = arith.addf %select_n3A_1554, %add3A_1563 : vector<16xf32>
      %div3A_1565 = arith.divf %sub3A_1561, %add3A_1564 : vector<16xf32>
      %mul3A_1566 = arith.mulf %div3A_1565, %div3A_1565 : vector<16xf32>
      %mul3A_1567 = arith.constant 0.111111112 : f32
      %mul3A_1568 = vector.broadcast %mul3A_1567 : f32 to vector<16xf32>
      %mul3A_1569 = arith.mulf %mul3A_1566, %mul3A_1568 : vector<16xf32>
      %add3A_1570 = arith.constant 0.142857149 : f32
      %add3A_1571 = vector.broadcast %add3A_1570 : f32 to vector<16xf32>
      %add3A_1572 = arith.addf %add3A_1571, %mul3A_1569 : vector<16xf32>
      %mul3A_1573 = arith.mulf %mul3A_1566, %add3A_1572 : vector<16xf32>
      %add3A_1574 = arith.constant 2.000000e-01 : f32
      %add3A_1575 = vector.broadcast %add3A_1574 : f32 to vector<16xf32>
      %add3A_1576 = arith.addf %add3A_1575, %mul3A_1573 : vector<16xf32>
      %mul3A_1577 = arith.mulf %mul3A_1566, %add3A_1576 : vector<16xf32>
      %add3A_1578 = arith.constant 0.333333343 : f32
      %add3A_1579 = vector.broadcast %add3A_1578 : f32 to vector<16xf32>
      %add3A_1580 = arith.addf %add3A_1579, %mul3A_1577 : vector<16xf32>
      %mul3A_1581 = arith.mulf %mul3A_1566, %add3A_1580 : vector<16xf32>
      %add3A_1582 = arith.constant 1.000000e+00 : f32
      %add3A_1583 = vector.broadcast %add3A_1582 : f32 to vector<16xf32>
      %add3A_1584 = arith.addf %add3A_1583, %mul3A_1581 : vector<16xf32>
      %convert_element_type3A_1585 = arith.sitofp %select_n3A_1558 : vector<16xi32> to vector<16xf32>
      %mul3A_1586 = arith.constant 0.693147182 : f32
      %mul3A_1587 = vector.broadcast %mul3A_1586 : f32 to vector<16xf32>
      %mul3A_1588 = arith.mulf %convert_element_type3A_1585, %mul3A_1587 : vector<16xf32>
      %mul3A_1589 = arith.constant 2.000000e+00 : f32
      %mul3A_1590 = vector.broadcast %mul3A_1589 : f32 to vector<16xf32>
      %mul3A_1591 = arith.mulf %mul3A_1590, %div3A_1565 : vector<16xf32>
      %mul3A_1592 = arith.mulf %mul3A_1591, %add3A_1584 : vector<16xf32>
      %add3A_1593 = arith.addf %mul3A_1588, %mul3A_1592 : vector<16xf32>
      %ge3A_1594 = arith.constant 0 : i32
      %ge3A_1595 = vector.broadcast %ge3A_1594 : i32 to vector<16xi32>
      %ge3A_1596 = arith.cmpi sge, %sub3A_1533, %ge3A_1595 : vector<16xi32>
      tpu.vector_store_idx %arg17[%sub3A_1533], %add3A_1593 masked %ge3A_1596 {add = true} : memref<16xf32, #tpu.memory_space<vmem>>[vector<16xi32>], vector<16xf32>, vector<16xi1>
      %get3A_1597 = arith.constant 64 : index
      %get3A_1598 = tpu.vector_load %arg13[%get3A_1597] {strides = array<i32>} : memref<128xf32, #tpu.memory_space<vmem>>, vector<16xf32>,
      %get3A_1599 = arith.constant 192 : index
      %get3A_1600 = tpu.vector_load %arg8[%get3A_1599] {strides = array<i32>} : memref<272xi32, #tpu.memory_space<vmem>>, vector<16xi32>,
      %shift_right_arithmetic3A_1601 = arith.constant 26 : i32
      %shift_right_arithmetic3A_1602 = vector.broadcast %shift_right_arithmetic3A_1601 : i32 to vector<16xi32>
      %shift_right_arithmetic3A_1603 = arith.shrsi %get3A_1600, %shift_right_arithmetic3A_1602 : vector<16xi32>
      %and3A_1604 = arith.constant 31 : i32
      %and3A_1605 = vector.broadcast %and3A_1604 : i32 to vector<16xi32>
      %and3A_1606 = arith.andi %shift_right_arithmetic3A_1603, %and3A_1605 : vector<16xi32>
      %sub3A_1607 = arith.constant 1 : i32
      %sub3A_1608 = vector.broadcast %sub3A_1607 : i32 to vector<16xi32>
      %sub3A_1609 = arith.subi %and3A_1606, %sub3A_1608 : vector<16xi32>
      %bitcast3A_1610 = vector.bitcast %get3A_1598 : vector<16xf32> to vector<16xi32>
      %shift_right_arithmetic3A_1611 = arith.constant 23 : i32
      %shift_right_arithmetic3A_1612 = vector.broadcast %shift_right_arithmetic3A_1611 : i32 to vector<16xi32>
      %shift_right_arithmetic3A_1613 = arith.shrsi %bitcast3A_1610, %shift_right_arithmetic3A_1612 : vector<16xi32>
      %sub3A_1614 = arith.constant 127 : i32
      %sub3A_1615 = vector.broadcast %sub3A_1614 : i32 to vector<16xi32>
      %sub3A_1616 = arith.subi %shift_right_arithmetic3A_1613, %sub3A_1615 : vector<16xi32>
      %and3A_1617 = arith.constant 8388607 : i32
      %and3A_1618 = vector.broadcast %and3A_1617 : i32 to vector<16xi32>
      %and3A_1619 = arith.andi %bitcast3A_1610, %and3A_1618 : vector<16xi32>
      %or3A_1620 = arith.constant 1065353216 : i32
      %or3A_1621 = vector.broadcast %or3A_1620 : i32 to vector<16xi32>
      %or3A_1622 = arith.ori %and3A_1619, %or3A_1621 : vector<16xi32>
      %bitcast3A_1623 = vector.bitcast %or3A_1622 : vector<16xi32> to vector<16xf32>
      %gt3A_1624 = arith.constant 1.41421354 : f32
      %gt3A_1625 = vector.broadcast %gt3A_1624 : f32 to vector<16xf32>
      %gt3A_1626 = arith.cmpf ogt, %bitcast3A_1623, %gt3A_1625 : vector<16xf32>
      %mul3A_1627 = arith.constant 5.000000e-01 : f32
      %mul3A_1628 = vector.broadcast %mul3A_1627 : f32 to vector<16xf32>
      %mul3A_1629 = arith.mulf %bitcast3A_1623, %mul3A_1628 : vector<16xf32>
      %select_n3A_1630 = arith.select %gt3A_1626, %mul3A_1629, %bitcast3A_1623 : vector<16xi1>, vector<16xf32>
      %add3A_1631 = arith.constant 1 : i32
      %add3A_1632 = vector.broadcast %add3A_1631 : i32 to vector<16xi32>
      %add3A_1633 = arith.addi %sub3A_1616, %add3A_1632 : vector<16xi32>
      %select_n3A_1634 = arith.select %gt3A_1626, %add3A_1633, %sub3A_1616 : vector<16xi1>, vector<16xi32>
      %sub3A_1635 = arith.constant 1.000000e+00 : f32
      %sub3A_1636 = vector.broadcast %sub3A_1635 : f32 to vector<16xf32>
      %sub3A_1637 = arith.subf %select_n3A_1630, %sub3A_1636 : vector<16xf32>
      %add3A_1638 = arith.constant 1.000000e+00 : f32
      %add3A_1639 = vector.broadcast %add3A_1638 : f32 to vector<16xf32>
      %add3A_1640 = arith.addf %select_n3A_1630, %add3A_1639 : vector<16xf32>
      %div3A_1641 = arith.divf %sub3A_1637, %add3A_1640 : vector<16xf32>
      %mul3A_1642 = arith.mulf %div3A_1641, %div3A_1641 : vector<16xf32>
      %mul3A_1643 = arith.constant 0.111111112 : f32
      %mul3A_1644 = vector.broadcast %mul3A_1643 : f32 to vector<16xf32>
      %mul3A_1645 = arith.mulf %mul3A_1642, %mul3A_1644 : vector<16xf32>
      %add3A_1646 = arith.constant 0.142857149 : f32
      %add3A_1647 = vector.broadcast %add3A_1646 : f32 to vector<16xf32>
      %add3A_1648 = arith.addf %add3A_1647, %mul3A_1645 : vector<16xf32>
      %mul3A_1649 = arith.mulf %mul3A_1642, %add3A_1648 : vector<16xf32>
      %add3A_1650 = arith.constant 2.000000e-01 : f32
      %add3A_1651 = vector.broadcast %add3A_1650 : f32 to vector<16xf32>
      %add3A_1652 = arith.addf %add3A_1651, %mul3A_1649 : vector<16xf32>
      %mul3A_1653 = arith.mulf %mul3A_1642, %add3A_1652 : vector<16xf32>
      %add3A_1654 = arith.constant 0.333333343 : f32
      %add3A_1655 = vector.broadcast %add3A_1654 : f32 to vector<16xf32>
      %add3A_1656 = arith.addf %add3A_1655, %mul3A_1653 : vector<16xf32>
      %mul3A_1657 = arith.mulf %mul3A_1642, %add3A_1656 : vector<16xf32>
      %add3A_1658 = arith.constant 1.000000e+00 : f32
      %add3A_1659 = vector.broadcast %add3A_1658 : f32 to vector<16xf32>
      %add3A_1660 = arith.addf %add3A_1659, %mul3A_1657 : vector<16xf32>
      %convert_element_type3A_1661 = arith.sitofp %select_n3A_1634 : vector<16xi32> to vector<16xf32>
      %mul3A_1662 = arith.constant 0.693147182 : f32
      %mul3A_1663 = vector.broadcast %mul3A_1662 : f32 to vector<16xf32>
      %mul3A_1664 = arith.mulf %convert_element_type3A_1661, %mul3A_1663 : vector<16xf32>
      %mul3A_1665 = arith.constant 2.000000e+00 : f32
      %mul3A_1666 = vector.broadcast %mul3A_1665 : f32 to vector<16xf32>
      %mul3A_1667 = arith.mulf %mul3A_1666, %div3A_1641 : vector<16xf32>
      %mul3A_1668 = arith.mulf %mul3A_1667, %add3A_1660 : vector<16xf32>
      %add3A_1669 = arith.addf %mul3A_1664, %mul3A_1668 : vector<16xf32>
      %ge3A_1670 = arith.constant 0 : i32
      %ge3A_1671 = vector.broadcast %ge3A_1670 : i32 to vector<16xi32>
      %ge3A_1672 = arith.cmpi sge, %sub3A_1609, %ge3A_1671 : vector<16xi32>
      tpu.vector_store_idx %arg17[%sub3A_1609], %add3A_1669 masked %ge3A_1672 {add = true} : memref<16xf32, #tpu.memory_space<vmem>>[vector<16xi32>], vector<16xf32>, vector<16xi1>
      %get3A_1673 = arith.constant 80 : index
      %get3A_1674 = tpu.vector_load %arg13[%get3A_1673] {strides = array<i32>} : memref<128xf32, #tpu.memory_space<vmem>>, vector<16xf32>,
      %get3A_1675 = arith.constant 208 : index
      %get3A_1676 = tpu.vector_load %arg8[%get3A_1675] {strides = array<i32>} : memref<272xi32, #tpu.memory_space<vmem>>, vector<16xi32>,
      %shift_right_arithmetic3A_1677 = arith.constant 26 : i32
      %shift_right_arithmetic3A_1678 = vector.broadcast %shift_right_arithmetic3A_1677 : i32 to vector<16xi32>
      %shift_right_arithmetic3A_1679 = arith.shrsi %get3A_1676, %shift_right_arithmetic3A_1678 : vector<16xi32>
      %and3A_1680 = arith.constant 31 : i32
      %and3A_1681 = vector.broadcast %and3A_1680 : i32 to vector<16xi32>
      %and3A_1682 = arith.andi %shift_right_arithmetic3A_1679, %and3A_1681 : vector<16xi32>
      %sub3A_1683 = arith.constant 1 : i32
      %sub3A_1684 = vector.broadcast %sub3A_1683 : i32 to vector<16xi32>
      %sub3A_1685 = arith.subi %and3A_1682, %sub3A_1684 : vector<16xi32>
      %bitcast3A_1686 = vector.bitcast %get3A_1674 : vector<16xf32> to vector<16xi32>
      %shift_right_arithmetic3A_1687 = arith.constant 23 : i32
      %shift_right_arithmetic3A_1688 = vector.broadcast %shift_right_arithmetic3A_1687 : i32 to vector<16xi32>
      %shift_right_arithmetic3A_1689 = arith.shrsi %bitcast3A_1686, %shift_right_arithmetic3A_1688 : vector<16xi32>
      %sub3A_1690 = arith.constant 127 : i32
      %sub3A_1691 = vector.broadcast %sub3A_1690 : i32 to vector<16xi32>
      %sub3A_1692 = arith.subi %shift_right_arithmetic3A_1689, %sub3A_1691 : vector<16xi32>
      %and3A_1693 = arith.constant 8388607 : i32
      %and3A_1694 = vector.broadcast %and3A_1693 : i32 to vector<16xi32>
      %and3A_1695 = arith.andi %bitcast3A_1686, %and3A_1694 : vector<16xi32>
      %or3A_1696 = arith.constant 1065353216 : i32
      %or3A_1697 = vector.broadcast %or3A_1696 : i32 to vector<16xi32>
      %or3A_1698 = arith.ori %and3A_1695, %or3A_1697 : vector<16xi32>
      %bitcast3A_1699 = vector.bitcast %or3A_1698 : vector<16xi32> to vector<16xf32>
      %gt3A_1700 = arith.constant 1.41421354 : f32
      %gt3A_1701 = vector.broadcast %gt3A_1700 : f32 to vector<16xf32>
      %gt3A_1702 = arith.cmpf ogt, %bitcast3A_1699, %gt3A_1701 : vector<16xf32>
      %mul3A_1703 = arith.constant 5.000000e-01 : f32
      %mul3A_1704 = vector.broadcast %mul3A_1703 : f32 to vector<16xf32>
      %mul3A_1705 = arith.mulf %bitcast3A_1699, %mul3A_1704 : vector<16xf32>
      %select_n3A_1706 = arith.select %gt3A_1702, %mul3A_1705, %bitcast3A_1699 : vector<16xi1>, vector<16xf32>
      %add3A_1707 = arith.constant 1 : i32
      %add3A_1708 = vector.broadcast %add3A_1707 : i32 to vector<16xi32>
      %add3A_1709 = arith.addi %sub3A_1692, %add3A_1708 : vector<16xi32>
      %select_n3A_1710 = arith.select %gt3A_1702, %add3A_1709, %sub3A_1692 : vector<16xi1>, vector<16xi32>
      %sub3A_1711 = arith.constant 1.000000e+00 : f32
      %sub3A_1712 = vector.broadcast %sub3A_1711 : f32 to vector<16xf32>
      %sub3A_1713 = arith.subf %select_n3A_1706, %sub3A_1712 : vector<16xf32>
      %add3A_1714 = arith.constant 1.000000e+00 : f32
      %add3A_1715 = vector.broadcast %add3A_1714 : f32 to vector<16xf32>
      %add3A_1716 = arith.addf %select_n3A_1706, %add3A_1715 : vector<16xf32>
      %div3A_1717 = arith.divf %sub3A_1713, %add3A_1716 : vector<16xf32>
      %mul3A_1718 = arith.mulf %div3A_1717, %div3A_1717 : vector<16xf32>
      %mul3A_1719 = arith.constant 0.111111112 : f32
      %mul3A_1720 = vector.broadcast %mul3A_1719 : f32 to vector<16xf32>
      %mul3A_1721 = arith.mulf %mul3A_1718, %mul3A_1720 : vector<16xf32>
      %add3A_1722 = arith.constant 0.142857149 : f32
      %add3A_1723 = vector.broadcast %add3A_1722 : f32 to vector<16xf32>
      %add3A_1724 = arith.addf %add3A_1723, %mul3A_1721 : vector<16xf32>
      %mul3A_1725 = arith.mulf %mul3A_1718, %add3A_1724 : vector<16xf32>
      %add3A_1726 = arith.constant 2.000000e-01 : f32
      %add3A_1727 = vector.broadcast %add3A_1726 : f32 to vector<16xf32>
      %add3A_1728 = arith.addf %add3A_1727, %mul3A_1725 : vector<16xf32>
      %mul3A_1729 = arith.mulf %mul3A_1718, %add3A_1728 : vector<16xf32>
      %add3A_1730 = arith.constant 0.333333343 : f32
      %add3A_1731 = vector.broadcast %add3A_1730 : f32 to vector<16xf32>
      %add3A_1732 = arith.addf %add3A_1731, %mul3A_1729 : vector<16xf32>
      %mul3A_1733 = arith.mulf %mul3A_1718, %add3A_1732 : vector<16xf32>
      %add3A_1734 = arith.constant 1.000000e+00 : f32
      %add3A_1735 = vector.broadcast %add3A_1734 : f32 to vector<16xf32>
      %add3A_1736 = arith.addf %add3A_1735, %mul3A_1733 : vector<16xf32>
      %convert_element_type3A_1737 = arith.sitofp %select_n3A_1710 : vector<16xi32> to vector<16xf32>
      %mul3A_1738 = arith.constant 0.693147182 : f32
      %mul3A_1739 = vector.broadcast %mul3A_1738 : f32 to vector<16xf32>
      %mul3A_1740 = arith.mulf %convert_element_type3A_1737, %mul3A_1739 : vector<16xf32>
      %mul3A_1741 = arith.constant 2.000000e+00 : f32
      %mul3A_1742 = vector.broadcast %mul3A_1741 : f32 to vector<16xf32>
      %mul3A_1743 = arith.mulf %mul3A_1742, %div3A_1717 : vector<16xf32>
      %mul3A_1744 = arith.mulf %mul3A_1743, %add3A_1736 : vector<16xf32>
      %add3A_1745 = arith.addf %mul3A_1740, %mul3A_1744 : vector<16xf32>
      %ge3A_1746 = arith.constant 0 : i32
      %ge3A_1747 = vector.broadcast %ge3A_1746 : i32 to vector<16xi32>
      %ge3A_1748 = arith.cmpi sge, %sub3A_1685, %ge3A_1747 : vector<16xi32>
      tpu.vector_store_idx %arg17[%sub3A_1685], %add3A_1745 masked %ge3A_1748 {add = true} : memref<16xf32, #tpu.memory_space<vmem>>[vector<16xi32>], vector<16xf32>, vector<16xi1>
      %get3A_1749 = arith.constant 96 : index
      %get3A_1750 = tpu.vector_load %arg13[%get3A_1749] {strides = array<i32>} : memref<128xf32, #tpu.memory_space<vmem>>, vector<16xf32>,
      %get3A_1751 = arith.constant 224 : index
      %get3A_1752 = tpu.vector_load %arg8[%get3A_1751] {strides = array<i32>} : memref<272xi32, #tpu.memory_space<vmem>>, vector<16xi32>,
      %shift_right_arithmetic3A_1753 = arith.constant 26 : i32
      %shift_right_arithmetic3A_1754 = vector.broadcast %shift_right_arithmetic3A_1753 : i32 to vector<16xi32>
      %shift_right_arithmetic3A_1755 = arith.shrsi %get3A_1752, %shift_right_arithmetic3A_1754 : vector<16xi32>
      %and3A_1756 = arith.constant 31 : i32
      %and3A_1757 = vector.broadcast %and3A_1756 : i32 to vector<16xi32>
      %and3A_1758 = arith.andi %shift_right_arithmetic3A_1755, %and3A_1757 : vector<16xi32>
      %sub3A_1759 = arith.constant 1 : i32
      %sub3A_1760 = vector.broadcast %sub3A_1759 : i32 to vector<16xi32>
      %sub3A_1761 = arith.subi %and3A_1758, %sub3A_1760 : vector<16xi32>
      %bitcast3A_1762 = vector.bitcast %get3A_1750 : vector<16xf32> to vector<16xi32>
      %shift_right_arithmetic3A_1763 = arith.constant 23 : i32
      %shift_right_arithmetic3A_1764 = vector.broadcast %shift_right_arithmetic3A_1763 : i32 to vector<16xi32>
      %shift_right_arithmetic3A_1765 = arith.shrsi %bitcast3A_1762, %shift_right_arithmetic3A_1764 : vector<16xi32>
      %sub3A_1766 = arith.constant 127 : i32
      %sub3A_1767 = vector.broadcast %sub3A_1766 : i32 to vector<16xi32>
      %sub3A_1768 = arith.subi %shift_right_arithmetic3A_1765, %sub3A_1767 : vector<16xi32>
      %and3A_1769 = arith.constant 8388607 : i32
      %and3A_1770 = vector.broadcast %and3A_1769 : i32 to vector<16xi32>
      %and3A_1771 = arith.andi %bitcast3A_1762, %and3A_1770 : vector<16xi32>
      %or3A_1772 = arith.constant 1065353216 : i32
      %or3A_1773 = vector.broadcast %or3A_1772 : i32 to vector<16xi32>
      %or3A_1774 = arith.ori %and3A_1771, %or3A_1773 : vector<16xi32>
      %bitcast3A_1775 = vector.bitcast %or3A_1774 : vector<16xi32> to vector<16xf32>
      %gt3A_1776 = arith.constant 1.41421354 : f32
      %gt3A_1777 = vector.broadcast %gt3A_1776 : f32 to vector<16xf32>
      %gt3A_1778 = arith.cmpf ogt, %bitcast3A_1775, %gt3A_1777 : vector<16xf32>
      %mul3A_1779 = arith.constant 5.000000e-01 : f32
      %mul3A_1780 = vector.broadcast %mul3A_1779 : f32 to vector<16xf32>
      %mul3A_1781 = arith.mulf %bitcast3A_1775, %mul3A_1780 : vector<16xf32>
      %select_n3A_1782 = arith.select %gt3A_1778, %mul3A_1781, %bitcast3A_1775 : vector<16xi1>, vector<16xf32>
      %add3A_1783 = arith.constant 1 : i32
      %add3A_1784 = vector.broadcast %add3A_1783 : i32 to vector<16xi32>
      %add3A_1785 = arith.addi %sub3A_1768, %add3A_1784 : vector<16xi32>
      %select_n3A_1786 = arith.select %gt3A_1778, %add3A_1785, %sub3A_1768 : vector<16xi1>, vector<16xi32>
      %sub3A_1787 = arith.constant 1.000000e+00 : f32
      %sub3A_1788 = vector.broadcast %sub3A_1787 : f32 to vector<16xf32>
      %sub3A_1789 = arith.subf %select_n3A_1782, %sub3A_1788 : vector<16xf32>
      %add3A_1790 = arith.constant 1.000000e+00 : f32
      %add3A_1791 = vector.broadcast %add3A_1790 : f32 to vector<16xf32>
      %add3A_1792 = arith.addf %select_n3A_1782, %add3A_1791 : vector<16xf32>
      %div3A_1793 = arith.divf %sub3A_1789, %add3A_1792 : vector<16xf32>
      %mul3A_1794 = arith.mulf %div3A_1793, %div3A_1793 : vector<16xf32>
      %mul3A_1795 = arith.constant 0.111111112 : f32
      %mul3A_1796 = vector.broadcast %mul3A_1795 : f32 to vector<16xf32>
      %mul3A_1797 = arith.mulf %mul3A_1794, %mul3A_1796 : vector<16xf32>
      %add3A_1798 = arith.constant 0.142857149 : f32
      %add3A_1799 = vector.broadcast %add3A_1798 : f32 to vector<16xf32>
      %add3A_1800 = arith.addf %add3A_1799, %mul3A_1797 : vector<16xf32>
      %mul3A_1801 = arith.mulf %mul3A_1794, %add3A_1800 : vector<16xf32>
      %add3A_1802 = arith.constant 2.000000e-01 : f32
      %add3A_1803 = vector.broadcast %add3A_1802 : f32 to vector<16xf32>
      %add3A_1804 = arith.addf %add3A_1803, %mul3A_1801 : vector<16xf32>
      %mul3A_1805 = arith.mulf %mul3A_1794, %add3A_1804 : vector<16xf32>
      %add3A_1806 = arith.constant 0.333333343 : f32
      %add3A_1807 = vector.broadcast %add3A_1806 : f32 to vector<16xf32>
      %add3A_1808 = arith.addf %add3A_1807, %mul3A_1805 : vector<16xf32>
      %mul3A_1809 = arith.mulf %mul3A_1794, %add3A_1808 : vector<16xf32>
      %add3A_1810 = arith.constant 1.000000e+00 : f32
      %add3A_1811 = vector.broadcast %add3A_1810 : f32 to vector<16xf32>
      %add3A_1812 = arith.addf %add3A_1811, %mul3A_1809 : vector<16xf32>
      %convert_element_type3A_1813 = arith.sitofp %select_n3A_1786 : vector<16xi32> to vector<16xf32>
      %mul3A_1814 = arith.constant 0.693147182 : f32
      %mul3A_1815 = vector.broadcast %mul3A_1814 : f32 to vector<16xf32>
      %mul3A_1816 = arith.mulf %convert_element_type3A_1813, %mul3A_1815 : vector<16xf32>
      %mul3A_1817 = arith.constant 2.000000e+00 : f32
      %mul3A_1818 = vector.broadcast %mul3A_1817 : f32 to vector<16xf32>
      %mul3A_1819 = arith.mulf %mul3A_1818, %div3A_1793 : vector<16xf32>
      %mul3A_1820 = arith.mulf %mul3A_1819, %add3A_1812 : vector<16xf32>
      %add3A_1821 = arith.addf %mul3A_1816, %mul3A_1820 : vector<16xf32>
      %ge3A_1822 = arith.constant 0 : i32
      %ge3A_1823 = vector.broadcast %ge3A_1822 : i32 to vector<16xi32>
      %ge3A_1824 = arith.cmpi sge, %sub3A_1761, %ge3A_1823 : vector<16xi32>
      tpu.vector_store_idx %arg17[%sub3A_1761], %add3A_1821 masked %ge3A_1824 {add = true} : memref<16xf32, #tpu.memory_space<vmem>>[vector<16xi32>], vector<16xf32>, vector<16xi1>
      %get3A_1825 = arith.constant 112 : index
      %get3A_1826 = tpu.vector_load %arg13[%get3A_1825] {strides = array<i32>} : memref<128xf32, #tpu.memory_space<vmem>>, vector<16xf32>,
      %get3A_1827 = arith.constant 240 : index
      %get3A_1828 = tpu.vector_load %arg8[%get3A_1827] {strides = array<i32>} : memref<272xi32, #tpu.memory_space<vmem>>, vector<16xi32>,
      %shift_right_arithmetic3A_1829 = arith.constant 26 : i32
      %shift_right_arithmetic3A_1830 = vector.broadcast %shift_right_arithmetic3A_1829 : i32 to vector<16xi32>
      %shift_right_arithmetic3A_1831 = arith.shrsi %get3A_1828, %shift_right_arithmetic3A_1830 : vector<16xi32>
      %and3A_1832 = arith.constant 31 : i32
      %and3A_1833 = vector.broadcast %and3A_1832 : i32 to vector<16xi32>
      %and3A_1834 = arith.andi %shift_right_arithmetic3A_1831, %and3A_1833 : vector<16xi32>
      %sub3A_1835 = arith.constant 1 : i32
      %sub3A_1836 = vector.broadcast %sub3A_1835 : i32 to vector<16xi32>
      %sub3A_1837 = arith.subi %and3A_1834, %sub3A_1836 : vector<16xi32>
      %bitcast3A_1838 = vector.bitcast %get3A_1826 : vector<16xf32> to vector<16xi32>
      %shift_right_arithmetic3A_1839 = arith.constant 23 : i32
      %shift_right_arithmetic3A_1840 = vector.broadcast %shift_right_arithmetic3A_1839 : i32 to vector<16xi32>
      %shift_right_arithmetic3A_1841 = arith.shrsi %bitcast3A_1838, %shift_right_arithmetic3A_1840 : vector<16xi32>
      %sub3A_1842 = arith.constant 127 : i32
      %sub3A_1843 = vector.broadcast %sub3A_1842 : i32 to vector<16xi32>
      %sub3A_1844 = arith.subi %shift_right_arithmetic3A_1841, %sub3A_1843 : vector<16xi32>
      %and3A_1845 = arith.constant 8388607 : i32
      %and3A_1846 = vector.broadcast %and3A_1845 : i32 to vector<16xi32>
      %and3A_1847 = arith.andi %bitcast3A_1838, %and3A_1846 : vector<16xi32>
      %or3A_1848 = arith.constant 1065353216 : i32
      %or3A_1849 = vector.broadcast %or3A_1848 : i32 to vector<16xi32>
      %or3A_1850 = arith.ori %and3A_1847, %or3A_1849 : vector<16xi32>
      %bitcast3A_1851 = vector.bitcast %or3A_1850 : vector<16xi32> to vector<16xf32>
      %gt3A_1852 = arith.constant 1.41421354 : f32
      %gt3A_1853 = vector.broadcast %gt3A_1852 : f32 to vector<16xf32>
      %gt3A_1854 = arith.cmpf ogt, %bitcast3A_1851, %gt3A_1853 : vector<16xf32>
      %mul3A_1855 = arith.constant 5.000000e-01 : f32
      %mul3A_1856 = vector.broadcast %mul3A_1855 : f32 to vector<16xf32>
      %mul3A_1857 = arith.mulf %bitcast3A_1851, %mul3A_1856 : vector<16xf32>
      %select_n3A_1858 = arith.select %gt3A_1854, %mul3A_1857, %bitcast3A_1851 : vector<16xi1>, vector<16xf32>
      %add3A_1859 = arith.constant 1 : i32
      %add3A_1860 = vector.broadcast %add3A_1859 : i32 to vector<16xi32>
      %add3A_1861 = arith.addi %sub3A_1844, %add3A_1860 : vector<16xi32>
      %select_n3A_1862 = arith.select %gt3A_1854, %add3A_1861, %sub3A_1844 : vector<16xi1>, vector<16xi32>
      %sub3A_1863 = arith.constant 1.000000e+00 : f32
      %sub3A_1864 = vector.broadcast %sub3A_1863 : f32 to vector<16xf32>
      %sub3A_1865 = arith.subf %select_n3A_1858, %sub3A_1864 : vector<16xf32>
      %add3A_1866 = arith.constant 1.000000e+00 : f32
      %add3A_1867 = vector.broadcast %add3A_1866 : f32 to vector<16xf32>
      %add3A_1868 = arith.addf %select_n3A_1858, %add3A_1867 : vector<16xf32>
      %div3A_1869 = arith.divf %sub3A_1865, %add3A_1868 : vector<16xf32>
      %mul3A_1870 = arith.mulf %div3A_1869, %div3A_1869 : vector<16xf32>
      %mul3A_1871 = arith.constant 0.111111112 : f32
      %mul3A_1872 = vector.broadcast %mul3A_1871 : f32 to vector<16xf32>
      %mul3A_1873 = arith.mulf %mul3A_1870, %mul3A_1872 : vector<16xf32>
      %add3A_1874 = arith.constant 0.142857149 : f32
      %add3A_1875 = vector.broadcast %add3A_1874 : f32 to vector<16xf32>
      %add3A_1876 = arith.addf %add3A_1875, %mul3A_1873 : vector<16xf32>
      %mul3A_1877 = arith.mulf %mul3A_1870, %add3A_1876 : vector<16xf32>
      %add3A_1878 = arith.constant 2.000000e-01 : f32
      %add3A_1879 = vector.broadcast %add3A_1878 : f32 to vector<16xf32>
      %add3A_1880 = arith.addf %add3A_1879, %mul3A_1877 : vector<16xf32>
      %mul3A_1881 = arith.mulf %mul3A_1870, %add3A_1880 : vector<16xf32>
      %add3A_1882 = arith.constant 0.333333343 : f32
      %add3A_1883 = vector.broadcast %add3A_1882 : f32 to vector<16xf32>
      %add3A_1884 = arith.addf %add3A_1883, %mul3A_1881 : vector<16xf32>
      %mul3A_1885 = arith.mulf %mul3A_1870, %add3A_1884 : vector<16xf32>
      %add3A_1886 = arith.constant 1.000000e+00 : f32
      %add3A_1887 = vector.broadcast %add3A_1886 : f32 to vector<16xf32>
      %add3A_1888 = arith.addf %add3A_1887, %mul3A_1885 : vector<16xf32>
      %convert_element_type3A_1889 = arith.sitofp %select_n3A_1862 : vector<16xi32> to vector<16xf32>
      %mul3A_1890 = arith.constant 0.693147182 : f32
      %mul3A_1891 = vector.broadcast %mul3A_1890 : f32 to vector<16xf32>
      %mul3A_1892 = arith.mulf %convert_element_type3A_1889, %mul3A_1891 : vector<16xf32>
      %mul3A_1893 = arith.constant 2.000000e+00 : f32
      %mul3A_1894 = vector.broadcast %mul3A_1893 : f32 to vector<16xf32>
      %mul3A_1895 = arith.mulf %mul3A_1894, %div3A_1869 : vector<16xf32>
      %mul3A_1896 = arith.mulf %mul3A_1895, %add3A_1888 : vector<16xf32>
      %add3A_1897 = arith.addf %mul3A_1892, %mul3A_1896 : vector<16xf32>
      %ge3A_1898 = arith.constant 0 : i32
      %ge3A_1899 = vector.broadcast %ge3A_1898 : i32 to vector<16xi32>
      %ge3A_1900 = arith.cmpi sge, %sub3A_1837, %ge3A_1899 : vector<16xi32>
      tpu.vector_store_idx %arg17[%sub3A_1837], %add3A_1897 masked %ge3A_1900 {add = true} : memref<16xf32, #tpu.memory_space<vmem>>[vector<16xi32>], vector<16xf32>, vector<16xi1>
      %get3A_1901 = arith.constant 0 : index
      %get3A_1902 = tpu.vector_load %arg14[%get3A_1901] {strides = array<i32>} : memref<16xf32, #tpu.memory_space<vmem>>, vector<16xf32>,
      %get3A_1903 = arith.constant 256 : index
      %get3A_1904 = tpu.vector_load %arg8[%get3A_1903] {strides = array<i32>} : memref<272xi32, #tpu.memory_space<vmem>>, vector<16xi32>,
      %shift_right_arithmetic3A_1905 = arith.constant 26 : i32
      %shift_right_arithmetic3A_1906 = vector.broadcast %shift_right_arithmetic3A_1905 : i32 to vector<16xi32>
      %shift_right_arithmetic3A_1907 = arith.shrsi %get3A_1904, %shift_right_arithmetic3A_1906 : vector<16xi32>
      %and3A_1908 = arith.constant 31 : i32
      %and3A_1909 = vector.broadcast %and3A_1908 : i32 to vector<16xi32>
      %and3A_1910 = arith.andi %shift_right_arithmetic3A_1907, %and3A_1909 : vector<16xi32>
      %sub3A_1911 = arith.constant 1 : i32
      %sub3A_1912 = vector.broadcast %sub3A_1911 : i32 to vector<16xi32>
      %sub3A_1913 = arith.subi %and3A_1910, %sub3A_1912 : vector<16xi32>
      %bitcast3A_1914 = vector.bitcast %get3A_1902 : vector<16xf32> to vector<16xi32>
      %shift_right_arithmetic3A_1915 = arith.constant 23 : i32
      %shift_right_arithmetic3A_1916 = vector.broadcast %shift_right_arithmetic3A_1915 : i32 to vector<16xi32>
      %shift_right_arithmetic3A_1917 = arith.shrsi %bitcast3A_1914, %shift_right_arithmetic3A_1916 : vector<16xi32>
      %sub3A_1918 = arith.constant 127 : i32
      %sub3A_1919 = vector.broadcast %sub3A_1918 : i32 to vector<16xi32>
      %sub3A_1920 = arith.subi %shift_right_arithmetic3A_1917, %sub3A_1919 : vector<16xi32>
      %and3A_1921 = arith.constant 8388607 : i32
      %and3A_1922 = vector.broadcast %and3A_1921 : i32 to vector<16xi32>
      %and3A_1923 = arith.andi %bitcast3A_1914, %and3A_1922 : vector<16xi32>
      %or3A_1924 = arith.constant 1065353216 : i32
      %or3A_1925 = vector.broadcast %or3A_1924 : i32 to vector<16xi32>
      %or3A_1926 = arith.ori %and3A_1923, %or3A_1925 : vector<16xi32>
      %bitcast3A_1927 = vector.bitcast %or3A_1926 : vector<16xi32> to vector<16xf32>
      %gt3A_1928 = arith.constant 1.41421354 : f32
      %gt3A_1929 = vector.broadcast %gt3A_1928 : f32 to vector<16xf32>
      %gt3A_1930 = arith.cmpf ogt, %bitcast3A_1927, %gt3A_1929 : vector<16xf32>
      %mul3A_1931 = arith.constant 5.000000e-01 : f32
      %mul3A_1932 = vector.broadcast %mul3A_1931 : f32 to vector<16xf32>
      %mul3A_1933 = arith.mulf %bitcast3A_1927, %mul3A_1932 : vector<16xf32>
      %select_n3A_1934 = arith.select %gt3A_1930, %mul3A_1933, %bitcast3A_1927 : vector<16xi1>, vector<16xf32>
      %add3A_1935 = arith.constant 1 : i32
      %add3A_1936 = vector.broadcast %add3A_1935 : i32 to vector<16xi32>
      %add3A_1937 = arith.addi %sub3A_1920, %add3A_1936 : vector<16xi32>
      %select_n3A_1938 = arith.select %gt3A_1930, %add3A_1937, %sub3A_1920 : vector<16xi1>, vector<16xi32>
      %sub3A_1939 = arith.constant 1.000000e+00 : f32
      %sub3A_1940 = vector.broadcast %sub3A_1939 : f32 to vector<16xf32>
      %sub3A_1941 = arith.subf %select_n3A_1934, %sub3A_1940 : vector<16xf32>
      %add3A_1942 = arith.constant 1.000000e+00 : f32
      %add3A_1943 = vector.broadcast %add3A_1942 : f32 to vector<16xf32>
      %add3A_1944 = arith.addf %select_n3A_1934, %add3A_1943 : vector<16xf32>
      %div3A_1945 = arith.divf %sub3A_1941, %add3A_1944 : vector<16xf32>
      %mul3A_1946 = arith.mulf %div3A_1945, %div3A_1945 : vector<16xf32>
      %mul3A_1947 = arith.constant 0.111111112 : f32
      %mul3A_1948 = vector.broadcast %mul3A_1947 : f32 to vector<16xf32>
      %mul3A_1949 = arith.mulf %mul3A_1946, %mul3A_1948 : vector<16xf32>
      %add3A_1950 = arith.constant 0.142857149 : f32
      %add3A_1951 = vector.broadcast %add3A_1950 : f32 to vector<16xf32>
      %add3A_1952 = arith.addf %add3A_1951, %mul3A_1949 : vector<16xf32>
      %mul3A_1953 = arith.mulf %mul3A_1946, %add3A_1952 : vector<16xf32>
      %add3A_1954 = arith.constant 2.000000e-01 : f32
      %add3A_1955 = vector.broadcast %add3A_1954 : f32 to vector<16xf32>
      %add3A_1956 = arith.addf %add3A_1955, %mul3A_1953 : vector<16xf32>
      %mul3A_1957 = arith.mulf %mul3A_1946, %add3A_1956 : vector<16xf32>
      %add3A_1958 = arith.constant 0.333333343 : f32
      %add3A_1959 = vector.broadcast %add3A_1958 : f32 to vector<16xf32>
      %add3A_1960 = arith.addf %add3A_1959, %mul3A_1957 : vector<16xf32>
      %mul3A_1961 = arith.mulf %mul3A_1946, %add3A_1960 : vector<16xf32>
      %add3A_1962 = arith.constant 1.000000e+00 : f32
      %add3A_1963 = vector.broadcast %add3A_1962 : f32 to vector<16xf32>
      %add3A_1964 = arith.addf %add3A_1963, %mul3A_1961 : vector<16xf32>
      %convert_element_type3A_1965 = arith.sitofp %select_n3A_1938 : vector<16xi32> to vector<16xf32>
      %mul3A_1966 = arith.constant 0.693147182 : f32
      %mul3A_1967 = vector.broadcast %mul3A_1966 : f32 to vector<16xf32>
      %mul3A_1968 = arith.mulf %convert_element_type3A_1965, %mul3A_1967 : vector<16xf32>
      %mul3A_1969 = arith.constant 2.000000e+00 : f32
      %mul3A_1970 = vector.broadcast %mul3A_1969 : f32 to vector<16xf32>
      %mul3A_1971 = arith.mulf %mul3A_1970, %div3A_1945 : vector<16xf32>
      %mul3A_1972 = arith.mulf %mul3A_1971, %add3A_1964 : vector<16xf32>
      %add3A_1973 = arith.addf %mul3A_1968, %mul3A_1972 : vector<16xf32>
      %ge3A_1974 = arith.constant 0 : i32
      %ge3A_1975 = vector.broadcast %ge3A_1974 : i32 to vector<16xi32>
      %ge3A_1976 = arith.cmpi sge, %sub3A_1913, %ge3A_1975 : vector<16xi32>
      tpu.vector_store_idx %arg17[%sub3A_1913], %add3A_1973 masked %ge3A_1976 {add = true} : memref<16xf32, #tpu.memory_space<vmem>>[vector<16xi32>], vector<16xf32>, vector<16xi1>
      "tpu.trace_stop"() : () -> ()
      "tpu.trace_start"() <{level = 10 : i32, message = "xreduce"}> : () -> ()
      "tpu.region"() ({
        %run_scoped3A = tpu.sem_alloc : memref<!tpu.dma_semaphore, #tpu.memory_space<semaphore_mem>>
        %dma_start3A_1982 = arith.constant 0 : i32
        %dma_start3A_1983 = tpu.memref_slice %arg20[%arg1, %dma_start3A_1982] : memref<16x16xf32, #tpu.memory_space<vmem_shared>> -> memref<1x16xf32, #tpu.memory_space<vmem_shared>>
        %dma_start3A_1984 = tpu.memref_squeeze %dma_start3A_1983 : memref<1x16xf32, #tpu.memory_space<vmem_shared>> -> memref<16xf32, #tpu.memory_space<vmem_shared>>
        %dma_start3A_1985 = arith.constant 0 : i32
        %dma_start3A_1986 = tpu.memref_slice %arg20[%arg1, %dma_start3A_1985] : memref<16x16xf32, #tpu.memory_space<vmem_shared>> -> memref<1x16xf32, #tpu.memory_space<vmem_shared>>
        %dma_start3A_1987 = tpu.memref_squeeze %dma_start3A_1986 : memref<1x16xf32, #tpu.memory_space<vmem_shared>> -> memref<16xf32, #tpu.memory_space<vmem_shared>>
        tpu.enqueue_dma source(%arg17 : memref<16xf32, #tpu.memory_space<vmem>>) target(%dma_start3A_1987 : memref<16xf32, #tpu.memory_space<vmem_shared>>) target_semaphore(%run_scoped3A : memref<!tpu.dma_semaphore, #tpu.memory_space<semaphore_mem>>)
        %dma_wait3A_1988 = arith.constant 0 : i32
        %dma_wait3A_1989 = tpu.memref_slice %arg20[%arg1, %dma_wait3A_1988] : memref<16x16xf32, #tpu.memory_space<vmem_shared>> -> memref<1x16xf32, #tpu.memory_space<vmem_shared>>
        %dma_wait3A_1990 = tpu.memref_squeeze %dma_wait3A_1989 : memref<1x16xf32, #tpu.memory_space<vmem_shared>> -> memref<16xf32, #tpu.memory_space<vmem_shared>>
        %dma_wait3A_1991 = arith.constant 0 : i32
        %dma_wait3A_1992 = tpu.memref_slice %arg20[%arg1, %dma_wait3A_1991] : memref<16x16xf32, #tpu.memory_space<vmem_shared>> -> memref<1x16xf32, #tpu.memory_space<vmem_shared>>
        %dma_wait3A_1993 = tpu.memref_squeeze %dma_wait3A_1992 : memref<1x16xf32, #tpu.memory_space<vmem_shared>> -> memref<16xf32, #tpu.memory_space<vmem_shared>>
        tpu.wait_dma2 semaphore(%run_scoped3A : memref<!tpu.dma_semaphore, #tpu.memory_space<semaphore_mem>>) src(%arg17 : memref<16xf32, #tpu.memory_space<vmem>>) dst(%dma_wait3A_1993 : memref<16xf32, #tpu.memory_space<vmem_shared>>)
        tpu.yield
      }) : () -> ()
      %barrier3A = arith.constant 0 : index
      tpu.barrier barrier_id(%barrier3A)
      %eq3A_1977 = arith.constant 0 : i32
      %eq3A_1978 = arith.cmpi eq, %arg1, %eq3A_1977 : i32
      %convert_element_type3A_1979 = arith.extui %eq3A_1978 : i1 to i32
      %cond3A_1980 = arith.constant 0 : i32
      %cond3A_1981 = arith.cmpi ne, %convert_element_type3A_1979, %cond3A_1980 : i32
      scf.if %cond3A_1981 {
        "tpu.region"() ({
          %run_scoped3A = tpu.sem_alloc : memref<!tpu.dma_semaphore, #tpu.memory_space<semaphore_mem>>
          tpu.enqueue_dma source(%arg20 : memref<16x16xf32, #tpu.memory_space<vmem_shared>>) target(%arg18 : memref<16x16xf32, #tpu.memory_space<vmem>>) target_semaphore(%run_scoped3A : memref<!tpu.dma_semaphore, #tpu.memory_space<semaphore_mem>>)
          tpu.wait_dma2 semaphore(%run_scoped3A : memref<!tpu.dma_semaphore, #tpu.memory_space<semaphore_mem>>) src(%arg20 : memref<16x16xf32, #tpu.memory_space<vmem_shared>>) dst(%arg18 : memref<16x16xf32, #tpu.memory_space<vmem>>)
          tpu.yield
        }) : () -> ()
        %get3A_1982 = arith.constant 0 : i32
        %get3A_1983 = arith.index_cast %get3A_1982 : i32 to index
        %get3A_1984 = arith.constant 0 : index
        %get3A_1985 = tpu.vector_load %arg18[%get3A_1983, %get3A_1984] {strides = array<i32>} : memref<16x16xf32, #tpu.memory_space<vmem>>, vector<16xf32>,
        %get3A_1986 = arith.constant 1 : i32
        %get3A_1987 = arith.index_cast %get3A_1986 : i32 to index
        %get3A_1988 = arith.constant 0 : index
        %get3A_1989 = tpu.vector_load %arg18[%get3A_1987, %get3A_1988] {strides = array<i32>} : memref<16x16xf32, #tpu.memory_space<vmem>>, vector<16xf32>,
        %add3A_1990 = arith.addf %get3A_1985, %get3A_1989 : vector<16xf32>
        %get3A_1991 = arith.constant 2 : i32
        %get3A_1992 = arith.index_cast %get3A_1991 : i32 to index
        %get3A_1993 = arith.constant 0 : index
        %get3A_1994 = tpu.vector_load %arg18[%get3A_1992, %get3A_1993] {strides = array<i32>} : memref<16x16xf32, #tpu.memory_space<vmem>>, vector<16xf32>,
        %add3A_1995 = arith.addf %add3A_1990, %get3A_1994 : vector<16xf32>
        %get3A_1996 = arith.constant 3 : i32
        %get3A_1997 = arith.index_cast %get3A_1996 : i32 to index
        %get3A_1998 = arith.constant 0 : index
        %get3A_1999 = tpu.vector_load %arg18[%get3A_1997, %get3A_1998] {strides = array<i32>} : memref<16x16xf32, #tpu.memory_space<vmem>>, vector<16xf32>,
        %add3A_2000 = arith.addf %add3A_1995, %get3A_1999 : vector<16xf32>
        %get3A_2001 = arith.constant 4 : i32
        %get3A_2002 = arith.index_cast %get3A_2001 : i32 to index
        %get3A_2003 = arith.constant 0 : index
        %get3A_2004 = tpu.vector_load %arg18[%get3A_2002, %get3A_2003] {strides = array<i32>} : memref<16x16xf32, #tpu.memory_space<vmem>>, vector<16xf32>,
        %add3A_2005 = arith.addf %add3A_2000, %get3A_2004 : vector<16xf32>
        %get3A_2006 = arith.constant 5 : i32
        %get3A_2007 = arith.index_cast %get3A_2006 : i32 to index
        %get3A_2008 = arith.constant 0 : index
        %get3A_2009 = tpu.vector_load %arg18[%get3A_2007, %get3A_2008] {strides = array<i32>} : memref<16x16xf32, #tpu.memory_space<vmem>>, vector<16xf32>,
        %add3A_2010 = arith.addf %add3A_2005, %get3A_2009 : vector<16xf32>
        %get3A_2011 = arith.constant 6 : i32
        %get3A_2012 = arith.index_cast %get3A_2011 : i32 to index
        %get3A_2013 = arith.constant 0 : index
        %get3A_2014 = tpu.vector_load %arg18[%get3A_2012, %get3A_2013] {strides = array<i32>} : memref<16x16xf32, #tpu.memory_space<vmem>>, vector<16xf32>,
        %add3A_2015 = arith.addf %add3A_2010, %get3A_2014 : vector<16xf32>
        %get3A_2016 = arith.constant 7 : i32
        %get3A_2017 = arith.index_cast %get3A_2016 : i32 to index
        %get3A_2018 = arith.constant 0 : index
        %get3A_2019 = tpu.vector_load %arg18[%get3A_2017, %get3A_2018] {strides = array<i32>} : memref<16x16xf32, #tpu.memory_space<vmem>>, vector<16xf32>,
        %add3A_2020 = arith.addf %add3A_2015, %get3A_2019 : vector<16xf32>
        %get3A_2021 = arith.constant 8 : i32
        %get3A_2022 = arith.index_cast %get3A_2021 : i32 to index
        %get3A_2023 = arith.constant 0 : index
        %get3A_2024 = tpu.vector_load %arg18[%get3A_2022, %get3A_2023] {strides = array<i32>} : memref<16x16xf32, #tpu.memory_space<vmem>>, vector<16xf32>,
        %add3A_2025 = arith.addf %add3A_2020, %get3A_2024 : vector<16xf32>
        %get3A_2026 = arith.constant 9 : i32
        %get3A_2027 = arith.index_cast %get3A_2026 : i32 to index
        %get3A_2028 = arith.constant 0 : index
        %get3A_2029 = tpu.vector_load %arg18[%get3A_2027, %get3A_2028] {strides = array<i32>} : memref<16x16xf32, #tpu.memory_space<vmem>>, vector<16xf32>,
        %add3A_2030 = arith.addf %add3A_2025, %get3A_2029 : vector<16xf32>
        %get3A_2031 = arith.constant 10 : i32
        %get3A_2032 = arith.index_cast %get3A_2031 : i32 to index
        %get3A_2033 = arith.constant 0 : index
        %get3A_2034 = tpu.vector_load %arg18[%get3A_2032, %get3A_2033] {strides = array<i32>} : memref<16x16xf32, #tpu.memory_space<vmem>>, vector<16xf32>,
        %add3A_2035 = arith.addf %add3A_2030, %get3A_2034 : vector<16xf32>
        %get3A_2036 = arith.constant 11 : i32
        %get3A_2037 = arith.index_cast %get3A_2036 : i32 to index
        %get3A_2038 = arith.constant 0 : index
        %get3A_2039 = tpu.vector_load %arg18[%get3A_2037, %get3A_2038] {strides = array<i32>} : memref<16x16xf32, #tpu.memory_space<vmem>>, vector<16xf32>,
        %add3A_2040 = arith.addf %add3A_2035, %get3A_2039 : vector<16xf32>
        %get3A_2041 = arith.constant 12 : i32
        %get3A_2042 = arith.index_cast %get3A_2041 : i32 to index
        %get3A_2043 = arith.constant 0 : index
        %get3A_2044 = tpu.vector_load %arg18[%get3A_2042, %get3A_2043] {strides = array<i32>} : memref<16x16xf32, #tpu.memory_space<vmem>>, vector<16xf32>,
        %add3A_2045 = arith.addf %add3A_2040, %get3A_2044 : vector<16xf32>
        %get3A_2046 = arith.constant 13 : i32
        %get3A_2047 = arith.index_cast %get3A_2046 : i32 to index
        %get3A_2048 = arith.constant 0 : index
        %get3A_2049 = tpu.vector_load %arg18[%get3A_2047, %get3A_2048] {strides = array<i32>} : memref<16x16xf32, #tpu.memory_space<vmem>>, vector<16xf32>,
        %add3A_2050 = arith.addf %add3A_2045, %get3A_2049 : vector<16xf32>
        %get3A_2051 = arith.constant 14 : i32
        %get3A_2052 = arith.index_cast %get3A_2051 : i32 to index
        %get3A_2053 = arith.constant 0 : index
        %get3A_2054 = tpu.vector_load %arg18[%get3A_2052, %get3A_2053] {strides = array<i32>} : memref<16x16xf32, #tpu.memory_space<vmem>>, vector<16xf32>,
        %add3A_2055 = arith.addf %add3A_2050, %get3A_2054 : vector<16xf32>
        %get3A_2056 = arith.constant 15 : i32
        %get3A_2057 = arith.index_cast %get3A_2056 : i32 to index
        %get3A_2058 = arith.constant 0 : index
        %get3A_2059 = tpu.vector_load %arg18[%get3A_2057, %get3A_2058] {strides = array<i32>} : memref<16x16xf32, #tpu.memory_space<vmem>>, vector<16xf32>,
        %add3A_2060 = arith.addf %add3A_2055, %get3A_2059 : vector<16xf32>
        %reduce_max3A = arith.constant true
        %reduce_max3A_2061 = vector.broadcast %reduce_max3A : i1 to vector<16xi1>
        %reduce_max3A_2062 = tpu.scan <max>, %add3A_2060 masked %reduce_max3A_2061 : vector<16xf32>, vector<16xi1> -> vector<16xf32>
        %reduce_max3A_2063 = vector.extract %reduce_max3A_2062[15] : f32 from vector<16xf32>
        %sub3A_2064 = vector.broadcast %reduce_max3A_2063 : f32 to vector<16xf32>
        %sub3A_2065 = arith.subf %add3A_2060, %sub3A_2064 : vector<16xf32>
        %exp3A = math.exp %sub3A_2065 : vector<16xf32>
        %reduce_sum3A = arith.constant true
        %reduce_sum3A_2066 = vector.broadcast %reduce_sum3A : i1 to vector<16xi1>
        %reduce_sum3A_2067 = tpu.scan <sum>, %exp3A masked %reduce_sum3A_2066 : vector<16xf32>, vector<16xi1> -> vector<16xf32>
        %reduce_sum3A_2068 = vector.extract %reduce_sum3A_2067[15] : f32 from vector<16xf32>
        %broadcast_in_dim3A_2069 = vector.broadcast %reduce_sum3A_2068 : f32 to vector<16xf32>
        %bitcast3A_2070 = vector.bitcast %broadcast_in_dim3A_2069 : vector<16xf32> to vector<16xi32>
        %shift_right_arithmetic3A_2071 = arith.constant 23 : i32
        %shift_right_arithmetic3A_2072 = vector.broadcast %shift_right_arithmetic3A_2071 : i32 to vector<16xi32>
        %shift_right_arithmetic3A_2073 = arith.shrsi %bitcast3A_2070, %shift_right_arithmetic3A_2072 : vector<16xi32>
        %sub3A_2074 = arith.constant 127 : i32
        %sub3A_2075 = vector.broadcast %sub3A_2074 : i32 to vector<16xi32>
        %sub3A_2076 = arith.subi %shift_right_arithmetic3A_2073, %sub3A_2075 : vector<16xi32>
        %and3A_2077 = arith.constant 8388607 : i32
        %and3A_2078 = vector.broadcast %and3A_2077 : i32 to vector<16xi32>
        %and3A_2079 = arith.andi %bitcast3A_2070, %and3A_2078 : vector<16xi32>
        %or3A_2080 = arith.constant 1065353216 : i32
        %or3A_2081 = vector.broadcast %or3A_2080 : i32 to vector<16xi32>
        %or3A_2082 = arith.ori %and3A_2079, %or3A_2081 : vector<16xi32>
        %bitcast3A_2083 = vector.bitcast %or3A_2082 : vector<16xi32> to vector<16xf32>
        %gt3A_2084 = arith.constant 1.41421354 : f32
        %gt3A_2085 = vector.broadcast %gt3A_2084 : f32 to vector<16xf32>
        %gt3A_2086 = arith.cmpf ogt, %bitcast3A_2083, %gt3A_2085 : vector<16xf32>
        %mul3A_2087 = arith.constant 5.000000e-01 : f32
        %mul3A_2088 = vector.broadcast %mul3A_2087 : f32 to vector<16xf32>
        %mul3A_2089 = arith.mulf %bitcast3A_2083, %mul3A_2088 : vector<16xf32>
        %select_n3A_2090 = arith.select %gt3A_2086, %mul3A_2089, %bitcast3A_2083 : vector<16xi1>, vector<16xf32>
        %add3A_2091 = arith.constant 1 : i32
        %add3A_2092 = vector.broadcast %add3A_2091 : i32 to vector<16xi32>
        %add3A_2093 = arith.addi %sub3A_2076, %add3A_2092 : vector<16xi32>
        %select_n3A_2094 = arith.select %gt3A_2086, %add3A_2093, %sub3A_2076 : vector<16xi1>, vector<16xi32>
        %sub3A_2095 = arith.constant 1.000000e+00 : f32
        %sub3A_2096 = vector.broadcast %sub3A_2095 : f32 to vector<16xf32>
        %sub3A_2097 = arith.subf %select_n3A_2090, %sub3A_2096 : vector<16xf32>
        %add3A_2098 = arith.constant 1.000000e+00 : f32
        %add3A_2099 = vector.broadcast %add3A_2098 : f32 to vector<16xf32>
        %add3A_2100 = arith.addf %select_n3A_2090, %add3A_2099 : vector<16xf32>
        %div3A_2101 = arith.divf %sub3A_2097, %add3A_2100 : vector<16xf32>
        %mul3A_2102 = arith.mulf %div3A_2101, %div3A_2101 : vector<16xf32>
        %mul3A_2103 = arith.constant 0.111111112 : f32
        %mul3A_2104 = vector.broadcast %mul3A_2103 : f32 to vector<16xf32>
        %mul3A_2105 = arith.mulf %mul3A_2102, %mul3A_2104 : vector<16xf32>
        %add3A_2106 = arith.constant 0.142857149 : f32
        %add3A_2107 = vector.broadcast %add3A_2106 : f32 to vector<16xf32>
        %add3A_2108 = arith.addf %add3A_2107, %mul3A_2105 : vector<16xf32>
        %mul3A_2109 = arith.mulf %mul3A_2102, %add3A_2108 : vector<16xf32>
        %add3A_2110 = arith.constant 2.000000e-01 : f32
        %add3A_2111 = vector.broadcast %add3A_2110 : f32 to vector<16xf32>
        %add3A_2112 = arith.addf %add3A_2111, %mul3A_2109 : vector<16xf32>
        %mul3A_2113 = arith.mulf %mul3A_2102, %add3A_2112 : vector<16xf32>
        %add3A_2114 = arith.constant 0.333333343 : f32
        %add3A_2115 = vector.broadcast %add3A_2114 : f32 to vector<16xf32>
        %add3A_2116 = arith.addf %add3A_2115, %mul3A_2113 : vector<16xf32>
        %mul3A_2117 = arith.mulf %mul3A_2102, %add3A_2116 : vector<16xf32>
        %add3A_2118 = arith.constant 1.000000e+00 : f32
        %add3A_2119 = vector.broadcast %add3A_2118 : f32 to vector<16xf32>
        %add3A_2120 = arith.addf %add3A_2119, %mul3A_2117 : vector<16xf32>
        %convert_element_type3A_2121 = arith.sitofp %select_n3A_2094 : vector<16xi32> to vector<16xf32>
        %mul3A_2122 = arith.constant 0.693147182 : f32
        %mul3A_2123 = vector.broadcast %mul3A_2122 : f32 to vector<16xf32>
        %mul3A_2124 = arith.mulf %convert_element_type3A_2121, %mul3A_2123 : vector<16xf32>
        %mul3A_2125 = arith.constant 2.000000e+00 : f32
        %mul3A_2126 = vector.broadcast %mul3A_2125 : f32 to vector<16xf32>
        %mul3A_2127 = arith.mulf %mul3A_2126, %div3A_2101 : vector<16xf32>
        %mul3A_2128 = arith.mulf %mul3A_2127, %add3A_2120 : vector<16xf32>
        %add3A_2129 = arith.addf %mul3A_2124, %mul3A_2128 : vector<16xf32>
        %add3A_2130 = vector.broadcast %reduce_max3A_2063 : f32 to vector<16xf32>
        %add3A_2131 = arith.addf %add3A_2130, %add3A_2129 : vector<16xf32>
        %neg3A = arith.constant 0.000000e+00 : f32
        %neg3A_2132 = vector.broadcast %neg3A : f32 to vector<16xf32>
        %neg3A_2133 = arith.subf %neg3A_2132, %add3A_2131 : vector<16xf32>
        %swap3A_2134 = arith.constant 0 : index
        %swap3A_2135 = tpu.vector_load %arg19[%swap3A_2134] {strides = array<i32>} : memref<16xf32, #tpu.memory_space<vmem>>, vector<16xf32>,
        tpu.vector_store %arg19[%swap3A_2134], %neg3A_2133 {strides = array<i32>} : memref<16xf32, #tpu.memory_space<vmem>>, vector<16xf32>,
        "tpu.region"() ({
          %run_scoped3A = tpu.sem_alloc : memref<!tpu.dma_semaphore, #tpu.memory_space<semaphore_mem>>
          tpu.enqueue_dma source(%arg19 : memref<16xf32, #tpu.memory_space<vmem>>) target(%arg6 : memref<16xf32, #tpu.memory_space<hbm>>) target_semaphore(%run_scoped3A : memref<!tpu.dma_semaphore, #tpu.memory_space<semaphore_mem>>)
          tpu.wait_dma2 semaphore(%run_scoped3A : memref<!tpu.dma_semaphore, #tpu.memory_space<semaphore_mem>>) src(%arg19 : memref<16xf32, #tpu.memory_space<vmem>>) dst(%arg6 : memref<16xf32, #tpu.memory_space<hbm>>)
          tpu.yield
        }) : () -> ()
      } else {
      }
      "tpu.trace_stop"() : () -> ()
    } else {
    }
    return
  }
}

</mosaic_0001>

<sc_bundles>
// kernel: kernel.3.cloned.1.call-start
scs
__scs_entry_jumppad:
0x0: {  	(pc) =	sbr.rel $0x88, $3  }
0x1: {  	(tag) =	ssettag $0x0;
	lr =	simm.s32 $0x1  }
0x2: {  	[smem:$0x3F9E] =	sst lr;
	_ =	strace $0xD0000000  }
0x3: {  	_ = 	snop  }
0x4: {  	_ = 	snop  }
0x5: {  	_ = 	snop  }
0x6: {  	_ = 	snop  }
0x7: {  	_ = 	snop  }
__scs_overlays_trampoline_lowered:
0x8: {  	[smem:$0x3FAD] =	sst s0  }
0x9: {  	[smem:$0x3FAE] =	sst s1  }
0xa: {  	[smem:$0x3FAF] =	sst s2  }
0xb: {  	[smem:$0x3FB0] =	sst s3  }
0xc: {  	[smem:$0x3FB1] =	sst s4  }
0xd: {  	[smem:$0x3FB2] =	sst s5  }
0xe: {  	[smem:$0x3FB3] =	sst s6  }
0xf: {  	[smem:$0x3FB4] =	sst s7  }
0x10: {  	[smem:$0x3FB5] =	sst s8  }
0x11: {  	[smem:$0x3FB6] =	sst s9;
	s0 =	simm.s32 @!p0 $0x0  }
0x12: {  	s1 =	sld [smem:$0x3F9C];
	s0 =	simm.s32 @p0 $0x1  }
0x13: {  	[smem:$0x3FB7] =	sst s0;
	s0 =	simm.s32 @!p1 $0x0  }
0x14: {  	s2 =	sld [smem:$0x3F9B];
	s0 =	simm.s32 @p1 $0x1  }
0x15: {  	[smem:$0x3FB8] =	sst s0;
	s0 =	simm.s32 @!p2 $0x0  }
0x16: {  	s3 =	sld [smem:$0x3FDB];
	s0 =	simm.s32 @p2 $0x1  }
0x17: {  	s4 =	simm.s32 $0x1BF5;
	[smem:$0x3FBA] =	sst s0  }
0x18: {  	s0 =	sld [smem:$0x3F9D];
	_ =	swait.ge [sflag:s4], $0x0  }
0x19: {  	s7 =	sld [smem:$0x3F9E]  }
0x1a: {  	s8 =	sadd.s32 $0xFFFFE003, lr  }
0x1b: {  	s9 =	sadd.s32 $0xFFFFFEF7, lr;
	s5 =	simm.s32 $0xFFFFFFFF;
	p2 =	slt.u32 s8, $0xFFFFF086  }
0x1c: {  	p1 =	slt.u32 s9, $0xF7A;
	s5 =	simm.s32 @!p2 $0x0  }
0x1d: {  	s5 =	simm.s32 @p1 $0x1;
	p0 =	seq.s32 s7, s2  }
0x1e: {  	s7 =	smul.u32 @!p0 $0xF7A, s2;
	p2 =	seq.s32 @!p0 s5, $0x0  }
0x1f: {  	s9 =	smul.u32 $0xF7A, s1;
	s8 =	simm.s32 @!p0 $0x1BF5;
	p2 =	por !p2, p0  }
0x20: {  	[sflag:s8] =	ssyncset.s32 @!p0 $0xFFFFF086;
	s6 =	sadd.s32 @!p0 s3, s7;
	s7 =	simm.s32 @!p0 $0x108  }
0x21: {  	s3 =	sadd.s32 s3, s9;
	s6 =	sadd.s32 @!p0 $0x88, s6;
	s7 =	simm.s32 @p2 $0x1082  }
0x22: {  	[simem:s7], [sflag:s8] =	dma.local @!p0 [hbm:s6], $0xF7A  }
0x23: {  	s9 =	sor.u32 $0xD0000000, s2;
	s6 =	simm.s32 $0x108;
	_ =	swait.ge @!p0 [sflag:s8], $0x0  }
0x24: {  	s3 =	sadd.s32 $0x88, s3;
	s6 =	simm.s32 @!p1 $0x1082;
	[sflag:s4] =	ssyncset.s32 $0xFFFFF086  }
0x25: {  	[simem:s6], [sflag:s4] =	dma.local [hbm:s3], $0xF7A  }
0x26: {  	[smem:$0x3F9E] =	sst s1;
	(tag) =	ssettag s2;
	_ =	strace s9  }
0x27: {  	s1 =	sld [smem:$0x3FAE]  }
0x28: {  	s2 =	sld [smem:$0x3FAF]  }
0x29: {  	s4 =	sld [smem:$0x3FB1]  }
0x2a: {  	p0 =	seq.s32 s5, $0x0;
	s5 =	sld [smem:$0x3FB2]  }
0x2b: {  	s6 =	sld [smem:$0x3FB3]  }
0x2c: {  	s7 =	sld [smem:$0x3FB4]  }
0x2d: {  	s3 =	simm.s32 $0x108;
	s8 =	sld [smem:$0x3FB5]  }
0x2e: {  	s3 =	simm.s32 @!p0 $0x1082;
	s9 =	sld [smem:$0x3FB6]  }
0x2f: {  	lr =	sadd.s32 s0, s3;
	s0 =	sld [smem:$0x3FAD]  }
0x30: {  	s3 =	sld [smem:$0x3FB0]  }
0x31: {  	[smem:$0x3FB9] =	sst s10  }
0x32: {  	s10 =	sld [smem:$0x3FB7];
	_ =	sdelay $0x3  }
0x33: {  	p0 =	seq.s32 s10, $0x1;
	s10 =	sld [smem:$0x3FB9];
	_ =	sdelay $0x3  }
0x34: {  	[smem:$0x3FB9] =	sst s10  }
0x35: {  	s10 =	sld [smem:$0x3FB8];
	_ =	sdelay $0x3  }
0x36: {  	p1 =	seq.s32 s10, $0x1;
	s10 =	sld [smem:$0x3FB9];
	_ =	sdelay $0x3  }
0x37: {  	[smem:$0x3FB9] =	sst s10  }
0x38: {  	s10 =	sld [smem:$0x3FBA]  }
0x39: {  	_ = 	snop;
	(pc) =	sbr.ind lr, $3  }
0x3a: {  	_ = 	snop  }
0x3b: {  	_ = 	snop  }
0x3c: {  	p2 =	seq.s32 s10, $0x1;
	s10 =	sld [smem:$0x3FB9]  }
0x3d: {  	_ =	shalt  }
0x3e: {  	_ =	shalt  }
0x3f: {  	_ =	shalt  }
0x40: {  	_ =	shalt  }
0x41: {  	_ =	shalt  }
0x42: {  	_ =	shalt  }
0x43: {  	_ =	shalt  }
0x44: {  	_ =	shalt  }
0x45: {  	_ =	shalt  }
0x46: {  	_ =	shalt  }
0x47: {  	_ =	shalt  }
0x48: {  	_ =	shalt  }
0x49: {  	_ =	shalt  }
0x4a: {  	_ =	shalt  }
0x4b: {  	_ =	shalt  }
0x4c: {  	_ =	shalt  }
0x4d: {  	_ =	shalt  }
0x4e: {  	_ =	shalt  }
0x4f: {  	_ =	shalt  }
0x50: {  	_ =	shalt  }
0x51: {  	_ =	shalt  }
0x52: {  	_ =	shalt  }
0x53: {  	_ =	shalt  }
0x54: {  	_ =	shalt  }
0x55: {  	_ =	shalt  }
0x56: {  	_ =	shalt  }
0x57: {  	_ =	shalt  }
0x58: {  	_ =	shalt  }
0x59: {  	_ =	shalt  }
0x5a: {  	_ =	shalt  }
0x5b: {  	_ =	shalt  }
0x5c: {  	_ =	shalt  }
0x5d: {  	_ =	shalt  }
0x5e: {  	_ =	shalt  }
0x5f: {  	_ =	shalt  }
0x60: {  	_ =	shalt  }
0x61: {  	_ =	shalt  }
0x62: {  	_ =	shalt  }
0x63: {  	_ =	shalt  }
0x64: {  	_ =	shalt  }
0x65: {  	_ =	shalt  }
0x66: {  	_ =	shalt  }
0x67: {  	_ =	shalt  }
0x68: {  	_ =	shalt  }
0x69: {  	_ =	shalt  }
0x6a: {  	_ =	shalt  }
0x6b: {  	_ =	shalt  }
0x6c: {  	_ =	shalt  }
0x6d: {  	_ =	shalt  }
0x6e: {  	_ =	shalt  }
0x6f: {  	_ =	shalt  }
0x70: {  	_ =	shalt  }
0x71: {  	_ =	shalt  }
0x72: {  	_ =	shalt  }
0x73: {  	_ =	shalt  }
0x74: {  	_ =	shalt  }
0x75: {  	_ =	shalt  }
0x76: {  	_ =	shalt  }
0x77: {  	_ =	shalt  }
0x78: {  	_ =	shalt  }
0x79: {  	_ =	shalt  }
0x7a: {  	_ =	shalt  }
0x7b: {  	_ =	shalt  }
0x7c: {  	_ =	shalt  }
0x7d: {  	_ =	shalt  }
0x7e: {  	_ =	shalt  }
0x7f: {  	_ =	shalt  }
0x80: {  	_ =	shalt  }
0x81: {  	_ =	shalt  }
0x82: {  	_ =	shalt  }
0x83: {  	_ =	shalt  }
0x84: {  	_ =	shalt  }
0x85: {  	_ =	shalt  }
0x86: {  	_ =	shalt  }
0x87: {  	_ =	shalt  }
.Lfunc_end0:
.L_simem_size_0:
called_computation_lowered:
.L_overlay_start_0:
0x88: {  	s2 =	sld [smem:$0x3FD9]  }
0x89: {  	s3 =	sld [smem:$0x3FFE];
	_ =	sdelay $0x1  }
0x8a: {  	s1 =	srdreg.scid  }
0x8b: {  	s0 =	sand.u32 $0x1, s1  }
0x8c: {  	s17 =	sshll.u32 s0, $0xA;
	s2 =	sadd.s32 s3, s2  }
0x8d: {  	s2 =	sadd.s32 s2, s17  }
0x8e: {  	[smem:$0x3FC5] =	sst s2  }
0x8f: {  	_ = 	snop  }
0x90: {  	s2 =	sld [smem:$0x3FC9]  }
0x91: {  	s18 =	sld [smem:$0x3FC8]  }
0x92: {  	s4 =	sld [smem:$0x3FC7]  }
0x93: {  	s5 =	sld [smem:$0x3FD0];
	(tm) =	ssettm $0x1  }
0x94: {  	s6 =	sld [smem:$0x3FFB];
	_ =	sdelay $0x3  }
0x95: {  	_ =	strace s6  }
0x96: {  	s6 =	sld [smem:$0x3FFC];
	_ =	sdelay $0x3  }
0x97: {  	_ =	strace s6  }
0x98: {  	s6 =	sld [smem:$0x3FFD];
	_ =	sdelay $0x3  }
0x99: {  	_ =	strace s6  }
0x9a: {  	_ =	strace $0x8FFFFFFF  }
0x9b: {  	s19 =	sld [smem:$0x3FDB];
	_ =	sdelay $0x1  }
0x9c: {  	s7 =	simm.s32 $_scs_section_size  }
0x9d: {  	s8 =	simm.s32 $_size__tile_overlayer_lowered;
	s9 =	simm.s32 $_tile_overlayer_lowered  }
0x9e: {  	s22 =	simm.s32 $0x1BFF;
	s21 =	sshll.u32 s9, $0x1;
	s6 =	sadd.s32 s7, s19  }
0x9f: {  	s10 =	simm.s32 $0x0;
	s20 =	sshll.u32 s8, $0x1;
	s8 =	sadd.s32 s21, s6  }
0xa0: {  	[timem:s10], [sflag:s22] =	dma.local [hbm:s8], s20  }
0xa1: {  	_ =	swait.ge [sflag:s22], s20  }
0xa2: {  	s7 =	ssub.s32 $0x0, s20;
	[sflag:s22] =	ssyncset.done $0x0  }
0xa3: {  	[sflag:s22] =	ssyncadd.s32 s7;
	_ =	sdelay $0x1  }
0xa4: {  	s23 =	simm.s32 $0x1B8B  }
0xa5: {  	_ =	swait.ge [sflag:s23], $0x1  }
0xa6: {  	[sflag:s23] =	ssyncset.done $0x0  }
0xa7: {  	s25 =	simm.s32 $0x1B8E;
	s24 =	sld [smem:$0x3FFE];
	[sflag:s23] =	ssyncadd.s32 $0xFFFFFFFF  }
0xa8: {  	s26 =	simm.s32 $execute0_lowered;
	[smem:$0x3FD2] =	sst s25  }
0xa9: {  	s8 =	sshll.u32 s26, $0x1;
	_ =	strace $0x80000046;
	[dreg:$0x1] =	wrdreg $0xFFFFFFFF  }
0xaa: {  	s28 =	simm.s32 $_size_execute0_lowered;
	s6 =	sadd.s32 s6, s8;
	[dreg:$0x0] =	wrdreg $0x0  }
0xab: {  	s8 =	sshll.u32 s28, $0x1;
	[dreg:$0x2] =	wrdreg s6  }
0xac: {  	[dreg:$0x3] =	wrdreg s8  }
0xad: {  	[dreg:$0x4] =	wrdreg $0xC0  }
0xae: {  	_ =	task [dreg:s10], $0x5FFFF  }
0xaf: {  	[dreg:$0x1] =	wrdreg $0xFFFFFFFF  }
0xb0: {  	[dreg:$0x0] =	wrdreg $0x60  }
0xb1: {  	[dreg:$0x2] =	wrdreg s2  }
0xb2: {  	[dreg:$0x3] =	wrdreg s4  }
0xb3: {  	[dreg:$0x4] =	wrdreg s18  }
0xb4: {  	[dreg:$0x5] =	wrdreg s24  }
0xb5: {  	[dreg:$0x6] =	wrdreg s5  }
0xb6: {  	[dreg:$0x7] =	wrdreg $0x1F800  }
0xb7: {  	[dreg:$0x8] =	wrdreg $0x9  }
0xb8: {  	_ =	task.clear_ibuf [dreg:s10], $0x9FFFF;
	_ =	strace $0x90000046  }
0xb9: {  	s29 =	simm.s32 $0x9;
	_ =	strace $0x8000004C  }
0xba: {  	_ =	swait.ge [sflag:s29], $0x1  }
0xbb: {  	[sflag:s29] =	ssyncadd.s32 $0xFFFFFFFF  }
0xbc: {  	_ =	strace $0x9000004C  }
0xbd: {  	_ =	sfence  }
0xbe: {  	s30 =	sld [smem:$0x0];
	_ =	sdelay $0x2  }
0xbf: {  	s31 =	sshll.u32 s1, $0xD;
	s1 =	sshrl.u32 s1, $0x2  }
0xc0: {  	s3 =	sand.u32 $0x4000, s31;
	s1 =	sadd.s32 s1, s30  }
0xc1: {  	s0 =	sor.u32 s3, s0;
	s1 =	sshll.u32 s1, $0x11  }
0xc2: {  	s0 =	sor.u32 s1, s0  }
0xc3: {  	s0 =	sadd.s32 $0x8F2B, s0  }
0xc4: {  	[sflag:s0] =	ssyncadd.remote.s32 $0x1  }
0xc5: {  	_ =	sfence.sel $0xFFFF  }
0xc6: {  	[dreg:$0x0] =	wrdreg $0xFFFFFFFF;
	(pc) =	sbr.abs _section_cstart, $3  }
0xc7: {  	[dreg:$0x1] =	wrdreg $0xFFFFFFFF  }
0xc8: {  	_ =	task.clear_ibuf [dreg:s10], $0x2FFFF;
	_ =	strace $0x9FFFFFFF  }
0xc9: {  	(tm) =	ssettm $0x7FFFFFFF  }
tec
execute0_lowered:
.L_overlay_start_1:
0x0: {  	(tag) =	ssettag $0x1  }
0x1: {  	s8 =	rddreg [dreg:$0x0];
	s2 =	srdreg.scid  }
0x2: {  	s6 =	rddreg [dreg:$0x1];
	s2 =	sand.u32 $0x1, s2  }
0x3: {  	s5 =	rddreg [dreg:$0x2];
	p0 =	seq.s32 s2, $0x1  }
.Ltmp0:
0x4: {  	s9 =	rddreg [dreg:$0x3];
	(pc) =	sbr.rel @p0 .LBB2_4-.Ltmp0, $4  }
0x5: {  	s1 =	rddreg [dreg:$0x4]  }
0x6: {  	s3 =	rddreg [dreg:$0x5];
	s7 =	simm.s32 $0x0  }
0x7: {  	[smem:$0x7FF] =	sst s7  }
0x8: {  	s0 =	rddreg [dreg:$0x6];
	_ =	strace $0x80000047;
	s2 =	stileid.u32  }
0x9: {  	s10 =	sshrl.u32 s2, $0x3;
	s4 =	sshll.u32 s2, $0x7  }
0xa: {  	_ =	strace $0x80000048;
	s10 =	smul.u32 $0xC00, s10;
	s11 =	sand.u32 $0x380, s4  }
0xb: {  	[tilespmem:s7], [sflag:$0x1] =	stream.linear.gather [hbm4b:s8+s7], $0x1100, $0x200038;
	[tilespmem:$0x1F90] =	vst v63  }
0xc: {  	s9 =	sadd.s32 $0x400, s9;
	s10 =	sor.u32 s11, s10  }
0xd: {  	s19 =	simm.s32 $0x80;
	s20 =	simm.s32 $0x400;
	s10 =	sshrl.u32 s10, $0x3  }
0xe: {  	s21 =	simm.s32 $0x1100;
	s22 =	simm.s32 $0x1;
	s9 =	sadd.s32 s9, s10  }
0xf: {  	[tilespmem:s21], [sflag:$0x1] =	stream.strided.gather [hbm4b:s9+s19], $0x180, s20, s19, $0x200038;
	[tilespmem:$0x1F90] =	vst v63  }
0x10: {  	_ =	swait.ge [sflag:s22], $0x1100  }
0x11: {  	[sflag:s22] =	ssyncset.done $0x0  }
0x12: {  	[sflag:s22] =	ssyncadd.s32 $0xFFFFEF00  }
0x13: {  	_ =	swait.ge [sflag:s22], $0x180  }
0x14: {  	[sflag:s22] =	ssyncset.done $0x0  }
0x15: {  	[sflag:s22] =	ssyncadd.s32 $0xFFFFFE80  }
0x16: {  	_ =	strace $0x90000048  }
0x17: {  	v0 =	vld [tilespmem:$0x1100];
	_ =	sdelay $0x4  }
0x18: {  	v1 =	vshrl.u32 v0, $0xD;
	v0 =	vand.u32 $0x1FFF, v0;
	_ =	sdelay $0x1  }
0x19: {  	v1 =	vand.u32 $0x1FFF, v1;
	_ =	sdelay $0x1  }
0x1a: {  	v2 =	vld [tilespmem:$0x1110]  }
0x1b: {  	v0 =	vld.idx.msk [tilespmem:v0+s7+$0x0], $0xffff;
	_ =	sdelay $0x1  }
0x1c: {  	v1 =	vld.idx.msk [tilespmem:v1+s7+$0x0], $0xffff;
	_ =	sdelay $0x2  }
0x1d: {  	v5 =	vshrl.u32 v2, $0xD;
	v3 =	vshll.u32 v0, $0xC;
	v0 =	vshll.u32 v0, $0x7  }
0x1e: {  	v2 =	vand.u32 $0x1FFF, v2;
	v3 =	vand.u32 $0xFFFF8000, v3;
	v0 =	vand.u32 $0x380, v0  }
0x1f: {  	v4 =	vshll.u32 v1, $0x3;
	v1 =	vand.u32 $0x7F, v1;
	v0 =	vor.u32 v3, v0  }
0x20: {  	v4 =	vand.u32 $0xFFFFFC00, v4;
	v0 =	vor.u32 v1, v0  }
0x21: {  	v3 =	vand.u32 $0x1FFF, v5;
	v0 =	vor.u32 v4, v0  }
0x22: {  	[tilespmem:$0x1280] =	vst v0  }
0x23: {  	v0 =	vld.idx.msk [tilespmem:v2+s7+$0x0], $0xffff  }
0x24: {  	v2 =	vld [tilespmem:$0x1120];
	_ =	sdelay $0x1  }
0x25: {  	v1 =	vld.idx.msk [tilespmem:v3+s7+$0x0], $0xffff;
	_ =	sdelay $0x2  }
0x26: {  	v3 =	vshll.u32 v0, $0xC;
	v0 =	vshll.u32 v0, $0x7;
	v24 =	vshrl.u32 v2, $0xD  }
0x27: {  	v2 =	vand.u32 $0x1FFF, v2;
	v3 =	vand.u32 $0xFFFF8000, v3;
	v0 =	vand.u32 $0x380, v0  }
0x28: {  	v23 =	vshll.u32 v1, $0x3;
	v1 =	vand.u32 $0x7F, v1;
	v0 =	vor.u32 v3, v0  }
0x29: {  	v4 =	vand.u32 $0xFFFFFC00, v23;
	v0 =	vor.u32 v1, v0  }
0x2a: {  	v3 =	vand.u32 $0x1FFF, v24;
	v0 =	vor.u32 v4, v0  }
0x2b: {  	[tilespmem:$0x1290] =	vst v0  }
0x2c: {  	v0 =	vld.idx.msk [tilespmem:v2+s7+$0x0], $0xffff  }
0x2d: {  	v2 =	vld [tilespmem:$0x1130];
	_ =	sdelay $0x1  }
0x2e: {  	v1 =	vld.idx.msk [tilespmem:v3+s7+$0x0], $0xffff;
	_ =	sdelay $0x2  }
0x2f: {  	v3 =	vshll.u32 v0, $0xC;
	v0 =	vshll.u32 v0, $0x7;
	v26 =	vshrl.u32 v2, $0xD  }
0x30: {  	v2 =	vand.u32 $0x1FFF, v2;
	v3 =	vand.u32 $0xFFFF8000, v3;
	v0 =	vand.u32 $0x380, v0  }
0x31: {  	v25 =	vshll.u32 v1, $0x3;
	v1 =	vand.u32 $0x7F, v1;
	v0 =	vor.u32 v3, v0  }
0x32: {  	v4 =	vand.u32 $0xFFFFFC00, v25;
	v0 =	vor.u32 v1, v0  }
0x33: {  	v3 =	vand.u32 $0x1FFF, v26;
	v0 =	vor.u32 v4, v0  }
0x34: {  	[tilespmem:$0x12A0] =	vst v0  }
0x35: {  	v0 =	vld.idx.msk [tilespmem:v2+s7+$0x0], $0xffff  }
0x36: {  	v2 =	vld [tilespmem:$0x1140];
	_ =	sdelay $0x1  }
0x37: {  	v1 =	vld.idx.msk [tilespmem:v3+s7+$0x0], $0xffff;
	_ =	sdelay $0x2  }
0x38: {  	v3 =	vshll.u32 v0, $0xC;
	v0 =	vshll.u32 v0, $0x7;
	v28 =	vshrl.u32 v2, $0xD  }
0x39: {  	v2 =	vand.u32 $0x1FFF, v2;
	v3 =	vand.u32 $0xFFFF8000, v3;
	v0 =	vand.u32 $0x380, v0  }
0x3a: {  	v27 =	vshll.u32 v1, $0x3;
	v1 =	vand.u32 $0x7F, v1;
	v0 =	vor.u32 v3, v0  }
0x3b: {  	v4 =	vand.u32 $0xFFFFFC00, v27;
	v0 =	vor.u32 v1, v0  }
0x3c: {  	v3 =	vand.u32 $0x1FFF, v28;
	v0 =	vor.u32 v4, v0  }
0x3d: {  	[tilespmem:$0x12B0] =	vst v0  }
0x3e: {  	v0 =	vld.idx.msk [tilespmem:v2+s7+$0x0], $0xffff  }
0x3f: {  	v2 =	vld [tilespmem:$0x1150];
	_ =	sdelay $0x1  }
0x40: {  	v1 =	vld.idx.msk [tilespmem:v3+s7+$0x0], $0xffff;
	_ =	sdelay $0x2  }
0x41: {  	v3 =	vshll.u32 v0, $0xC;
	v0 =	vshll.u32 v0, $0x7;
	v30 =	vshrl.u32 v2, $0xD  }
0x42: {  	v2 =	vand.u32 $0x1FFF, v2;
	v3 =	vand.u32 $0xFFFF8000, v3;
	v0 =	vand.u32 $0x380, v0  }
0x43: {  	v29 =	vshll.u32 v1, $0x3;
	v1 =	vand.u32 $0x7F, v1;
	v0 =	vor.u32 v3, v0  }
0x44: {  	v4 =	vand.u32 $0xFFFFFC00, v29;
	v0 =	vor.u32 v1, v0  }
0x45: {  	v3 =	vand.u32 $0x1FFF, v30;
	v0 =	vor.u32 v4, v0  }
0x46: {  	[tilespmem:$0x12C0] =	vst v0  }
0x47: {  	v0 =	vld.idx.msk [tilespmem:v2+s7+$0x0], $0xffff  }
0x48: {  	v2 =	vld [tilespmem:$0x1160];
	_ =	sdelay $0x1  }
0x49: {  	v1 =	vld.idx.msk [tilespmem:v3+s7+$0x0], $0xffff;
	_ =	sdelay $0x2  }
0x4a: {  	v3 =	vshll.u32 v0, $0xC;
	v0 =	vshll.u32 v0, $0x7;
	v32 =	vshrl.u32 v2, $0xD  }
0x4b: {  	v2 =	vand.u32 $0x1FFF, v2;
	v3 =	vand.u32 $0xFFFF8000, v3;
	v0 =	vand.u32 $0x380, v0  }
0x4c: {  	v31 =	vshll.u32 v1, $0x3;
	v1 =	vand.u32 $0x7F, v1;
	v0 =	vor.u32 v3, v0  }
0x4d: {  	v4 =	vand.u32 $0xFFFFFC00, v31;
	v0 =	vor.u32 v1, v0  }
0x4e: {  	v3 =	vand.u32 $0x1FFF, v32;
	v0 =	vor.u32 v4, v0  }
0x4f: {  	[tilespmem:$0x12D0] =	vst v0  }
0x50: {  	v0 =	vld.idx.msk [tilespmem:v2+s7+$0x0], $0xffff  }
0x51: {  	v2 =	vld [tilespmem:$0x1170];
	_ =	sdelay $0x1  }
0x52: {  	v1 =	vld.idx.msk [tilespmem:v3+s7+$0x0], $0xffff;
	_ =	sdelay $0x2  }
0x53: {  	v3 =	vshll.u32 v0, $0xC;
	v0 =	vshll.u32 v0, $0x7;
	v34 =	vshrl.u32 v2, $0xD  }
0x54: {  	v2 =	vand.u32 $0x1FFF, v2;
	v3 =	vand.u32 $0xFFFF8000, v3;
	v0 =	vand.u32 $0x380, v0  }
0x55: {  	v33 =	vshll.u32 v1, $0x3;
	v1 =	vand.u32 $0x7F, v1;
	v0 =	vor.u32 v3, v0  }
0x56: {  	v4 =	vand.u32 $0xFFFFFC00, v33;
	v0 =	vor.u32 v1, v0  }
0x57: {  	v3 =	vand.u32 $0x1FFF, v34;
	v0 =	vor.u32 v4, v0  }
0x58: {  	[tilespmem:$0x12E0] =	vst v0  }
0x59: {  	v0 =	vld.idx.msk [tilespmem:v2+s7+$0x0], $0xffff  }
0x5a: {  	v2 =	vld [tilespmem:$0x1180];
	_ =	sdelay $0x1  }
0x5b: {  	v1 =	vld.idx.msk [tilespmem:v3+s7+$0x0], $0xffff;
	_ =	sdelay $0x2  }
0x5c: {  	v3 =	vshll.u32 v0, $0xC;
	v0 =	vshll.u32 v0, $0x7;
	v36 =	vshrl.u32 v2, $0xD  }
0x5d: {  	v2 =	vand.u32 $0x1FFF, v2;
	v3 =	vand.u32 $0xFFFF8000, v3;
	v0 =	vand.u32 $0x380, v0  }
0x5e: {  	v35 =	vshll.u32 v1, $0x3;
	v1 =	vand.u32 $0x7F, v1;
	v0 =	vor.u32 v3, v0  }
0x5f: {  	v4 =	vand.u32 $0xFFFFFC00, v35;
	v0 =	vor.u32 v1, v0  }
0x60: {  	v3 =	vand.u32 $0x1FFF, v36;
	v0 =	vor.u32 v4, v0  }
0x61: {  	[tilespmem:$0x12F0] =	vst v0  }
0x62: {  	v0 =	vld.idx.msk [tilespmem:v2+s7+$0x0], $0xffff  }
0x63: {  	v2 =	vld [tilespmem:$0x1190];
	_ =	sdelay $0x1  }
0x64: {  	v1 =	vld.idx.msk [tilespmem:v3+s7+$0x0], $0xffff;
	_ =	sdelay $0x2  }
0x65: {  	v3 =	vshll.u32 v0, $0xC;
	v0 =	vshll.u32 v0, $0x7;
	v38 =	vshrl.u32 v2, $0xD  }
0x66: {  	v2 =	vand.u32 $0x1FFF, v2;
	v3 =	vand.u32 $0xFFFF8000, v3;
	v0 =	vand.u32 $0x380, v0  }
0x67: {  	v37 =	vshll.u32 v1, $0x3;
	v1 =	vand.u32 $0x7F, v1;
	v0 =	vor.u32 v3, v0  }
0x68: {  	v4 =	vand.u32 $0xFFFFFC00, v37;
	v0 =	vor.u32 v1, v0  }
0x69: {  	v3 =	vand.u32 $0x1FFF, v38;
	v0 =	vor.u32 v4, v0  }
0x6a: {  	[tilespmem:$0x1300] =	vst v0  }
0x6b: {  	v0 =	vld.idx.msk [tilespmem:v2+s7+$0x0], $0xffff  }
0x6c: {  	v2 =	vld [tilespmem:$0x11A0];
	_ =	sdelay $0x1  }
0x6d: {  	v1 =	vld.idx.msk [tilespmem:v3+s7+$0x0], $0xffff;
	_ =	sdelay $0x2  }
0x6e: {  	v3 =	vshll.u32 v0, $0xC;
	v0 =	vshll.u32 v0, $0x7;
	v40 =	vshrl.u32 v2, $0xD  }
0x6f: {  	v2 =	vand.u32 $0x1FFF, v2;
	v3 =	vand.u32 $0xFFFF8000, v3;
	v0 =	vand.u32 $0x380, v0  }
0x70: {  	v39 =	vshll.u32 v1, $0x3;
	v1 =	vand.u32 $0x7F, v1;
	v0 =	vor.u32 v3, v0  }
0x71: {  	v4 =	vand.u32 $0xFFFFFC00, v39;
	v0 =	vor.u32 v1, v0  }
0x72: {  	v3 =	vand.u32 $0x1FFF, v40;
	v0 =	vor.u32 v4, v0  }
0x73: {  	[tilespmem:$0x1310] =	vst v0  }
0x74: {  	v0 =	vld.idx.msk [tilespmem:v2+s7+$0x0], $0xffff  }
0x75: {  	v2 =	vld [tilespmem:$0x11B0];
	_ =	sdelay $0x1  }
0x76: {  	v1 =	vld.idx.msk [tilespmem:v3+s7+$0x0], $0xffff;
	_ =	sdelay $0x2  }
0x77: {  	v3 =	vshll.u32 v0, $0xC;
	v0 =	vshll.u32 v0, $0x7;
	v42 =	vshrl.u32 v2, $0xD  }
0x78: {  	v2 =	vand.u32 $0x1FFF, v2;
	v3 =	vand.u32 $0xFFFF8000, v3;
	v0 =	vand.u32 $0x380, v0  }
0x79: {  	v41 =	vshll.u32 v1, $0x3;
	v1 =	vand.u32 $0x7F, v1;
	v0 =	vor.u32 v3, v0  }
0x7a: {  	v4 =	vand.u32 $0xFFFFFC00, v41;
	v0 =	vor.u32 v1, v0  }
0x7b: {  	v3 =	vand.u32 $0x1FFF, v42;
	v0 =	vor.u32 v4, v0  }
0x7c: {  	[tilespmem:$0x1320] =	vst v0  }
0x7d: {  	v0 =	vld.idx.msk [tilespmem:v2+s7+$0x0], $0xffff  }
0x7e: {  	v2 =	vld [tilespmem:$0x11C0];
	_ =	sdelay $0x1  }
0x7f: {  	v1 =	vld.idx.msk [tilespmem:v3+s7+$0x0], $0xffff;
	_ =	sdelay $0x2  }
0x80: {  	v3 =	vshll.u32 v0, $0xC;
	v0 =	vshll.u32 v0, $0x7;
	v44 =	vshrl.u32 v2, $0xD  }
0x81: {  	v2 =	vand.u32 $0x1FFF, v2;
	v3 =	vand.u32 $0xFFFF8000, v3;
	v0 =	vand.u32 $0x380, v0  }
0x82: {  	v43 =	vshll.u32 v1, $0x3;
	v1 =	vand.u32 $0x7F, v1;
	v0 =	vor.u32 v3, v0  }
0x83: {  	v4 =	vand.u32 $0xFFFFFC00, v43;
	v0 =	vor.u32 v1, v0  }
0x84: {  	v3 =	vand.u32 $0x1FFF, v44;
	v0 =	vor.u32 v4, v0  }
0x85: {  	[tilespmem:$0x1330] =	vst v0  }
0x86: {  	v0 =	vld.idx.msk [tilespmem:v2+s7+$0x0], $0xffff  }
0x87: {  	v2 =	vld [tilespmem:$0x11D0];
	_ =	sdelay $0x1  }
0x88: {  	v1 =	vld.idx.msk [tilespmem:v3+s7+$0x0], $0xffff;
	_ =	sdelay $0x2  }
0x89: {  	v3 =	vshll.u32 v0, $0xC;
	v0 =	vshll.u32 v0, $0x7;
	v46 =	vshrl.u32 v2, $0xD  }
0x8a: {  	v2 =	vand.u32 $0x1FFF, v2;
	v3 =	vand.u32 $0xFFFF8000, v3;
	v0 =	vand.u32 $0x380, v0  }
0x8b: {  	v45 =	vshll.u32 v1, $0x3;
	v1 =	vand.u32 $0x7F, v1;
	v0 =	vor.u32 v3, v0  }
0x8c: {  	v4 =	vand.u32 $0xFFFFFC00, v45;
	v0 =	vor.u32 v1, v0  }
0x8d: {  	v3 =	vand.u32 $0x1FFF, v46;
	v0 =	vor.u32 v4, v0  }
0x8e: {  	[tilespmem:$0x1340] =	vst v0  }
0x8f: {  	v0 =	vld.idx.msk [tilespmem:v2+s7+$0x0], $0xffff  }
0x90: {  	v2 =	vld [tilespmem:$0x11E0];
	_ =	sdelay $0x1  }
0x91: {  	v1 =	vld.idx.msk [tilespmem:v3+s7+$0x0], $0xffff;
	_ =	sdelay $0x2  }
0x92: {  	v3 =	vshll.u32 v0, $0xC;
	v0 =	vshll.u32 v0, $0x7;
	v48 =	vshrl.u32 v2, $0xD  }
0x93: {  	v2 =	vand.u32 $0x1FFF, v2;
	v3 =	vand.u32 $0xFFFF8000, v3;
	v0 =	vand.u32 $0x380, v0  }
0x94: {  	v47 =	vshll.u32 v1, $0x3;
	v1 =	vand.u32 $0x7F, v1;
	v0 =	vor.u32 v3, v0  }
0x95: {  	v4 =	vand.u32 $0xFFFFFC00, v47;
	v0 =	vor.u32 v1, v0  }
0x96: {  	v3 =	vand.u32 $0x1FFF, v48;
	v0 =	vor.u32 v4, v0  }
0x97: {  	[tilespmem:$0x1350] =	vst v0  }
0x98: {  	v0 =	vld.idx.msk [tilespmem:v2+s7+$0x0], $0xffff  }
0x99: {  	v2 =	vld [tilespmem:$0x11F0];
	_ =	sdelay $0x1  }
0x9a: {  	v1 =	vld.idx.msk [tilespmem:v3+s7+$0x0], $0xffff;
	_ =	sdelay $0x2  }
0x9b: {  	v3 =	vshll.u32 v0, $0xC;
	v0 =	vshll.u32 v0, $0x7;
	v50 =	vshrl.u32 v2, $0xD  }
0x9c: {  	v2 =	vand.u32 $0x1FFF, v2;
	v3 =	vand.u32 $0xFFFF8000, v3;
	v0 =	vand.u32 $0x380, v0  }
0x9d: {  	v49 =	vshll.u32 v1, $0x3;
	v1 =	vand.u32 $0x7F, v1;
	v0 =	vor.u32 v3, v0  }
0x9e: {  	v4 =	vand.u32 $0xFFFFFC00, v49;
	v0 =	vor.u32 v1, v0  }
0x9f: {  	v3 =	vand.u32 $0x1FFF, v50;
	v0 =	vor.u32 v4, v0  }
0xa0: {  	[tilespmem:$0x1360] =	vst v0  }
0xa1: {  	v0 =	vld.idx.msk [tilespmem:v2+s7+$0x0], $0xffff  }
0xa2: {  	v2 =	vld [tilespmem:$0x1200];
	_ =	sdelay $0x1  }
0xa3: {  	v1 =	vld.idx.msk [tilespmem:v3+s7+$0x0], $0xffff;
	_ =	sdelay $0x2  }
0xa4: {  	v3 =	vshll.u32 v0, $0xC;
	v0 =	vshll.u32 v0, $0x7;
	v52 =	vand.u32 $0x1FFF, v2  }
0xa5: {  	v2 =	vshrl.u32 v2, $0xD;
	v3 =	vand.u32 $0xFFFF8000, v3;
	v0 =	vand.u32 $0x380, v0  }
0xa6: {  	v51 =	vshll.u32 v1, $0x3;
	v1 =	vand.u32 $0x7F, v1;
	v0 =	vor.u32 v3, v0  }
0xa7: {  	v3 =	vand.u32 $0xFFFFFC00, v51;
	v0 =	vor.u32 v1, v0;
	v1 =	vand.u32 $0x1FFF, v2  }
0xa8: {  	v0 =	vor.u32 v3, v0  }
0xa9: {  	[tilespmem:$0x1370] =	vst v0  }
0xaa: {  	v0 =	vld.idx.msk [tilespmem:v52+s7+$0x0], $0xffff;
	_ =	sdelay $0x1  }
0xab: {  	v1 =	vld.idx.msk [tilespmem:v1+s7+$0x0], $0xffff;
	_ =	sdelay $0x2  }
0xac: {  	v2 =	vshll.u32 v0, $0xC;
	v0 =	vshll.u32 v0, $0x7  }
0xad: {  	v2 =	vand.u32 $0xFFFF8000, v2;
	v0 =	vand.u32 $0x380, v0  }
0xae: {  	v3 =	vshll.u32 v1, $0x3;
	v1 =	vand.u32 $0x7F, v1;
	v0 =	vor.u32 v2, v0  }
0xaf: {  	v2 =	vand.u32 $0xFFFFFC00, v3;
	v0 =	vor.u32 v1, v0  }
0xb0: {  	v0 =	vor.u32 v2, v0  }
0xb1: {  	[tilespmem:$0x1380] =	vst v0  }
0xb2: {  	s23 =	simm.s32 $0x1280;
	s24 =	simm.s32 $0x1400;
	_ =	strace $0x80000049  }
0xb3: {  	[tilespmem:s24], [sflag:$0x1] =	stream.indirect.gather [hbm4b:s6+s19], $0x1, s23, s19, $0x2000b8;
	[tilespmem:$0x1F90] =	vst v63  }
0xb4: {  	p0 =	sne.s32 s2, $0xF;
	s25 =	simm.s32 $0x1300;
	s26 =	simm.s32 $0x1480  }
0xb5: {  	[tilespmem:s26], [sflag:$0x1] =	stream.indirect.gather [hbm4b:s6+s19], $0x1, s25, s19, $0x2000b8;
	[tilespmem:$0x1F90] =	vst v63  }
0xb6: {  	s28 =	simm.s32 $0x10;
	s29 =	simm.s32 $0x1380;
	s30 =	simm.s32 $0x1500  }
0xb7: {  	[tilespmem:s30], [sflag:$0x1] =	stream.indirect.gather [hbm4b:s6+s28], $0x1, s29, s28, $0x2000b8;
	[tilespmem:$0x1F90] =	vst v63  }
0xb8: {  	s6 =	simm.s32 @p0 $0x1  }
0xb9: {  	_ =	swait.ge @p0 [sflag:s6], $0x80  }
0xba: {  	[sflag:s6] =	ssyncset.done @p0 $0x0  }
0xbb: {  	[sflag:s6] =	ssyncadd.s32 @p0 $0xFFFFFF80  }
0xbc: {  	_ =	swait.ge @p0 [sflag:s6], $0x80  }
0xbd: {  	[sflag:s6] =	ssyncset.done @p0 $0x0  }
0xbe: {  	[sflag:s6] =	ssyncadd.s32 @p0 $0xFFFFFF80  }
0xbf: {  	_ =	swait.ge @p0 [sflag:s6], $0x10  }
0xc0: {  	[sflag:s6] =	ssyncset.done @p0 $0x0  }
0xc1: {  	[sflag:s6] =	ssyncadd.s32 @p0 $0xFFFFFFF0  }
0xc2: {  	_ =	strace @p0 $0x90000049  }
0xc3: {  	v0 =	vld @!p0 [tilespmem:$0x0];
	_ =	sdelay $0x4  }
0xc4: {  	s8 =	simm.s32 @!p0 $0x1600;
	s7 =	simm.s32 @!p0 $0x1580;
	s6 =	simm.s32 @!p0 $0x10;
	[tilespmem:$0x1580] =	vst @!p0 v0  }
0xc5: {  	[tilespmem:s8], [sflag:$0x1] =	stream.indirect.gather @!p0 [hbm4b:s5+s6], $0x1, s7, s6, $0x2000b8;
	[tilespmem:$0x1F90] =	vst v63  }
0xc6: {  	s5 =	simm.s32 @!p0 $0x1  }
0xc7: {  	_ =	swait.ge @!p0 [sflag:s5], $0x10  }
0xc8: {  	[sflag:s5] =	ssyncset.done @!p0 $0x0  }
0xc9: {  	[sflag:s5] =	ssyncadd.s32 @!p0 $0xFFFFFFF0  }
0xca: {  	_ =	swait.ge @!p0 [sflag:s5], $0x80  }
0xcb: {  	[sflag:s5] =	ssyncset.done @!p0 $0x0  }
0xcc: {  	[sflag:s5] =	ssyncadd.s32 @!p0 $0xFFFFFF80  }
0xcd: {  	_ =	swait.ge @!p0 [sflag:s5], $0x80  }
0xce: {  	[sflag:s5] =	ssyncset.done @!p0 $0x0  }
0xcf: {  	[sflag:s5] =	ssyncadd.s32 @!p0 $0xFFFFFF80  }
0xd0: {  	_ =	swait.ge @!p0 [sflag:s5], $0x10  }
0xd1: {  	[sflag:s5] =	ssyncset.done @!p0 $0x0  }
0xd2: {  	[sflag:s5] =	ssyncadd.s32 @!p0 $0xFFFFFFF0  }
0xd3: {  	_ =	strace @!p0 $0x90000049  }
0xd4: {  	v0 =	vld @!p0 [tilespmem:$0x1600];
	_ =	sdelay $0x4  }
0xd5: {  	[tilespmem:$0x1500] =	vst @!p0 v0  }
0xd6: {  	_ =	strace $0x8000004A  }
0xd7: {  	v1 =	vld [tilespmem:$0x1400];
	_ =	sdelay $0x4  }
0xd8: {  	v0 =	vand.u32 $0x7FFFFF, v1  }
0xd9: {  	v0 =	vor.u32 $0x3F800000, v0  }
0xda: {  	v2 =	vmul.f32 $5.000000000e-01, v0  }
0xdb: {  	vm0 =	vgt.f32 v0, $1.414213540e+00  }
0xdc: {  	v0 =	vsel vm0, v2, v0  }
0xdd: {  	v2 =	vadd.f32 $1.000000000e+00, v0;
	_ =	sdelay $0x1  }
0xde: {  	(erf) = vrcp.f32 v2;
	_ =	sdelay $0x7  }
0xdf: {  	v0 =	vadd.f32 $-1.000000000e+00, v0  }
0xe0: {  	v2 =	vpop (erf)  }
0xe1: {  	v2 =	vmul.f32 v2, v0;
	_ =	sdelay $0x1  }
0xe2: {  	v3 =	vmul.f32 v2, v2;
	_ =	sdelay $0x1  }
0xe3: {  	v0 =	vmul.f32 $1.111111120e-01, v3;
	_ =	sdelay $0x1  }
0xe4: {  	v0 =	vadd.f32 $1.428571490e-01, v0;
	_ =	sdelay $0x1  }
0xe5: {  	v0 =	vmul.f32 v0, v3;
	_ =	sdelay $0x1  }
0xe6: {  	v53 =	vld [tilespmem:$0x1100];
	v0 =	vadd.f32 $2.000000030e-01, v0;
	_ =	sdelay $0x1  }
0xe7: {  	v0 =	vmul.f32 v0, v3;
	_ =	sdelay $0x1  }
0xe8: {  	v54 =	vadd.f32 $3.333333430e-01, v0  }
0xe9: {  	v4 =	vshrl.u32 v53, $0x1A;
	v1 =	vshra.s32 v1, $0x17;
	v0 =	vimm.s32 $0xFFFFFF81  }
0xea: {  	v4 =	vand.u32 $0x1F, v4;
	v55 =	vsel vm0, $0xFFFFFF82, v0;
	v3 =	vmul.f32 v54, v3  }
0xeb: {  	vm7 =	vne.s32 v4, $0x0;
	v1 =	vadd.s32 v1, v55  }
0xec: {  	v2 =	vadd.f32 v2, v2;
	v1 =	vcvt.s32.f32 v1;
	v3 =	vadd.f32 $1.000000000e+00, v3  }
0xed: {  	v4 =	vadd.s32 $0xFFFFFFFF, v4  }
0xee: {  	v1 =	vmul.f32 $6.931471820e-01, v1;
	v2 =	vmul.f32 v3, v2;
	_ =	sdelay $0x1  }
0xef: {  	v3 =	vimm.f32 $0.0e+00;
	v1 =	vadd.f32 v2, v1  }
0xf0: {  	s31 =	simm.s32 $0x1680;
	[tilespmem:$0x1680] =	vst v3  }
0xf1: {  	[tilespmem:v4+s31+$0x0] =	vst.idx.add.f32.msk vm7, v1  }
0xf2: {  	v1 =	vld [tilespmem:$0x1410];
	_ =	sdelay $0x4  }
0xf3: {  	v2 =	vand.u32 $0x7FFFFF, v1  }
0xf4: {  	v2 =	vor.u32 $0x3F800000, v2  }
0xf5: {  	v3 =	vmul.f32 $5.000000000e-01, v2  }
0xf6: {  	vm8 =	vgt.f32 v2, $1.414213540e+00  }
0xf7: {  	v2 =	vsel vm8, v3, v2  }
0xf8: {  	v3 =	vadd.f32 $1.000000000e+00, v2;
	_ =	sdelay $0x1  }
0xf9: {  	(erf) = vrcp.f32 v3;
	_ =	sdelay $0x7  }
0xfa: {  	v2 =	vadd.f32 $-1.000000000e+00, v2  }
0xfb: {  	v3 =	vpop (erf)  }
0xfc: {  	v2 =	vmul.f32 v3, v2;
	_ =	sdelay $0x1  }
0xfd: {  	v3 =	vmul.f32 v2, v2;
	_ =	sdelay $0x1  }
0xfe: {  	v56 =	vmul.f32 $1.111111120e-01, v3;
	_ =	sdelay $0x1  }
0xff: {  	v4 =	vadd.f32 $1.428571490e-01, v56;
	_ =	sdelay $0x1  }
0x100: {  	v4 =	vmul.f32 v4, v3;
	_ =	sdelay $0x1  }
0x101: {  	v4 =	vadd.f32 $2.000000030e-01, v4  }
0x102: {  	v57 =	vld [tilespmem:$0x1110]  }
0x103: {  	v4 =	vmul.f32 v4, v3;
	_ =	sdelay $0x1  }
0x104: {  	v4 =	vadd.f32 $3.333333430e-01, v4  }
0x105: {  	v1 =	vshra.s32 v1, $0x17;
	v59 =	vsel vm8, $0xFFFFFF82, v0  }
0x106: {  	v58 =	vshrl.u32 v57, $0x1A;
	v1 =	vadd.s32 v1, v59;
	v3 =	vmul.f32 v4, v3  }
0x107: {  	v1 =	vcvt.s32.f32 v1;
	v4 =	vand.u32 $0x1F, v58  }
0x108: {  	v2 =	vadd.f32 v2, v2;
	vm9 =	vne.s32 v4, $0x0;
	v3 =	vadd.f32 $1.000000000e+00, v3  }
0x109: {  	v4 =	vadd.s32 $0xFFFFFFFF, v4  }
0x10a: {  	v1 =	vmul.f32 $6.931471820e-01, v1;
	v2 =	vmul.f32 v3, v2;
	_ =	sdelay $0x1  }
0x10b: {  	v1 =	vadd.f32 v2, v1;
	_ =	sdelay $0x1  }
0x10c: {  	[tilespmem:v4+s31+$0x0] =	vst.idx.add.f32.msk vm9, v1  }
0x10d: {  	v1 =	vld [tilespmem:$0x1420];
	_ =	sdelay $0x4  }
0x10e: {  	v2 =	vand.u32 $0x7FFFFF, v1  }
0x10f: {  	v2 =	vor.u32 $0x3F800000, v2  }
0x110: {  	v3 =	vmul.f32 $5.000000000e-01, v2  }
0x111: {  	vm10 =	vgt.f32 v2, $1.414213540e+00  }
0x112: {  	v2 =	vsel vm10, v3, v2  }
0x113: {  	v3 =	vadd.f32 $1.000000000e+00, v2;
	_ =	sdelay $0x1  }
0x114: {  	(erf) = vrcp.f32 v3;
	_ =	sdelay $0x7  }
0x115: {  	v2 =	vadd.f32 $-1.000000000e+00, v2  }
0x116: {  	v3 =	vpop (erf)  }
0x117: {  	v2 =	vmul.f32 v3, v2;
	_ =	sdelay $0x1  }
0x118: {  	v3 =	vmul.f32 v2, v2;
	_ =	sdelay $0x1  }
0x119: {  	v60 =	vmul.f32 $1.111111120e-01, v3;
	_ =	sdelay $0x1  }
0x11a: {  	v4 =	vadd.f32 $1.428571490e-01, v60;
	_ =	sdelay $0x1  }
0x11b: {  	v4 =	vmul.f32 v4, v3;
	_ =	sdelay $0x1  }
0x11c: {  	v4 =	vadd.f32 $2.000000030e-01, v4  }
0x11d: {  	v61 =	vld [tilespmem:$0x1120]  }
0x11e: {  	v4 =	vmul.f32 v4, v3;
	_ =	sdelay $0x1  }
0x11f: {  	v4 =	vadd.f32 $3.333333430e-01, v4  }
0x120: {  	v1 =	vshra.s32 v1, $0x17;
	v63 =	vsel vm10, $0xFFFFFF82, v0  }
0x121: {  	v62 =	vshrl.u32 v61, $0x1A;
	v1 =	vadd.s32 v1, v63;
	v3 =	vmul.f32 v4, v3  }
0x122: {  	v1 =	vcvt.s32.f32 v1;
	v4 =	vand.u32 $0x1F, v62  }
0x123: {  	v2 =	vadd.f32 v2, v2;
	vm11 =	vne.s32 v4, $0x0;
	v3 =	vadd.f32 $1.000000000e+00, v3  }
0x124: {  	v4 =	vadd.s32 $0xFFFFFFFF, v4  }
0x125: {  	v1 =	vmul.f32 $6.931471820e-01, v1;
	v2 =	vmul.f32 v3, v2;
	_ =	sdelay $0x1  }
0x126: {  	v1 =	vadd.f32 v2, v1;
	_ =	sdelay $0x1  }
0x127: {  	[tilespmem:v4+s31+$0x0] =	vst.idx.add.f32.msk vm11, v1  }
0x128: {  	v1 =	vld [tilespmem:$0x1430];
	_ =	sdelay $0x4  }
0x129: {  	v2 =	vand.u32 $0x7FFFFF, v1  }
0x12a: {  	v2 =	vor.u32 $0x3F800000, v2  }
0x12b: {  	v3 =	vmul.f32 $5.000000000e-01, v2  }
0x12c: {  	vm12 =	vgt.f32 v2, $1.414213540e+00  }
0x12d: {  	v2 =	vsel vm12, v3, v2  }
0x12e: {  	v3 =	vadd.f32 $1.000000000e+00, v2;
	_ =	sdelay $0x1  }
0x12f: {  	(erf) = vrcp.f32 v3;
	_ =	sdelay $0x7  }
0x130: {  	v2 =	vadd.f32 $-1.000000000e+00, v2  }
0x131: {  	v3 =	vpop (erf)  }
0x132: {  	v2 =	vmul.f32 v3, v2;
	_ =	sdelay $0x1  }
0x133: {  	v3 =	vmul.f32 v2, v2;
	_ =	sdelay $0x1  }
0x134: {  	v8 =	vmul.f32 $1.111111120e-01, v3;
	_ =	sdelay $0x1  }
0x135: {  	v4 =	vadd.f32 $1.428571490e-01, v8;
	_ =	sdelay $0x1  }
0x136: {  	v4 =	vmul.f32 v4, v3;
	_ =	sdelay $0x1  }
0x137: {  	v4 =	vadd.f32 $2.000000030e-01, v4  }
0x138: {  	v9 =	vld [tilespmem:$0x1130]  }
0x139: {  	v4 =	vmul.f32 v4, v3;
	_ =	sdelay $0x1  }
0x13a: {  	v4 =	vadd.f32 $3.333333430e-01, v4  }
0x13b: {  	v1 =	vshra.s32 v1, $0x17;
	v11 =	vsel vm12, $0xFFFFFF82, v0  }
0x13c: {  	v10 =	vshrl.u32 v9, $0x1A;
	v1 =	vadd.s32 v1, v11;
	v3 =	vmul.f32 v4, v3  }
0x13d: {  	v1 =	vcvt.s32.f32 v1;
	v4 =	vand.u32 $0x1F, v10  }
0x13e: {  	v2 =	vadd.f32 v2, v2;
	vm13 =	vne.s32 v4, $0x0;
	v3 =	vadd.f32 $1.000000000e+00, v3  }
0x13f: {  	v4 =	vadd.s32 $0xFFFFFFFF, v4  }
0x140: {  	v1 =	vmul.f32 $6.931471820e-01, v1;
	v2 =	vmul.f32 v3, v2;
	_ =	sdelay $0x1  }
0x141: {  	v1 =	vadd.f32 v2, v1;
	_ =	sdelay $0x1  }
0x142: {  	[tilespmem:v4+s31+$0x0] =	vst.idx.add.f32.msk vm13, v1  }
0x143: {  	v1 =	vld [tilespmem:$0x1440];
	_ =	sdelay $0x4  }
0x144: {  	v2 =	vand.u32 $0x7FFFFF, v1  }
0x145: {  	v2 =	vor.u32 $0x3F800000, v2  }
0x146: {  	v3 =	vmul.f32 $5.000000000e-01, v2  }
0x147: {  	vm14 =	vgt.f32 v2, $1.414213540e+00  }
0x148: {  	v2 =	vsel vm14, v3, v2  }
0x149: {  	v3 =	vadd.f32 $1.000000000e+00, v2;
	_ =	sdelay $0x1  }
0x14a: {  	(erf) = vrcp.f32 v3;
	_ =	sdelay $0x7  }
0x14b: {  	v2 =	vadd.f32 $-1.000000000e+00, v2  }
0x14c: {  	v3 =	vpop (erf)  }
0x14d: {  	v2 =	vmul.f32 v3, v2;
	_ =	sdelay $0x1  }
0x14e: {  	v3 =	vmul.f32 v2, v2;
	_ =	sdelay $0x1  }
0x14f: {  	v12 =	vmul.f32 $1.111111120e-01, v3;
	_ =	sdelay $0x1  }
0x150: {  	v4 =	vadd.f32 $1.428571490e-01, v12;
	_ =	sdelay $0x1  }
0x151: {  	v4 =	vmul.f32 v4, v3;
	_ =	sdelay $0x1  }
0x152: {  	v4 =	vadd.f32 $2.000000030e-01, v4  }
0x153: {  	v13 =	vld [tilespmem:$0x1140]  }
0x154: {  	v4 =	vmul.f32 v4, v3;
	_ =	sdelay $0x1  }
0x155: {  	v4 =	vadd.f32 $3.333333430e-01, v4  }
0x156: {  	v1 =	vshra.s32 v1, $0x17;
	v15 =	vsel vm14, $0xFFFFFF82, v0  }
0x157: {  	v14 =	vshrl.u32 v13, $0x1A;
	v1 =	vadd.s32 v1, v15;
	v3 =	vmul.f32 v4, v3  }
0x158: {  	v1 =	vcvt.s32.f32 v1;
	v4 =	vand.u32 $0x1F, v14  }
0x159: {  	v2 =	vadd.f32 v2, v2;
	vm15 =	vne.s32 v4, $0x0;
	v3 =	vadd.f32 $1.000000000e+00, v3  }
0x15a: {  	v4 =	vadd.s32 $0xFFFFFFFF, v4  }
0x15b: {  	v1 =	vmul.f32 $6.931471820e-01, v1;
	v2 =	vmul.f32 v3, v2;
	_ =	sdelay $0x1  }
0x15c: {  	v1 =	vadd.f32 v2, v1;
	_ =	sdelay $0x1  }
0x15d: {  	[tilespmem:v4+s31+$0x0] =	vst.idx.add.f32.msk vm15, v1  }
0x15e: {  	v1 =	vld [tilespmem:$0x1450];
	_ =	sdelay $0x4  }
0x15f: {  	v2 =	vand.u32 $0x7FFFFF, v1  }
0x160: {  	v2 =	vor.u32 $0x3F800000, v2  }
0x161: {  	v3 =	vmul.f32 $5.000000000e-01, v2  }
0x162: {  	vm4 =	vgt.f32 v2, $1.414213540e+00  }
0x163: {  	v2 =	vsel vm4, v3, v2  }
0x164: {  	v3 =	vadd.f32 $1.000000000e+00, v2;
	_ =	sdelay $0x1  }
0x165: {  	(erf) = vrcp.f32 v3;
	_ =	sdelay $0x7  }
0x166: {  	v2 =	vadd.f32 $-1.000000000e+00, v2  }
0x167: {  	v3 =	vpop (erf)  }
0x168: {  	v2 =	vmul.f32 v3, v2;
	_ =	sdelay $0x1  }
0x169: {  	v3 =	vmul.f32 v2, v2;
	_ =	sdelay $0x1  }
0x16a: {  	v16 =	vmul.f32 $1.111111120e-01, v3;
	_ =	sdelay $0x1  }
0x16b: {  	v4 =	vadd.f32 $1.428571490e-01, v16;
	_ =	sdelay $0x1  }
0x16c: {  	v4 =	vmul.f32 v4, v3;
	_ =	sdelay $0x1  }
0x16d: {  	v4 =	vadd.f32 $2.000000030e-01, v4  }
0x16e: {  	v17 =	vld [tilespmem:$0x1150]  }
0x16f: {  	v4 =	vmul.f32 v4, v3;
	_ =	sdelay $0x1  }
0x170: {  	v4 =	vadd.f32 $3.333333430e-01, v4  }
0x171: {  	v1 =	vshra.s32 v1, $0x17;
	v19 =	vsel vm4, $0xFFFFFF82, v0  }
0x172: {  	v18 =	vshrl.u32 v17, $0x1A;
	v1 =	vadd.s32 v1, v19;
	v3 =	vmul.f32 v4, v3  }
0x173: {  	v1 =	vcvt.s32.f32 v1;
	v4 =	vand.u32 $0x1F, v18  }
0x174: {  	v2 =	vadd.f32 v2, v2;
	vm5 =	vne.s32 v4, $0x0;
	v3 =	vadd.f32 $1.000000000e+00, v3  }
0x175: {  	v4 =	vadd.s32 $0xFFFFFFFF, v4  }
0x176: {  	v1 =	vmul.f32 $6.931471820e-01, v1;
	v2 =	vmul.f32 v3, v2;
	_ =	sdelay $0x1  }
0x177: {  	v1 =	vadd.f32 v2, v1;
	_ =	sdelay $0x1  }
0x178: {  	[tilespmem:v4+s31+$0x0] =	vst.idx.add.f32.msk vm5, v1  }
0x179: {  	v1 =	vld [tilespmem:$0x1460];
	_ =	sdelay $0x4  }
0x17a: {  	v2 =	vand.u32 $0x7FFFFF, v1  }
0x17b: {  	v2 =	vor.u32 $0x3F800000, v2  }
0x17c: {  	v3 =	vmul.f32 $5.000000000e-01, v2  }
0x17d: {  	vm6 =	vgt.f32 v2, $1.414213540e+00  }
0x17e: {  	v2 =	vsel vm6, v3, v2  }
0x17f: {  	v3 =	vadd.f32 $1.000000000e+00, v2;
	_ =	sdelay $0x1  }
0x180: {  	(erf) = vrcp.f32 v3;
	_ =	sdelay $0x7  }
0x181: {  	v2 =	vadd.f32 $-1.000000000e+00, v2  }
0x182: {  	v3 =	vpop (erf)  }
0x183: {  	v2 =	vmul.f32 v3, v2;
	_ =	sdelay $0x1  }
0x184: {  	v3 =	vmul.f32 v2, v2;
	_ =	sdelay $0x1  }
0x185: {  	v20 =	vmul.f32 $1.111111120e-01, v3;
	_ =	sdelay $0x1  }
0x186: {  	v4 =	vadd.f32 $1.428571490e-01, v20;
	_ =	sdelay $0x1  }
0x187: {  	v4 =	vmul.f32 v4, v3;
	_ =	sdelay $0x1  }
0x188: {  	v4 =	vadd.f32 $2.000000030e-01, v4  }
0x189: {  	v21 =	vld [tilespmem:$0x1160]  }
0x18a: {  	v4 =	vmul.f32 v4, v3;
	_ =	sdelay $0x1  }
0x18b: {  	v4 =	vadd.f32 $3.333333430e-01, v4  }
0x18c: {  	v1 =	vshra.s32 v1, $0x17;
	v23 =	vsel vm6, $0xFFFFFF82, v0  }
0x18d: {  	v22 =	vshrl.u32 v21, $0x1A;
	v1 =	vadd.s32 v1, v23;
	v3 =	vmul.f32 v4, v3  }
0x18e: {  	v1 =	vcvt.s32.f32 v1;
	v4 =	vand.u32 $0x1F, v22  }
0x18f: {  	v2 =	vadd.f32 v2, v2;
	vm7 =	vne.s32 v4, $0x0;
	v3 =	vadd.f32 $1.000000000e+00, v3  }
0x190: {  	v4 =	vadd.s32 $0xFFFFFFFF, v4  }
0x191: {  	v1 =	vmul.f32 $6.931471820e-01, v1;
	v2 =	vmul.f32 v3, v2;
	_ =	sdelay $0x1  }
0x192: {  	v1 =	vadd.f32 v2, v1;
	_ =	sdelay $0x1  }
0x193: {  	[tilespmem:v4+s31+$0x0] =	vst.idx.add.f32.msk vm7, v1  }
0x194: {  	v1 =	vld [tilespmem:$0x1470];
	_ =	sdelay $0x4  }
0x195: {  	v2 =	vand.u32 $0x7FFFFF, v1  }
0x196: {  	v2 =	vor.u32 $0x3F800000, v2  }
0x197: {  	v3 =	vmul.f32 $5.000000000e-01, v2  }
0x198: {  	vm8 =	vgt.f32 v2, $1.414213540e+00  }
0x199: {  	v2 =	vsel vm8, v3, v2  }
0x19a: {  	v3 =	vadd.f32 $1.000000000e+00, v2;
	_ =	sdelay $0x1  }
0x19b: {  	(erf) = vrcp.f32 v3;
	_ =	sdelay $0x7  }
0x19c: {  	v2 =	vadd.f32 $-1.000000000e+00, v2  }
0x19d: {  	v3 =	vpop (erf)  }
0x19e: {  	v2 =	vmul.f32 v3, v2;
	_ =	sdelay $0x1  }
0x19f: {  	v3 =	vmul.f32 v2, v2;
	_ =	sdelay $0x1  }
0x1a0: {  	v24 =	vmul.f32 $1.111111120e-01, v3;
	_ =	sdelay $0x1  }
0x1a1: {  	v4 =	vadd.f32 $1.428571490e-01, v24;
	_ =	sdelay $0x1  }
0x1a2: {  	v4 =	vmul.f32 v4, v3;
	_ =	sdelay $0x1  }
0x1a3: {  	v4 =	vadd.f32 $2.000000030e-01, v4  }
0x1a4: {  	v25 =	vld [tilespmem:$0x1170]  }
0x1a5: {  	v4 =	vmul.f32 v4, v3;
	_ =	sdelay $0x1  }
0x1a6: {  	v4 =	vadd.f32 $3.333333430e-01, v4  }
0x1a7: {  	v1 =	vshra.s32 v1, $0x17;
	v27 =	vsel vm8, $0xFFFFFF82, v0  }
0x1a8: {  	v26 =	vshrl.u32 v25, $0x1A;
	v1 =	vadd.s32 v1, v27;
	v3 =	vmul.f32 v4, v3  }
0x1a9: {  	v1 =	vcvt.s32.f32 v1;
	v4 =	vand.u32 $0x1F, v26  }
0x1aa: {  	v2 =	vadd.f32 v2, v2;
	vm9 =	vne.s32 v4, $0x0;
	v3 =	vadd.f32 $1.000000000e+00, v3  }
0x1ab: {  	v4 =	vadd.s32 $0xFFFFFFFF, v4  }
0x1ac: {  	v1 =	vmul.f32 $6.931471820e-01, v1;
	v2 =	vmul.f32 v3, v2;
	_ =	sdelay $0x1  }
0x1ad: {  	v1 =	vadd.f32 v2, v1;
	_ =	sdelay $0x1  }
0x1ae: {  	[tilespmem:v4+s31+$0x0] =	vst.idx.add.f32.msk vm9, v1  }
0x1af: {  	v1 =	vld [tilespmem:$0x1480];
	_ =	sdelay $0x4  }
0x1b0: {  	v2 =	vand.u32 $0x7FFFFF, v1  }
0x1b1: {  	v2 =	vor.u32 $0x3F800000, v2  }
0x1b2: {  	v3 =	vmul.f32 $5.000000000e-01, v2  }
0x1b3: {  	vm10 =	vgt.f32 v2, $1.414213540e+00  }
0x1b4: {  	v2 =	vsel vm10, v3, v2  }
0x1b5: {  	v3 =	vadd.f32 $1.000000000e+00, v2;
	_ =	sdelay $0x1  }
0x1b6: {  	(erf) = vrcp.f32 v3;
	_ =	sdelay $0x7  }
0x1b7: {  	v2 =	vadd.f32 $-1.000000000e+00, v2  }
0x1b8: {  	v3 =	vpop (erf)  }
0x1b9: {  	v2 =	vmul.f32 v3, v2;
	_ =	sdelay $0x1  }
0x1ba: {  	v3 =	vmul.f32 v2, v2;
	_ =	sdelay $0x1  }
0x1bb: {  	v28 =	vmul.f32 $1.111111120e-01, v3;
	_ =	sdelay $0x1  }
0x1bc: {  	v4 =	vadd.f32 $1.428571490e-01, v28;
	_ =	sdelay $0x1  }
0x1bd: {  	v4 =	vmul.f32 v4, v3;
	_ =	sdelay $0x1  }
0x1be: {  	v4 =	vadd.f32 $2.000000030e-01, v4  }
0x1bf: {  	v29 =	vld [tilespmem:$0x1180]  }
0x1c0: {  	v4 =	vmul.f32 v4, v3;
	_ =	sdelay $0x1  }
0x1c1: {  	v4 =	vadd.f32 $3.333333430e-01, v4  }
0x1c2: {  	v1 =	vshra.s32 v1, $0x17;
	v31 =	vsel vm10, $0xFFFFFF82, v0  }
0x1c3: {  	v30 =	vshrl.u32 v29, $0x1A;
	v1 =	vadd.s32 v1, v31;
	v3 =	vmul.f32 v4, v3  }
0x1c4: {  	v1 =	vcvt.s32.f32 v1;
	v4 =	vand.u32 $0x1F, v30  }
0x1c5: {  	v2 =	vadd.f32 v2, v2;
	vm11 =	vne.s32 v4, $0x0;
	v3 =	vadd.f32 $1.000000000e+00, v3  }
0x1c6: {  	v4 =	vadd.s32 $0xFFFFFFFF, v4  }
0x1c7: {  	v1 =	vmul.f32 $6.931471820e-01, v1;
	v2 =	vmul.f32 v3, v2;
	_ =	sdelay $0x1  }
0x1c8: {  	v1 =	vadd.f32 v2, v1;
	_ =	sdelay $0x1  }
0x1c9: {  	[tilespmem:v4+s31+$0x0] =	vst.idx.add.f32.msk vm11, v1  }
0x1ca: {  	v1 =	vld [tilespmem:$0x1490];
	_ =	sdelay $0x4  }
0x1cb: {  	v2 =	vand.u32 $0x7FFFFF, v1  }
0x1cc: {  	v2 =	vor.u32 $0x3F800000, v2  }
0x1cd: {  	v3 =	vmul.f32 $5.000000000e-01, v2  }
0x1ce: {  	vm12 =	vgt.f32 v2, $1.414213540e+00  }
0x1cf: {  	v2 =	vsel vm12, v3, v2  }
0x1d0: {  	v3 =	vadd.f32 $1.000000000e+00, v2;
	_ =	sdelay $0x1  }
0x1d1: {  	(erf) = vrcp.f32 v3;
	_ =	sdelay $0x7  }
0x1d2: {  	v2 =	vadd.f32 $-1.000000000e+00, v2  }
0x1d3: {  	v3 =	vpop (erf)  }
0x1d4: {  	v2 =	vmul.f32 v3, v2;
	_ =	sdelay $0x1  }
0x1d5: {  	v3 =	vmul.f32 v2, v2;
	_ =	sdelay $0x1  }
0x1d6: {  	v32 =	vmul.f32 $1.111111120e-01, v3;
	_ =	sdelay $0x1  }
0x1d7: {  	v4 =	vadd.f32 $1.428571490e-01, v32;
	_ =	sdelay $0x1  }
0x1d8: {  	v4 =	vmul.f32 v4, v3;
	_ =	sdelay $0x1  }
0x1d9: {  	v4 =	vadd.f32 $2.000000030e-01, v4  }
0x1da: {  	v33 =	vld [tilespmem:$0x1190]  }
0x1db: {  	v4 =	vmul.f32 v4, v3;
	_ =	sdelay $0x1  }
0x1dc: {  	v4 =	vadd.f32 $3.333333430e-01, v4  }
0x1dd: {  	v1 =	vshra.s32 v1, $0x17;
	v35 =	vsel vm12, $0xFFFFFF82, v0  }
0x1de: {  	v34 =	vshrl.u32 v33, $0x1A;
	v1 =	vadd.s32 v1, v35;
	v3 =	vmul.f32 v4, v3  }
0x1df: {  	v1 =	vcvt.s32.f32 v1;
	v4 =	vand.u32 $0x1F, v34  }
0x1e0: {  	v2 =	vadd.f32 v2, v2;
	vm13 =	vne.s32 v4, $0x0;
	v3 =	vadd.f32 $1.000000000e+00, v3  }
0x1e1: {  	v4 =	vadd.s32 $0xFFFFFFFF, v4  }
0x1e2: {  	v1 =	vmul.f32 $6.931471820e-01, v1;
	v2 =	vmul.f32 v3, v2;
	_ =	sdelay $0x1  }
0x1e3: {  	v1 =	vadd.f32 v2, v1;
	_ =	sdelay $0x1  }
0x1e4: {  	[tilespmem:v4+s31+$0x0] =	vst.idx.add.f32.msk vm13, v1  }
0x1e5: {  	v1 =	vld [tilespmem:$0x14A0];
	_ =	sdelay $0x4  }
0x1e6: {  	v2 =	vand.u32 $0x7FFFFF, v1  }
0x1e7: {  	v2 =	vor.u32 $0x3F800000, v2  }
0x1e8: {  	v3 =	vmul.f32 $5.000000000e-01, v2  }
0x1e9: {  	vm14 =	vgt.f32 v2, $1.414213540e+00  }
0x1ea: {  	v2 =	vsel vm14, v3, v2  }
0x1eb: {  	v3 =	vadd.f32 $1.000000000e+00, v2;
	_ =	sdelay $0x1  }
0x1ec: {  	(erf) = vrcp.f32 v3;
	_ =	sdelay $0x7  }
0x1ed: {  	v2 =	vadd.f32 $-1.000000000e+00, v2  }
0x1ee: {  	v3 =	vpop (erf)  }
0x1ef: {  	v2 =	vmul.f32 v3, v2;
	_ =	sdelay $0x1  }
0x1f0: {  	v3 =	vmul.f32 v2, v2;
	_ =	sdelay $0x1  }
0x1f1: {  	v36 =	vmul.f32 $1.111111120e-01, v3;
	_ =	sdelay $0x1  }
0x1f2: {  	v4 =	vadd.f32 $1.428571490e-01, v36;
	_ =	sdelay $0x1  }
0x1f3: {  	v4 =	vmul.f32 v4, v3;
	_ =	sdelay $0x1  }
0x1f4: {  	v4 =	vadd.f32 $2.000000030e-01, v4  }
0x1f5: {  	v37 =	vld [tilespmem:$0x11A0]  }
0x1f6: {  	v4 =	vmul.f32 v4, v3;
	_ =	sdelay $0x1  }
0x1f7: {  	v4 =	vadd.f32 $3.333333430e-01, v4  }
0x1f8: {  	v1 =	vshra.s32 v1, $0x17;
	v39 =	vsel vm14, $0xFFFFFF82, v0  }
0x1f9: {  	v38 =	vshrl.u32 v37, $0x1A;
	v1 =	vadd.s32 v1, v39;
	v3 =	vmul.f32 v4, v3  }
0x1fa: {  	v1 =	vcvt.s32.f32 v1;
	v4 =	vand.u32 $0x1F, v38  }
0x1fb: {  	v2 =	vadd.f32 v2, v2;
	vm15 =	vne.s32 v4, $0x0;
	v3 =	vadd.f32 $1.000000000e+00, v3  }
0x1fc: {  	v4 =	vadd.s32 $0xFFFFFFFF, v4  }
0x1fd: {  	v1 =	vmul.f32 $6.931471820e-01, v1;
	v2 =	vmul.f32 v3, v2;
	_ =	sdelay $0x1  }
0x1fe: {  	v1 =	vadd.f32 v2, v1;
	_ =	sdelay $0x1  }
0x1ff: {  	[tilespmem:v4+s31+$0x0] =	vst.idx.add.f32.msk vm15, v1  }
0x200: {  	v1 =	vld [tilespmem:$0x14B0];
	_ =	sdelay $0x4  }
0x201: {  	v2 =	vand.u32 $0x7FFFFF, v1  }
0x202: {  	v2 =	vor.u32 $0x3F800000, v2  }
0x203: {  	v3 =	vmul.f32 $5.000000000e-01, v2  }
0x204: {  	vm4 =	vgt.f32 v2, $1.414213540e+00  }
0x205: {  	v2 =	vsel vm4, v3, v2  }
0x206: {  	v3 =	vadd.f32 $1.000000000e+00, v2;
	_ =	sdelay $0x1  }
0x207: {  	(erf) = vrcp.f32 v3;
	_ =	sdelay $0x7  }
0x208: {  	v2 =	vadd.f32 $-1.000000000e+00, v2  }
0x209: {  	v3 =	vpop (erf)  }
0x20a: {  	v2 =	vmul.f32 v3, v2;
	_ =	sdelay $0x1  }
0x20b: {  	v3 =	vmul.f32 v2, v2;
	_ =	sdelay $0x1  }
0x20c: {  	v40 =	vmul.f32 $1.111111120e-01, v3;
	_ =	sdelay $0x1  }
0x20d: {  	v4 =	vadd.f32 $1.428571490e-01, v40;
	_ =	sdelay $0x1  }
0x20e: {  	v4 =	vmul.f32 v4, v3;
	_ =	sdelay $0x1  }
0x20f: {  	v4 =	vadd.f32 $2.000000030e-01, v4  }
0x210: {  	v41 =	vld [tilespmem:$0x11B0]  }
0x211: {  	v4 =	vmul.f32 v4, v3;
	_ =	sdelay $0x1  }
0x212: {  	v4 =	vadd.f32 $3.333333430e-01, v4  }
0x213: {  	v1 =	vshra.s32 v1, $0x17;
	v43 =	vsel vm4, $0xFFFFFF82, v0  }
0x214: {  	v42 =	vshrl.u32 v41, $0x1A;
	v1 =	vadd.s32 v1, v43;
	v3 =	vmul.f32 v4, v3  }
0x215: {  	v1 =	vcvt.s32.f32 v1;
	v4 =	vand.u32 $0x1F, v42  }
0x216: {  	v2 =	vadd.f32 v2, v2;
	vm5 =	vne.s32 v4, $0x0;
	v3 =	vadd.f32 $1.000000000e+00, v3  }
0x217: {  	v4 =	vadd.s32 $0xFFFFFFFF, v4  }
0x218: {  	v1 =	vmul.f32 $6.931471820e-01, v1;
	v2 =	vmul.f32 v3, v2;
	_ =	sdelay $0x1  }
0x219: {  	v1 =	vadd.f32 v2, v1;
	_ =	sdelay $0x1  }
0x21a: {  	[tilespmem:v4+s31+$0x0] =	vst.idx.add.f32.msk vm5, v1  }
0x21b: {  	v1 =	vld [tilespmem:$0x14C0];
	_ =	sdelay $0x4  }
0x21c: {  	v2 =	vand.u32 $0x7FFFFF, v1  }
0x21d: {  	v2 =	vor.u32 $0x3F800000, v2  }
0x21e: {  	v3 =	vmul.f32 $5.000000000e-01, v2  }
0x21f: {  	vm6 =	vgt.f32 v2, $1.414213540e+00  }
0x220: {  	v2 =	vsel vm6, v3, v2  }
0x221: {  	v3 =	vadd.f32 $1.000000000e+00, v2;
	_ =	sdelay $0x1  }
0x222: {  	(erf) = vrcp.f32 v3;
	_ =	sdelay $0x7  }
0x223: {  	v2 =	vadd.f32 $-1.000000000e+00, v2  }
0x224: {  	v3 =	vpop (erf)  }
0x225: {  	v2 =	vmul.f32 v3, v2;
	_ =	sdelay $0x1  }
0x226: {  	v3 =	vmul.f32 v2, v2;
	_ =	sdelay $0x1  }
0x227: {  	v44 =	vmul.f32 $1.111111120e-01, v3;
	_ =	sdelay $0x1  }
0x228: {  	v4 =	vadd.f32 $1.428571490e-01, v44;
	_ =	sdelay $0x1  }
0x229: {  	v4 =	vmul.f32 v4, v3;
	_ =	sdelay $0x1  }
0x22a: {  	v4 =	vadd.f32 $2.000000030e-01, v4  }
0x22b: {  	v45 =	vld [tilespmem:$0x11C0]  }
0x22c: {  	v4 =	vmul.f32 v4, v3;
	_ =	sdelay $0x1  }
0x22d: {  	v4 =	vadd.f32 $3.333333430e-01, v4  }
0x22e: {  	v1 =	vshra.s32 v1, $0x17;
	v47 =	vsel vm6, $0xFFFFFF82, v0  }
0x22f: {  	v46 =	vshrl.u32 v45, $0x1A;
	v1 =	vadd.s32 v1, v47;
	v3 =	vmul.f32 v4, v3  }
0x230: {  	v1 =	vcvt.s32.f32 v1;
	v4 =	vand.u32 $0x1F, v46  }
0x231: {  	v2 =	vadd.f32 v2, v2;
	vm7 =	vne.s32 v4, $0x0;
	v3 =	vadd.f32 $1.000000000e+00, v3  }
0x232: {  	v4 =	vadd.s32 $0xFFFFFFFF, v4  }
0x233: {  	v1 =	vmul.f32 $6.931471820e-01, v1;
	v2 =	vmul.f32 v3, v2;
	_ =	sdelay $0x1  }
0x234: {  	v1 =	vadd.f32 v2, v1;
	_ =	sdelay $0x1  }
0x235: {  	[tilespmem:v4+s31+$0x0] =	vst.idx.add.f32.msk vm7, v1  }
0x236: {  	v1 =	vld [tilespmem:$0x14D0];
	_ =	sdelay $0x4  }
0x237: {  	v2 =	vand.u32 $0x7FFFFF, v1  }
0x238: {  	v2 =	vor.u32 $0x3F800000, v2  }
0x239: {  	v3 =	vmul.f32 $5.000000000e-01, v2  }
0x23a: {  	vm8 =	vgt.f32 v2, $1.414213540e+00  }
0x23b: {  	v2 =	vsel vm8, v3, v2  }
0x23c: {  	v3 =	vadd.f32 $1.000000000e+00, v2;
	_ =	sdelay $0x1  }
0x23d: {  	(erf) = vrcp.f32 v3;
	_ =	sdelay $0x7  }
0x23e: {  	v2 =	vadd.f32 $-1.000000000e+00, v2  }
0x23f: {  	v3 =	vpop (erf)  }
0x240: {  	v2 =	vmul.f32 v3, v2;
	_ =	sdelay $0x1  }
0x241: {  	v3 =	vmul.f32 v2, v2;
	_ =	sdelay $0x1  }
0x242: {  	v48 =	vmul.f32 $1.111111120e-01, v3;
	_ =	sdelay $0x1  }
0x243: {  	v4 =	vadd.f32 $1.428571490e-01, v48;
	_ =	sdelay $0x1  }
0x244: {  	v4 =	vmul.f32 v4, v3;
	_ =	sdelay $0x1  }
0x245: {  	v4 =	vadd.f32 $2.000000030e-01, v4  }
0x246: {  	v49 =	vld [tilespmem:$0x11D0]  }
0x247: {  	v4 =	vmul.f32 v4, v3;
	_ =	sdelay $0x1  }
0x248: {  	v4 =	vadd.f32 $3.333333430e-01, v4  }
0x249: {  	v1 =	vshra.s32 v1, $0x17;
	v51 =	vsel vm8, $0xFFFFFF82, v0  }
0x24a: {  	v50 =	vshrl.u32 v49, $0x1A;
	v1 =	vadd.s32 v1, v51;
	v3 =	vmul.f32 v4, v3  }
0x24b: {  	v1 =	vcvt.s32.f32 v1;
	v4 =	vand.u32 $0x1F, v50  }
0x24c: {  	v2 =	vadd.f32 v2, v2;
	vm9 =	vne.s32 v4, $0x0;
	v3 =	vadd.f32 $1.000000000e+00, v3  }
0x24d: {  	v4 =	vadd.s32 $0xFFFFFFFF, v4  }
0x24e: {  	v1 =	vmul.f32 $6.931471820e-01, v1;
	v2 =	vmul.f32 v3, v2;
	_ =	sdelay $0x1  }
0x24f: {  	v1 =	vadd.f32 v2, v1;
	_ =	sdelay $0x1  }
0x250: {  	[tilespmem:v4+s31+$0x0] =	vst.idx.add.f32.msk vm9, v1  }
0x251: {  	v1 =	vld [tilespmem:$0x14E0];
	_ =	sdelay $0x4  }
0x252: {  	v2 =	vand.u32 $0x7FFFFF, v1  }
0x253: {  	v2 =	vor.u32 $0x3F800000, v2  }
0x254: {  	v3 =	vmul.f32 $5.000000000e-01, v2  }
0x255: {  	vm10 =	vgt.f32 v2, $1.414213540e+00  }
0x256: {  	v2 =	vsel vm10, v3, v2  }
0x257: {  	v3 =	vadd.f32 $1.000000000e+00, v2;
	_ =	sdelay $0x1  }
0x258: {  	(erf) = vrcp.f32 v3;
	_ =	sdelay $0x7  }
0x259: {  	v2 =	vadd.f32 $-1.000000000e+00, v2  }
0x25a: {  	v3 =	vpop (erf)  }
0x25b: {  	v2 =	vmul.f32 v3, v2;
	_ =	sdelay $0x1  }
0x25c: {  	v3 =	vmul.f32 v2, v2;
	_ =	sdelay $0x1  }
0x25d: {  	v52 =	vmul.f32 $1.111111120e-01, v3;
	_ =	sdelay $0x1  }
0x25e: {  	v4 =	vadd.f32 $1.428571490e-01, v52;
	_ =	sdelay $0x1  }
0x25f: {  	v4 =	vmul.f32 v4, v3;
	_ =	sdelay $0x1  }
0x260: {  	v4 =	vadd.f32 $2.000000030e-01, v4  }
0x261: {  	v53 =	vld [tilespmem:$0x11E0]  }
0x262: {  	v4 =	vmul.f32 v4, v3;
	_ =	sdelay $0x1  }
0x263: {  	v4 =	vadd.f32 $3.333333430e-01, v4  }
0x264: {  	v1 =	vshra.s32 v1, $0x17;
	v55 =	vsel vm10, $0xFFFFFF82, v0  }
0x265: {  	v54 =	vshrl.u32 v53, $0x1A;
	v1 =	vadd.s32 v1, v55;
	v3 =	vmul.f32 v4, v3  }
0x266: {  	v1 =	vcvt.s32.f32 v1;
	v4 =	vand.u32 $0x1F, v54  }
0x267: {  	v2 =	vadd.f32 v2, v2;
	vm11 =	vne.s32 v4, $0x0;
	v3 =	vadd.f32 $1.000000000e+00, v3  }
0x268: {  	v4 =	vadd.s32 $0xFFFFFFFF, v4  }
0x269: {  	v1 =	vmul.f32 $6.931471820e-01, v1;
	v2 =	vmul.f32 v3, v2;
	_ =	sdelay $0x1  }
0x26a: {  	v1 =	vadd.f32 v2, v1;
	_ =	sdelay $0x1  }
0x26b: {  	[tilespmem:v4+s31+$0x0] =	vst.idx.add.f32.msk vm11, v1  }
0x26c: {  	v1 =	vld [tilespmem:$0x14F0];
	_ =	sdelay $0x4  }
0x26d: {  	v2 =	vand.u32 $0x7FFFFF, v1  }
0x26e: {  	v2 =	vor.u32 $0x3F800000, v2  }
0x26f: {  	v3 =	vmul.f32 $5.000000000e-01, v2  }
0x270: {  	vm12 =	vgt.f32 v2, $1.414213540e+00  }
0x271: {  	v2 =	vsel vm12, v3, v2  }
0x272: {  	v3 =	vadd.f32 $1.000000000e+00, v2;
	_ =	sdelay $0x1  }
0x273: {  	(erf) = vrcp.f32 v3;
	_ =	sdelay $0x7  }
0x274: {  	v2 =	vadd.f32 $-1.000000000e+00, v2  }
0x275: {  	v3 =	vpop (erf)  }
0x276: {  	v2 =	vmul.f32 v3, v2;
	_ =	sdelay $0x1  }
0x277: {  	v3 =	vmul.f32 v2, v2;
	_ =	sdelay $0x1  }
0x278: {  	v56 =	vmul.f32 $1.111111120e-01, v3;
	_ =	sdelay $0x1  }
0x279: {  	v4 =	vadd.f32 $1.428571490e-01, v56;
	_ =	sdelay $0x1  }
0x27a: {  	v4 =	vmul.f32 v4, v3;
	_ =	sdelay $0x1  }
0x27b: {  	v4 =	vadd.f32 $2.000000030e-01, v4  }
0x27c: {  	v57 =	vld [tilespmem:$0x11F0]  }
0x27d: {  	v4 =	vmul.f32 v4, v3;
	_ =	sdelay $0x1  }
0x27e: {  	v4 =	vadd.f32 $3.333333430e-01, v4  }
0x27f: {  	v1 =	vshra.s32 v1, $0x17;
	v59 =	vsel vm12, $0xFFFFFF82, v0  }
0x280: {  	v58 =	vshrl.u32 v57, $0x1A;
	v1 =	vadd.s32 v1, v59;
	v3 =	vmul.f32 v4, v3  }
0x281: {  	v1 =	vcvt.s32.f32 v1;
	v4 =	vand.u32 $0x1F, v58  }
0x282: {  	v2 =	vadd.f32 v2, v2;
	vm13 =	vne.s32 v4, $0x0;
	v3 =	vadd.f32 $1.000000000e+00, v3  }
0x283: {  	v4 =	vadd.s32 $0xFFFFFFFF, v4  }
0x284: {  	v1 =	vmul.f32 $6.931471820e-01, v1;
	v2 =	vmul.f32 v3, v2;
	_ =	sdelay $0x1  }
0x285: {  	v1 =	vadd.f32 v2, v1;
	_ =	sdelay $0x1  }
0x286: {  	[tilespmem:v4+s31+$0x0] =	vst.idx.add.f32.msk vm13, v1  }
0x287: {  	v1 =	vld [tilespmem:$0x1500];
	_ =	sdelay $0x4  }
0x288: {  	v2 =	vand.u32 $0x7FFFFF, v1  }
0x289: {  	v2 =	vor.u32 $0x3F800000, v2  }
0x28a: {  	v3 =	vmul.f32 $5.000000000e-01, v2  }
0x28b: {  	vm14 =	vgt.f32 v2, $1.414213540e+00  }
0x28c: {  	v2 =	vsel vm14, v3, v2  }
0x28d: {  	v3 =	vadd.f32 $1.000000000e+00, v2;
	_ =	sdelay $0x1  }
0x28e: {  	(erf) = vrcp.f32 v3;
	_ =	sdelay $0x7  }
0x28f: {  	v2 =	vadd.f32 $-1.000000000e+00, v2  }
0x290: {  	v3 =	vpop (erf)  }
0x291: {  	v2 =	vmul.f32 v3, v2;
	_ =	sdelay $0x1  }
0x292: {  	v3 =	vmul.f32 v2, v2;
	_ =	sdelay $0x1  }
0x293: {  	v60 =	vmul.f32 $1.111111120e-01, v3;
	_ =	sdelay $0x1  }
0x294: {  	v4 =	vadd.f32 $1.428571490e-01, v60;
	_ =	sdelay $0x1  }
0x295: {  	v4 =	vmul.f32 v4, v3;
	_ =	sdelay $0x1  }
0x296: {  	v4 =	vadd.f32 $2.000000030e-01, v4  }
0x297: {  	v61 =	vld [tilespmem:$0x1200]  }
0x298: {  	v4 =	vmul.f32 v4, v3;
	_ =	sdelay $0x1  }
0x299: {  	v4 =	vadd.f32 $3.333333430e-01, v4  }
0x29a: {  	v1 =	vshra.s32 v1, $0x17;
	v63 =	vsel vm14, $0xFFFFFF82, v0  }
0x29b: {  	v62 =	vshrl.u32 v61, $0x1A;
	v1 =	vadd.s32 v1, v63;
	v3 =	vmul.f32 v4, v3  }
0x29c: {  	v1 =	vcvt.s32.f32 v1;
	v4 =	vand.u32 $0x1F, v62  }
0x29d: {  	v2 =	vadd.f32 v2, v2;
	vm15 =	vne.s32 v4, $0x0;
	v3 =	vadd.f32 $1.000000000e+00, v3  }
0x29e: {  	v4 =	vadd.s32 $0xFFFFFFFF, v4  }
0x29f: {  	v1 =	vmul.f32 $6.931471820e-01, v1;
	v2 =	vmul.f32 v3, v2;
	_ =	sdelay $0x1  }
0x2a0: {  	v1 =	vadd.f32 v2, v1;
	_ =	sdelay $0x1  }
0x2a1: {  	[tilespmem:v4+s31+$0x0] =	vst.idx.add.f32.msk vm15, v1  }
0x2a2: {  	_ =	strace $0x9000004A  }
0x2a3: {  	s4 =	sadd.s32 s4, s3;
	_ =	strace $0x8000004B  }
0x2a4: {  	[spmem:s4] =	stream.linear.scatter [tilespmem:s31], [sflag:$0x2], $0x80, $0x200038;
	[tilespmem:$0x1F90] =	vst v63  }
0x2a5: {  	p0 =	sne.s32 s2, $0x0;
	s4 =	simm.s32 $0x2  }
.Ltmp1:
0x2a6: {  	_ =	swait.ge [sflag:s4], $0x80;
	(pc) =	sbr.rel @p0 .LBB2_3-.Ltmp1, $3  }
0x2a7: {  	[sflag:s4] =	ssyncset.done $0x0  }
0x2a8: {  	[sflag:s4] =	ssyncadd.s32 $0xFFFFFF80  }
0x2a9: {  	[bflag:$0x0] =	sbarrier.arrive $0xFFFF;
	_ =	sdelay $0x1  }
0x2aa: {  	s5 =	simm.s32 $0x1700  }
0x2ab: {  	[tilespmem:s5], [sflag:$0x2] =	stream.linear.gather [spmem:s3], $0x800, $0x200038;
	[tilespmem:$0x1F90] =	vst v63  }
0x2ac: {  	_ =	swait.ge [sflag:s4], $0x800  }
0x2ad: {  	[sflag:s4] =	ssyncset.done $0x0  }
0x2ae: {  	[sflag:s4] =	ssyncadd.s32 $0xFFFFF800  }
0x2af: {  	v1 =	vld [tilespmem:$0x1700]  }
0x2b0: {  	v2 =	vld [tilespmem:$0x1780];
	_ =	sdelay $0x1  }
0x2b1: {  	v3 =	vld [tilespmem:$0x1800];
	_ =	sdelay $0x1  }
0x2b2: {  	v4 =	vld [tilespmem:$0x1880]  }
0x2b3: {  	v1 =	vadd.f32 v2, v1  }
0x2b4: {  	v48 =	vld [tilespmem:$0x1900]  }
0x2b5: {  	v1 =	vadd.f32 v3, v1  }
0x2b6: {  	v49 =	vld [tilespmem:$0x1980]  }
0x2b7: {  	v1 =	vadd.f32 v4, v1  }
0x2b8: {  	v50 =	vld [tilespmem:$0x1A00]  }
0x2b9: {  	v1 =	vadd.f32 v48, v1  }
0x2ba: {  	v51 =	vld [tilespmem:$0x1A80]  }
0x2bb: {  	v1 =	vadd.f32 v49, v1  }
0x2bc: {  	v52 =	vld [tilespmem:$0x1B00]  }
0x2bd: {  	v1 =	vadd.f32 v50, v1  }
0x2be: {  	v53 =	vld [tilespmem:$0x1B80]  }
0x2bf: {  	v1 =	vadd.f32 v51, v1  }
0x2c0: {  	v54 =	vld [tilespmem:$0x1C00]  }
0x2c1: {  	v1 =	vadd.f32 v52, v1  }
0x2c2: {  	v55 =	vld [tilespmem:$0x1C80]  }
0x2c3: {  	v1 =	vadd.f32 v53, v1  }
0x2c4: {  	v56 =	vld [tilespmem:$0x1D00]  }
0x2c5: {  	v1 =	vadd.f32 v54, v1  }
0x2c6: {  	v57 =	vld [tilespmem:$0x1D80]  }
0x2c7: {  	v1 =	vadd.f32 v55, v1  }
0x2c8: {  	v58 =	vld [tilespmem:$0x1E00]  }
0x2c9: {  	v1 =	vadd.f32 v56, v1  }
0x2ca: {  	v59 =	vld [tilespmem:$0x1E80]  }
0x2cb: {  	v1 =	vadd.f32 v57, v1;
	_ =	sdelay $0x1  }
0x2cc: {  	v1 =	vadd.f32 v58, v1;
	_ =	sdelay $0x1  }
0x2cd: {  	v1 =	vadd.f32 v59, v1;
	_ =	sdelay $0x1  }
0x2ce: {  	(xrf0) =	vmax.scan.msk.f32 $0xffff, v1;
	_ =	sdelay $0x5  }
0x2cf: {  	v60, _, _ =	vpop (xrf0)  }
0x2d0: {  	v2 =	vbroadcast v60, $0xF;
	_ =	sdelay $0x1  }
0x2d1: {  	v1 =	vsub.f32 v1, v2;
	_ =	sdelay $0x1  }
0x2d2: {  	v1 =	vmul.f32 $1.442695020e+00, v1;
	_ =	sdelay $0x1  }
0x2d3: {  	(erf) = vpow2.f32 v1;
	_ =	sdelay $0x8  }
0x2d4: {  	v1 =	vpop (erf)  }
0x2d5: {  	(xrf2) =	vadd.scan.msk.f32 $0xffff, v1;
	_ =	sdelay $0x9  }
0x2d6: {  	v1, _, _ =	vpop (xrf2)  }
0x2d7: {  	v1 =	vbroadcast v1, $0xF;
	_ =	sdelay $0x1  }
0x2d8: {  	v61 =	vand.u32 $0x7FFFFF, v1  }
0x2d9: {  	v3 =	vor.u32 $0x3F800000, v61  }
0x2da: {  	v62 =	vmul.f32 $5.000000000e-01, v3  }
0x2db: {  	vm0 =	vgt.f32 v3, $1.414213540e+00  }
0x2dc: {  	v3 =	vsel vm0, v62, v3  }
0x2dd: {  	v4 =	vadd.f32 $1.000000000e+00, v3;
	_ =	sdelay $0x1  }
0x2de: {  	(erf) = vrcp.f32 v4;
	_ =	sdelay $0x7  }
0x2df: {  	v3 =	vadd.f32 $-1.000000000e+00, v3  }
0x2e0: {  	v4 =	vpop (erf)  }
0x2e1: {  	v3 =	vmul.f32 v4, v3;
	_ =	sdelay $0x1  }
0x2e2: {  	v4 =	vmul.f32 v3, v3;
	_ =	sdelay $0x1  }
0x2e3: {  	v5 =	vmul.f32 $1.111111120e-01, v4;
	_ =	sdelay $0x1  }
0x2e4: {  	v5 =	vadd.f32 $1.428571490e-01, v5;
	_ =	sdelay $0x1  }
0x2e5: {  	v5 =	vmul.f32 v5, v4;
	_ =	sdelay $0x1  }
0x2e6: {  	v5 =	vadd.f32 $2.000000030e-01, v5;
	_ =	sdelay $0x1  }
0x2e7: {  	v5 =	vmul.f32 v5, v4;
	_ =	sdelay $0x1  }
0x2e8: {  	v5 =	vadd.f32 $3.333333430e-01, v5;
	_ =	sdelay $0x1  }
0x2e9: {  	v1 =	vshra.s32 v1, $0x17;
	v0 =	vsel vm0, $0xFFFFFF82, v0;
	v4 =	vmul.f32 v5, v4  }
0x2ea: {  	v0 =	vadd.s32 v1, v0  }
0x2eb: {  	v0 =	vcvt.s32.f32 v0;
	v3 =	vadd.f32 v3, v3;
	v63 =	vadd.f32 $1.000000000e+00, v4;
	_ =	sdelay $0x1  }
0x2ec: {  	v0 =	vmul.f32 $6.931471820e-01, v0;
	v1 =	vmul.f32 v63, v3;
	_ =	sdelay $0x1  }
0x2ed: {  	v0 =	vadd.f32 v1, v0;
	_ =	sdelay $0x1  }
0x2ee: {  	v0 =	vadd.f32 v0, v2;
	_ =	sdelay $0x1  }
0x2ef: {  	v0 =	vsub.f32 $0.0e+00, v0;
	_ =	sdelay $0x1  }
0x2f0: {  	s30 =	simm.s32 $0x0;
	s31 =	simm.s32 $0x1F00;
	[tilespmem:$0x1F00] =	vst v0  }
0x2f1: {  	[hbm4b:s1+s30] =	stream.linear.scatter [tilespmem:s31], [sflag:$0x2], $0x80, $0x200038;
	[tilespmem:$0x1F90] =	vst v63  }
0x2f2: {  	_ =	swait.ge [sflag:s4], $0x80  }
0x2f3: {  	[sflag:s4] =	ssyncset.done $0x0  }
0x2f4: {  	[sflag:s4] =	ssyncadd.s32 $0xFFFFFF80  }
.LBB2_3:
0x2f5: {  	_ =	strace $0x9000004B  }
.LBB2_4:
0x2f6: {  	_ =	sfence.sel $0x180000  }
0x2f7: {  	[bflag:$0x0] =	sbarrier.arrive $0xFFFF  }
0x2f8: {  	p0 =	sne.s32 s2, $0x0;
	_ =	strace $0x90000047  }
0x2f9: {  	s0 =	sadd.s32 @!p0 $0x100000, s0;
	[bflag:$0x2] =	sbarrier.arrive $0xFFFF  }
0x2fa: {  	[sflag:s0] =	ssyncadd.tile.s32 @!p0 $0x1;
	_ =	shalt  }
.Lfunc_end2:
_tile_overlayer_lowered:
.L_overlay_start_2:
0x2fb: {  	(tag) =	ssettag $0x2  }
0x2fc: {  	s0 =	rddreg [dreg:$0x0];
	s2 =	stileid.u32  }
0x2fd: {  	s1 =	rddreg [dreg:$0x1];
	p0 =	sne.s32 s2, $0x0  }
0x2fe: {  	s3 =	rddreg [dreg:$0x2];
	[bflag:$0x3] =	sbarrier.arrive $0xFFFF;
	s2 =	simm.s32 @!p0 $0x1C02  }
0x2ff: {  	[timem:s3], [sflag:s2] =	dma.local @!p0 [hbm:s0], s1  }
0x300: {  	s0 =	simm.s32 @!p0 $0x2  }
0x301: {  	_ =	swait.ge @!p0 [sflag:s0], s1  }
0x302: {  	s1 =	ssub.s32 @!p0 $0x0, s1;
	[sflag:s0] =	ssyncset.done @!p0 $0x0  }
0x303: {  	[sflag:s0] =	ssyncadd.s32 @!p0 s1  }
0x304: {  	[bflag:$0x3] =	sbarrier.arrive $0xFFFF  }
0x305: {  	_ =	shalt  }

</sc_bundles>
